<compile_context>
chip_gen: v7x
topology: tpu7x:2x2x1
jax: 0.10.2.dev20260603
libtpu: 0.0.44.dev20260713+nightly
codegen_flags: <defaults>
</compile_context>

<pallas_src>
import jax
import jax.numpy as jnp
from jax import lax
from jax.experimental import pallas as pl
from jax.experimental.pallas import tpu as pltpu
from jax.experimental.pallas import tpu_sc as plsc

NC = 2
NS = 16
NW = NC * NS

_N = 100000
_K = 8
_E = 3200000
_CH = 2000
_Q = _E // _CH // NW
_NGRP = _E // _CH
_NH = 102400
_HS = _NH // NS
_NP = 100096
_SR = _NP // NS
_NSR = _N // NS

_mesh = plsc.VectorSubcoreMesh(
    core_axis_name="c", subcore_axis_name="s", num_cores=NC, num_subcores=NS
)


def _grp_range(wid):
  g0 = (_NGRP * wid) // NW
  g1 = (_NGRP * (wid + 1)) // NW
  return g0, g1


def _hist_body(hei, out, hv, he, zbuf, onesb,
               nb0, nb1, nb2, nb3, eb0, eb1, eb2, eb3,
               sn0, sn1, sn2, sn3, se0, se1, se2, se3,
               shv0, shv1, she0, she1):
  c = lax.axis_index("c")
  s = lax.axis_index("s")
  wid = c * NS + s
  nbufs = [nb0, nb1, nb2, nb3]
  ebufs = [eb0, eb1, eb2, eb3]
  sns = [sn0, sn1, sn2, sn3]
  ses = [se0, se1, se2, se3]
  shv = [shv0, shv1]
  she = [she0, she1]

  def zero_zbuf(i, carry):
    zbuf[pl.ds(i * 16, 16)] = jnp.zeros((16,), jnp.float32)
    return carry

  lax.fori_loop(0, _HS // 16, zero_zbuf, 0)

  def fill_ones(i, carry):
    onesb[pl.ds(i * 16, 16)] = jnp.ones((16,), jnp.float32)
    return carry

  lax.fori_loop(0, _CH // 16, fill_ones, 0)
  pltpu.sync_copy(zbuf, hv.at[pl.ds(s * _HS, _HS)])
  pltpu.sync_copy(zbuf, he.at[pl.ds(s * _HS, _HS)])
  plsc.subcore_barrier()

  q0, q1 = _grp_range(wid)
  n = q1 - q0

  def start_idx(i, u):
    pltpu.async_copy(hei.at[pl.ds(i * _CH, _CH)], nbufs[u], sns[u])
    pltpu.async_copy(hei.at[pl.ds(_E + i * _CH, _CH)], ebufs[u], ses[u])

  for u in range(2):
    @pl.when(q0 + u < q1)
    def _():
      start_idx(q0 + u, u)

  def outer(m, carry):
    for u in range(4):
      i = q0 + m * 4 + u

      @pl.when(i < q1)
      def _():
        p = u % 2

        @pl.when(i - 2 >= q0)
        def _():
          pltpu.make_async_copy(onesb, hv.at[nbufs[(u + 2) % 4]], shv[p]).wait()
          pltpu.make_async_copy(onesb, he.at[ebufs[(u + 2) % 4]], she[p]).wait()

        @pl.when(i + 2 < q1)
        def _():
          start_idx(i + 2, (u + 2) % 4)

        pltpu.make_async_copy(hei.at[pl.ds(i * _CH, _CH)], nbufs[u], sns[u]).wait()
        pltpu.make_async_copy(hei.at[pl.ds(_E + i * _CH, _CH)], ebufs[u], ses[u]).wait()
        pltpu.async_copy(onesb, hv.at[nbufs[u]], shv[p], add=True)
        pltpu.async_copy(onesb, he.at[ebufs[u]], she[p], add=True)

    return carry

  lax.fori_loop(0, (n + 3) // 4, outer, 0)
  for p in range(2):
    @pl.when(n > p)
    def _():
      pltpu.make_async_copy(onesb, hv.at[nbufs[p]], shv[p]).wait()
      pltpu.make_async_copy(onesb, he.at[ebufs[p]], she[p]).wait()

  plsc.subcore_barrier()
  base = c * (2 * _NH)
  pltpu.sync_copy(hv.at[pl.ds(s * _HS, _HS)], out.at[pl.ds(base + s * _HS, _HS)])
  pltpu.sync_copy(
      he.at[pl.ds(s * _HS, _HS)], out.at[pl.ds(base + _NH + s * _HS, _HS)]
  )


_hist_call = pl.kernel(
    _hist_body,
    out_type=jax.ShapeDtypeStruct((NC * 2 * _NH,), jnp.float32),
    mesh=_mesh,
    scratch_types=[
        pltpu.VMEM_SHARED((_NH,), jnp.float32),
        pltpu.VMEM_SHARED((_NH,), jnp.float32),
        pltpu.VMEM((_HS,), jnp.float32),
        pltpu.VMEM((_CH,), jnp.float32),
    ]
    + [pltpu.VMEM((_CH,), jnp.int32)] * 8
    + [pltpu.SemaphoreType.DMA] * 12,
    compiler_params=pltpu.CompilerParams(use_tc_tiling_on_sc=False),
)


def _scatter_body(hei, norm, zer, out, S,
                  nb0, nb1, nb2, nb3, eb0, eb1, eb2, eb3, rows0, rows1,
                  sn0, sn1, sn2, sn3, se0, se1, se2, se3,
                  sg0, sg1, ss0, ss1):
  c = lax.axis_index("c")
  s = lax.axis_index("s")
  wid = c * NS + s
  nbufs = [nb0, nb1, nb2, nb3]
  ebufs = [eb0, eb1, eb2, eb3]
  rows = [rows0, rows1]
  sns = [sn0, sn1, sn2, sn3]
  ses = [se0, se1, se2, se3]
  sg = [sg0, sg1]
  ss = [ss0, ss1]

  pltpu.sync_copy(zer, S.at[pl.ds(s * _SR, _SR), :])
  plsc.subcore_barrier()

  q0 = wid * _Q

  def start_idx(i, u):
    pltpu.async_copy(hei.at[pl.ds(i * _CH, _CH)], nbufs[u], sns[u])
    pltpu.async_copy(hei.at[pl.ds(_E + i * _CH, _CH)], ebufs[u], ses[u])

  for u in range(2):
    start_idx(q0 + u, u)

  def step(t, u):
    i = q0 + t
    p = u % 2
    um = (u + 3) % 4
    pm = (p + 1) % 2

    @pl.when(t >= 2)
    def _():
      pltpu.make_async_copy(rows[p], S.at[ebufs[(u + 2) % 4]], ss[p]).wait()

    @pl.when(t + 2 < _Q)
    def _():
      start_idx(i + 2, (u + 2) % 4)

    pltpu.make_async_copy(hei.at[pl.ds(i * _CH, _CH)], nbufs[u], sns[u]).wait()
    pltpu.async_copy(norm.at[nbufs[u]], rows[p], sg[p])

    @pl.when(t >= 1)
    def _():
      pltpu.make_async_copy(norm.at[nbufs[um]], rows[pm], sg[pm]).wait()
      pltpu.make_async_copy(
          hei.at[pl.ds(_E + (i - 1) * _CH, _CH)], ebufs[um], ses[um]
      ).wait()
      pltpu.async_copy(rows[pm], S.at[ebufs[um]], ss[pm], add=True)

  def outer(m, carry):
    for j in range(4):
      step(m * 4 + j, j)
    return carry

  lax.fori_loop(0, _Q // 4, outer, 0)
  for j in range(_Q % 4):
    step(jnp.int32((_Q // 4) * 4 + j), j)

  uL = (_Q - 1) % 4
  pL = uL % 2
  pltpu.make_async_copy(norm.at[nbufs[uL]], rows[pL], sg[pL]).wait()
  pltpu.make_async_copy(
      hei.at[pl.ds(_E + (q0 + _Q - 1) * _CH, _CH)], ebufs[uL], ses[uL]
  ).wait()
  pltpu.async_copy(rows[pL], S.at[ebufs[uL]], ss[pL], add=True)
  pltpu.make_async_copy(rows[0], S.at[ebufs[0]], ss[0]).wait()
  pltpu.make_async_copy(rows[1], S.at[ebufs[1]], ss[1]).wait()

  plsc.subcore_barrier()
  pltpu.sync_copy(
      S.at[pl.ds(s * _SR, _SR), :], out.at[c, pl.ds(s * _SR, _SR), :]
  )


_scatter_call = pl.kernel(
    _scatter_body,
    out_type=jax.ShapeDtypeStruct((NC, _NP, _K), jnp.float32),
    mesh=_mesh,
    scratch_types=[
        pltpu.VMEM_SHARED((_NP, _K), jnp.float32),
    ]
    + [pltpu.VMEM((_CH,), jnp.int32)] * 8
    + [pltpu.VMEM((_CH, _K), jnp.float32)] * 2
    + [pltpu.SemaphoreType.DMA] * 12,
    compiler_params=pltpu.CompilerParams(use_tc_tiling_on_sc=False),
)

_NR = _N // 16
_NR2 = _NP // 16


def _lane_repeat_mat():
  li = lax.broadcasted_iota(jnp.int32, (16, 128), 1)
  ri = lax.broadcasted_iota(jnp.int32, (16, 128), 0)
  return (li // 8 == ri).astype(jnp.float32)


def _lane_fold_mat():
  li = lax.broadcasted_iota(jnp.int32, (128, 8), 0)
  ci = lax.broadcasted_iota(jnp.int32, (128, 8), 1)
  return (li % 8 == ci).astype(jnp.float32)


_HR = _NH // 16


def _norm_body(hist2, z2, norm_o, dvc_o, dei_o):
  dv = hist2[0 * _HR : 0 * _HR + _NR] + hist2[2 * _HR : 2 * _HR + _NR]
  de = hist2[1 * _HR : 1 * _HR + _NR] + hist2[3 * _HR : 3 * _HR + _NR]
  dvc = jnp.maximum(dv, 1e-06)
  dec = jnp.maximum(de, 1e-06)
  dvc_o[...] = dvc
  dei_o[...] = 1.0 / dec
  dvis = lax.rsqrt(dvc)
  rep = jnp.dot(dvis, _lane_repeat_mat(), preferred_element_type=jnp.float32)
  norm_o[...] = z2[...] * rep


_norm_call = pl.pallas_call(
    _norm_body,
    out_shape=[
        jax.ShapeDtypeStruct((_NR, 128), jnp.float32),
        jax.ShapeDtypeStruct((_NR, 16), jnp.float32),
        jax.ShapeDtypeStruct((_NR, 16), jnp.float32),
    ],
)


def _final_body(sp2, z2, dvc, dei, out):
  s2 = sp2[0, : _NR] + sp2[1, : _NR]
  rep = _lane_repeat_mat()
  dei_rep = jnp.dot(dei[...], rep, preferred_element_type=jnp.float32)
  dvc_rep = jnp.dot(dvc[...], rep, preferred_element_type=jnp.float32)
  z = z2[...]
  t128 = jnp.sum(s2 * s2 * dei_rep, axis=0, keepdims=True)
  f128 = jnp.sum(z * z * dvc_rep, axis=0, keepdims=True)
  fold = _lane_fold_mat()
  theta = jnp.dot(t128, fold, preferred_element_type=jnp.float32)
  fdvf = jnp.maximum(
      jnp.dot(f128, fold, preferred_element_type=jnp.float32), 1e-06
  )
  rq = 1.0 - theta / fdvf
  rq = jnp.where(jnp.isnan(rq) | jnp.isinf(rq), 0.0, rq)
  rayleigh = jnp.sum(rq) / _K
  colmask = lax.broadcasted_iota(jnp.int32, (_NR, 128), 1) % 8 == 0
  posm = colmask & (z > 0.0)
  negm = colmask & (z < 0.0)
  ps = jnp.sum(jnp.where(posm, z, 0.0))
  ns = jnp.sum(jnp.where(negm, z, 0.0))
  pc = jnp.sum(posm.astype(jnp.float32))
  nc = jnp.sum(negm.astype(jnp.float32))
  pos_mean = ps / jnp.maximum(pc, 1.0)
  neg_mean = ns / jnp.maximum(nc, 1.0)
  separation = jnp.abs(pos_mean - neg_mean)
  penalty = jnp.where((pc == 0.0) | (nc == 0.0), 1.0, 1.0 / (separation + 1e-06))
  out[0, 0] = rayleigh + 0.1 * penalty


_final_call = pl.pallas_call(
    _final_body,
    out_specs=pl.BlockSpec(memory_space=pltpu.SMEM),
    out_shape=jax.ShapeDtypeStruct((1, 1), jnp.float32),
)


@jax.jit
def _run(Z, hyperedge_index):
  hei1 = hyperedge_index.reshape(2 * _E)
  hist2 = _hist_call(hei1).reshape(NC * 2 * _NH // 16, 16)
  z2 = Z.reshape(_NR, 128)
  norm2, dvc, dei = _norm_call(hist2, z2)
  norm = norm2.reshape(_N, _K)
  zeros_nk = jnp.zeros((_SR, _K), jnp.float32)
  sp = _scatter_call(hei1, norm, zeros_nk)
  sp2 = sp.reshape(NC, _NR2, 128)
  out = _final_call(sp2, z2, dvc, dei)
  return out[0, 0]


def kernel(Z, hyperedge_index, num_nodes):
  return _run(Z, hyperedge_index) + 0.0 * jnp.asarray(num_nodes, jnp.float32)

# --- scband reference (transcript-rebuilt; emitter-appended) ---
"""Pipeline reference for scband-hypergraph-rayleigh-quotient-loss-generalized-63745904607410 (READ-ONLY COPY).

The authoritative reference and input builder live on the scoring server;
editing this copy changes nothing except your own understanding.
"""

import jax, jax.numpy as jnp
import numpy as np


def setup_inputs(seed: int = 0) -> dict:
    key = jax.random.key(seed)
    k1, k2 = jax.random.split(key)
    num_nodes = 100000
    E = 3200000
    k = 8
    Z = jax.random.normal(k1, (num_nodes, k), dtype=jnp.float32)
    # row 0 = node indices, row 1 = hyperedge indices (both < num_nodes here)
    hyperedge_index = jax.random.randint(k2, (2, E), 0, num_nodes, dtype=jnp.int32)
    return {"Z": Z, "hyperedge_index": hyperedge_index, "num_nodes": num_nodes}


def _forward(Z, node_idx, edge_idx, num_nodes, num_hyperedges):
    E = node_idx.shape[0]
    ones_e = jnp.ones((E,), dtype=jnp.float32)
    # degree computations via scatter-add (segment_sum)
    Dv = jax.ops.segment_sum(ones_e, node_idx, num_segments=num_nodes)
    De = jax.ops.segment_sum(ones_e, edge_idx, num_segments=num_hyperedges)
    eps_deg = 1e-06
    Dv = jnp.clip(Dv, eps_deg, None)
    De = jnp.clip(De, eps_deg, None)
    Dv_inv_sqrt = jnp.power(Dv, -0.5)
    hyperedge_weight = jnp.ones((num_hyperedges,), dtype=jnp.float32)
    # normalized_f = D_v^{-1/2} f  (all k columns at once; faithful to per-column loop)
    normalized = Z * Dv_inv_sqrt[:, None]            # [N, k]
    gathered = jnp.take(normalized, node_idx, axis=0)  # [E, k] gather
    S = jax.ops.segment_sum(gathered, edge_idx, num_segments=num_hyperedges)  # [H, k] scatter-add
    # f^T Theta f = sum_e w_e / delta_e * (sum_{u in e} Dv^{-1/2}[u] f[u])^2, per column
    theta = jnp.sum(hyperedge_weight[:, None] * S * S / De[:, None], axis=0)  # [k]
    f_Dv_f = jnp.sum(Z * Z * Dv[:, None], axis=0)  # [k]
    eps = 1e-06
    f_Dv_f_safe = jnp.clip(f_Dv_f, eps, None)
    rq = 1.0 - theta / f_Dv_f_safe
    rq = jnp.where(jnp.isnan(rq) | jnp.isinf(rq), 0.0, rq)
    rayleigh_loss = jnp.mean(rq)
    # fiedler separation penalty
    fiedler = Z[:, 0]
    pos = fiedler > 0
    neg = fiedler < 0
    pos_cnt = jnp.sum(pos).astype(jnp.float32)
    neg_cnt = jnp.sum(neg).astype(jnp.float32)
    pos_mean = jnp.sum(jnp.where(pos, fiedler, 0.0)) / jnp.maximum(pos_cnt, 1.0)
    neg_mean = jnp.sum(jnp.where(neg, fiedler, 0.0)) / jnp.maximum(neg_cnt, 1.0)
    separation = jnp.abs(pos_mean - neg_mean)
    penalty = jnp.where((pos_cnt == 0) | (neg_cnt == 0), 1.0, 1.0 / (separation + 1e-06))
    # contrastive loss = 0 (no hint_partition / cut_size_func); kl = 0 (no mu/logvar)
    lambda_separation = 0.1
    return rayleigh_loss + lambda_separation * penalty


def reference(Z, hyperedge_index, num_nodes):
    node_idx = hyperedge_index[0]
    edge_idx = hyperedge_index[1]
    num_nodes_static = Z.shape[0]
    num_hyperedges = num_nodes_static
    out = _forward(Z, node_idx, edge_idx, num_nodes_static, num_hyperedges)
    return out + 0.0 * jnp.asarray(num_nodes, dtype=jnp.float32)

if __name__ == "__main__":
    import jax
    _d = setup_inputs()
    print(jax.jit(kernel)(*tuple(_d.values())))

</pallas_src>

<mosaic_0001>
#map = affine_map<(d0, d1) -> (0)>
#map1 = affine_map<(d0, d1) -> (0, 0)>
#map2 = affine_map<(d0, d1) -> (0, 0, 0)>
module attributes {stable_mosaic.version = 14 : i64} {
  func.func @_scatter_body(%arg0: i32, %arg1: i32, %arg2: memref<6400000xi32, #tpu.memory_space<hbm>>, %arg3: memref<100000x8xf32, #tpu.memory_space<hbm>>, %arg4: memref<6256x8xf32, #tpu.memory_space<hbm>>, %arg5: memref<2x100096x8xf32, #tpu.memory_space<hbm>>, %arg6: memref<100096x8xf32, #tpu.memory_space<vmem_shared>>, %arg7: memref<2000xi32, #tpu.memory_space<vmem>>, %arg8: memref<2000xi32, #tpu.memory_space<vmem>>, %arg9: memref<2000xi32, #tpu.memory_space<vmem>>, %arg10: memref<2000xi32, #tpu.memory_space<vmem>>, %arg11: memref<2000xi32, #tpu.memory_space<vmem>>, %arg12: memref<2000xi32, #tpu.memory_space<vmem>>, %arg13: memref<2000xi32, #tpu.memory_space<vmem>>, %arg14: memref<2000xi32, #tpu.memory_space<vmem>>, %arg15: memref<2000x8xf32, #tpu.memory_space<vmem>>, %arg16: memref<2000x8xf32, #tpu.memory_space<vmem>>, %arg17: memref<!tpu.dma_semaphore, #tpu.memory_space<semaphore_mem>>, %arg18: memref<!tpu.dma_semaphore, #tpu.memory_space<semaphore_mem>>, %arg19: memref<!tpu.dma_semaphore, #tpu.memory_space<semaphore_mem>>, %arg20: memref<!tpu.dma_semaphore, #tpu.memory_space<semaphore_mem>>, %arg21: memref<!tpu.dma_semaphore, #tpu.memory_space<semaphore_mem>>, %arg22: memref<!tpu.dma_semaphore, #tpu.memory_space<semaphore_mem>>, %arg23: memref<!tpu.dma_semaphore, #tpu.memory_space<semaphore_mem>>, %arg24: memref<!tpu.dma_semaphore, #tpu.memory_space<semaphore_mem>>, %arg25: memref<!tpu.dma_semaphore, #tpu.memory_space<semaphore_mem>>, %arg26: memref<!tpu.dma_semaphore, #tpu.memory_space<semaphore_mem>>, %arg27: memref<!tpu.dma_semaphore, #tpu.memory_space<semaphore_mem>>, %arg28: memref<!tpu.dma_semaphore, #tpu.memory_space<semaphore_mem>>) attributes {dimension_semantics = [#tpu.dimension_semantics<core_parallel>, #tpu.dimension_semantics<subcore_parallel>], iteration_bounds = array<i64: 2, 16>, scalar_prefetch = 0 : i64, scratch_operands = 23 : i64, tpu.core_type = #tpu.core_type<sc_vector_subcore>, window_params = [{transform_indices = #map}, {transform_indices = #map1}, {transform_indices = #map1}, {transform_indices = #map2}]} {
    %mul3A = arith.constant 16 : i32
    %mul3A_0 = arith.muli %arg0, %mul3A : i32
    %add3A = arith.addi %mul3A_0, %arg1 : i32
    %mul3A_1 = arith.constant 6256 : i32
    %mul3A_2 = arith.muli %arg1, %mul3A_1 : i32
    "tpu.region"() ({
      %run_scoped3A = tpu.sem_alloc : memref<!tpu.dma_semaphore, #tpu.memory_space<semaphore_mem>>
      %dma_start3A_112 = arith.constant 0 : i32
      %dma_start3A_113 = tpu.memref_slice %arg6[%mul3A_2, %dma_start3A_112] : memref<100096x8xf32, #tpu.memory_space<vmem_shared>> -> memref<6256x8xf32, #tpu.memory_space<vmem_shared>>
      tpu.enqueue_dma source(%arg4 : memref<6256x8xf32, #tpu.memory_space<hbm>>) target(%dma_start3A_113 : memref<6256x8xf32, #tpu.memory_space<vmem_shared>>) target_semaphore(%run_scoped3A : memref<!tpu.dma_semaphore, #tpu.memory_space<semaphore_mem>>)
      %dma_wait3A_114 = arith.constant 0 : i32
      %dma_wait3A_115 = tpu.memref_slice %arg6[%mul3A_2, %dma_wait3A_114] : memref<100096x8xf32, #tpu.memory_space<vmem_shared>> -> memref<6256x8xf32, #tpu.memory_space<vmem_shared>>
      tpu.wait_dma2 semaphore(%run_scoped3A : memref<!tpu.dma_semaphore, #tpu.memory_space<semaphore_mem>>) src(%arg4 : memref<6256x8xf32, #tpu.memory_space<hbm>>) dst(%dma_wait3A_115 : memref<6256x8xf32, #tpu.memory_space<vmem_shared>>)
      tpu.yield
    }) : () -> ()
    %barrier3A = arith.constant 0 : index
    tpu.barrier barrier_id(%barrier3A)
    %mul3A_3 = arith.constant 50 : i32
    %mul3A_4 = arith.muli %add3A, %mul3A_3 : i32
    %add3A_5 = arith.constant 0 : i32
    %add3A_6 = arith.addi %mul3A_4, %add3A_5 : i32
    %mul3A_7 = arith.constant 2000 : i32
    %mul3A_8 = arith.muli %add3A_6, %mul3A_7 : i32
    %dma_start3A = tpu.memref_slice %arg2[%mul3A_8] : memref<6400000xi32, #tpu.memory_space<hbm>> -> memref<2000xi32, #tpu.memory_space<hbm>>
    %dma_start3A_9 = tpu.memref_slice %arg2[%mul3A_8] : memref<6400000xi32, #tpu.memory_space<hbm>> -> memref<2000xi32, #tpu.memory_space<hbm>>
    tpu.enqueue_dma source(%dma_start3A_9 : memref<2000xi32, #tpu.memory_space<hbm>>) target(%arg7 : memref<2000xi32, #tpu.memory_space<vmem>>) target_semaphore(%arg17 : memref<!tpu.dma_semaphore, #tpu.memory_space<semaphore_mem>>)
    %mul3A_10 = arith.constant 2000 : i32
    %mul3A_11 = arith.muli %add3A_6, %mul3A_10 : i32
    %add3A_12 = arith.constant 3200000 : i32
    %add3A_13 = arith.addi %add3A_12, %mul3A_11 : i32
    %dma_start3A_14 = tpu.memref_slice %arg2[%add3A_13] : memref<6400000xi32, #tpu.memory_space<hbm>> -> memref<2000xi32, #tpu.memory_space<hbm>>
    %dma_start3A_15 = tpu.memref_slice %arg2[%add3A_13] : memref<6400000xi32, #tpu.memory_space<hbm>> -> memref<2000xi32, #tpu.memory_space<hbm>>
    tpu.enqueue_dma source(%dma_start3A_15 : memref<2000xi32, #tpu.memory_space<hbm>>) target(%arg11 : memref<2000xi32, #tpu.memory_space<vmem>>) target_semaphore(%arg21 : memref<!tpu.dma_semaphore, #tpu.memory_space<semaphore_mem>>)
    %add3A_16 = arith.constant 1 : i32
    %add3A_17 = arith.addi %mul3A_4, %add3A_16 : i32
    %mul3A_18 = arith.constant 2000 : i32
    %mul3A_19 = arith.muli %add3A_17, %mul3A_18 : i32
    %dma_start3A_20 = tpu.memref_slice %arg2[%mul3A_19] : memref<6400000xi32, #tpu.memory_space<hbm>> -> memref<2000xi32, #tpu.memory_space<hbm>>
    %dma_start3A_21 = tpu.memref_slice %arg2[%mul3A_19] : memref<6400000xi32, #tpu.memory_space<hbm>> -> memref<2000xi32, #tpu.memory_space<hbm>>
    tpu.enqueue_dma source(%dma_start3A_21 : memref<2000xi32, #tpu.memory_space<hbm>>) target(%arg8 : memref<2000xi32, #tpu.memory_space<vmem>>) target_semaphore(%arg18 : memref<!tpu.dma_semaphore, #tpu.memory_space<semaphore_mem>>)
    %mul3A_22 = arith.constant 2000 : i32
    %mul3A_23 = arith.muli %add3A_17, %mul3A_22 : i32
    %add3A_24 = arith.constant 3200000 : i32
    %add3A_25 = arith.addi %add3A_24, %mul3A_23 : i32
    %dma_start3A_26 = tpu.memref_slice %arg2[%add3A_25] : memref<6400000xi32, #tpu.memory_space<hbm>> -> memref<2000xi32, #tpu.memory_space<hbm>>
    %dma_start3A_27 = tpu.memref_slice %arg2[%add3A_25] : memref<6400000xi32, #tpu.memory_space<hbm>> -> memref<2000xi32, #tpu.memory_space<hbm>>
    tpu.enqueue_dma source(%dma_start3A_27 : memref<2000xi32, #tpu.memory_space<hbm>>) target(%arg12 : memref<2000xi32, #tpu.memory_space<vmem>>) target_semaphore(%arg22 : memref<!tpu.dma_semaphore, #tpu.memory_space<semaphore_mem>>)
    %scan3A = arith.constant 0 : i32
    %scan3A_28 = arith.constant 0 : i32
    %scan3A_29 = arith.constant 12 : i32
    %scan3A_30 = arith.addi %scan3A_28, %scan3A_29 : i32
    %scan3A_31 = arith.constant 1 : i32
    scf.for %scan3A_112 = %scan3A_28 to %scan3A_30 step %scan3A_31  : i32 {
      %mul3A_113 = arith.constant 4 : i32
      %mul3A_114 = arith.muli %scan3A_112, %mul3A_113 : i32
      %add3A_115 = arith.constant 0 : i32
      %add3A_116 = arith.addi %mul3A_114, %add3A_115 : i32
      %add3A_117 = arith.addi %mul3A_4, %add3A_116 : i32
      %ge3A_118 = arith.constant 2 : i32
      %ge3A_119 = arith.cmpi sge, %add3A_116, %ge3A_118 : i32
      %convert_element_type3A_120 = arith.extui %ge3A_119 : i1 to i32
      %cond3A_121 = arith.constant 0 : i32
      %cond3A_122 = arith.cmpi ne, %convert_element_type3A_120, %cond3A_121 : i32
      scf.if %cond3A_122 {
        %dma_wait3A_229 = arith.constant 0 : i32
        %dma_wait3A_230 = arith.constant 0 : i32
        %dma_wait3A_231 = tpu.memref_slice %arg6[%dma_wait3A_229, %dma_wait3A_230] : memref<100096x8xf32, #tpu.memory_space<vmem_shared>> -> memref<100096x8xf32, #tpu.memory_space<vmem_shared>>
        tpu.wait_indirect_dma semaphore(%arg27 : memref<!tpu.dma_semaphore, #tpu.memory_space<semaphore_mem>>) src(%arg15 : memref<2000x8xf32, #tpu.memory_space<vmem>>) dst(%dma_wait3A_231 : memref<100096x8xf32, #tpu.memory_space<vmem_shared>>)
      } else {
      }
      %add3A_123 = arith.constant 2 : i32
      %add3A_124 = arith.addi %add3A_116, %add3A_123 : i32
      %lt3A_125 = arith.constant 50 : i32
      %lt3A_126 = arith.cmpi slt, %add3A_124, %lt3A_125 : i32
      %convert_element_type3A_127 = arith.extui %lt3A_126 : i1 to i32
      %cond3A_128 = arith.constant 0 : i32
      %cond3A_129 = arith.cmpi ne, %convert_element_type3A_127, %cond3A_128 : i32
      scf.if %cond3A_129 {
        %add3A_229 = arith.constant 2 : i32
        %add3A_230 = arith.addi %add3A_117, %add3A_229 : i32
        %mul3A_231 = arith.constant 2000 : i32
        %mul3A_232 = arith.muli %add3A_230, %mul3A_231 : i32
        %dma_start3A_233 = tpu.memref_slice %arg2[%mul3A_232] : memref<6400000xi32, #tpu.memory_space<hbm>> -> memref<2000xi32, #tpu.memory_space<hbm>>
        %dma_start3A_234 = tpu.memref_slice %arg2[%mul3A_232] : memref<6400000xi32, #tpu.memory_space<hbm>> -> memref<2000xi32, #tpu.memory_space<hbm>>
        tpu.enqueue_dma source(%dma_start3A_234 : memref<2000xi32, #tpu.memory_space<hbm>>) target(%arg9 : memref<2000xi32, #tpu.memory_space<vmem>>) target_semaphore(%arg19 : memref<!tpu.dma_semaphore, #tpu.memory_space<semaphore_mem>>)
        %mul3A_235 = arith.constant 2000 : i32
        %mul3A_236 = arith.muli %add3A_230, %mul3A_235 : i32
        %add3A_237 = arith.constant 3200000 : i32
        %add3A_238 = arith.addi %add3A_237, %mul3A_236 : i32
        %dma_start3A_239 = tpu.memref_slice %arg2[%add3A_238] : memref<6400000xi32, #tpu.memory_space<hbm>> -> memref<2000xi32, #tpu.memory_space<hbm>>
        %dma_start3A_240 = tpu.memref_slice %arg2[%add3A_238] : memref<6400000xi32, #tpu.memory_space<hbm>> -> memref<2000xi32, #tpu.memory_space<hbm>>
        tpu.enqueue_dma source(%dma_start3A_240 : memref<2000xi32, #tpu.memory_space<hbm>>) target(%arg13 : memref<2000xi32, #tpu.memory_space<vmem>>) target_semaphore(%arg23 : memref<!tpu.dma_semaphore, #tpu.memory_space<semaphore_mem>>)
      } else {
      }
      %mul3A_130 = arith.constant 2000 : i32
      %mul3A_131 = arith.muli %add3A_117, %mul3A_130 : i32
      %dma_wait3A_132 = tpu.memref_slice %arg2[%mul3A_131] : memref<6400000xi32, #tpu.memory_space<hbm>> -> memref<2000xi32, #tpu.memory_space<hbm>>
      %dma_wait3A_133 = tpu.memref_slice %arg2[%mul3A_131] : memref<6400000xi32, #tpu.memory_space<hbm>> -> memref<2000xi32, #tpu.memory_space<hbm>>
      tpu.wait_dma2 semaphore(%arg17 : memref<!tpu.dma_semaphore, #tpu.memory_space<semaphore_mem>>) src(%dma_wait3A_133 : memref<2000xi32, #tpu.memory_space<hbm>>) dst(%arg7 : memref<2000xi32, #tpu.memory_space<vmem>>)
      %dma_start3A_134 = arith.constant 0 : i32
      %dma_start3A_135 = arith.constant 0 : i32
      %dma_start3A_136 = tpu.memref_slice %arg3[%dma_start3A_134, %dma_start3A_135] : memref<100000x8xf32, #tpu.memory_space<hbm>> -> memref<100000x8xf32, #tpu.memory_space<hbm>>
      tpu.enqueue_indirect_dma source(%dma_start3A_136 : memref<100000x8xf32, #tpu.memory_space<hbm>>) target(%arg15 : memref<2000x8xf32, #tpu.memory_space<vmem>>) offsets(%arg7 : memref<2000xi32, #tpu.memory_space<vmem>>) semaphore(%arg25 : memref<!tpu.dma_semaphore, #tpu.memory_space<semaphore_mem>>)
      %ge3A_137 = arith.constant 1 : i32
      %ge3A_138 = arith.cmpi sge, %add3A_116, %ge3A_137 : i32
      %convert_element_type3A_139 = arith.extui %ge3A_138 : i1 to i32
      %cond3A_140 = arith.constant 0 : i32
      %cond3A_141 = arith.cmpi ne, %convert_element_type3A_139, %cond3A_140 : i32
      scf.if %cond3A_141 {
        %dma_wait3A_229 = arith.constant 0 : i32
        %dma_wait3A_230 = arith.constant 0 : i32
        %dma_wait3A_231 = tpu.memref_slice %arg3[%dma_wait3A_229, %dma_wait3A_230] : memref<100000x8xf32, #tpu.memory_space<hbm>> -> memref<100000x8xf32, #tpu.memory_space<hbm>>
        tpu.wait_indirect_dma semaphore(%arg26 : memref<!tpu.dma_semaphore, #tpu.memory_space<semaphore_mem>>) src(%dma_wait3A_231 : memref<100000x8xf32, #tpu.memory_space<hbm>>) dst(%arg16 : memref<2000x8xf32, #tpu.memory_space<vmem>>)
        %sub3A_232 = arith.constant 1 : i32
        %sub3A_233 = arith.subi %add3A_117, %sub3A_232 : i32
        %mul3A_234 = arith.constant 2000 : i32
        %mul3A_235 = arith.muli %sub3A_233, %mul3A_234 : i32
        %add3A_236 = arith.constant 3200000 : i32
        %add3A_237 = arith.addi %add3A_236, %mul3A_235 : i32
        %dma_wait3A_238 = tpu.memref_slice %arg2[%add3A_237] : memref<6400000xi32, #tpu.memory_space<hbm>> -> memref<2000xi32, #tpu.memory_space<hbm>>
        %dma_wait3A_239 = tpu.memref_slice %arg2[%add3A_237] : memref<6400000xi32, #tpu.memory_space<hbm>> -> memref<2000xi32, #tpu.memory_space<hbm>>
        tpu.wait_dma2 semaphore(%arg24 : memref<!tpu.dma_semaphore, #tpu.memory_space<semaphore_mem>>) src(%dma_wait3A_239 : memref<2000xi32, #tpu.memory_space<hbm>>) dst(%arg14 : memref<2000xi32, #tpu.memory_space<vmem>>)
        %dma_start3A_240 = arith.constant 0 : i32
        %dma_start3A_241 = arith.constant 0 : i32
        %dma_start3A_242 = tpu.memref_slice %arg6[%dma_start3A_240, %dma_start3A_241] : memref<100096x8xf32, #tpu.memory_space<vmem_shared>> -> memref<100096x8xf32, #tpu.memory_space<vmem_shared>>
        tpu.enqueue_indirect_dma source(%arg16 : memref<2000x8xf32, #tpu.memory_space<vmem>>) target(%dma_start3A_242 : memref<100096x8xf32, #tpu.memory_space<vmem_shared>>) offsets(%arg14 : memref<2000xi32, #tpu.memory_space<vmem>>) semaphore(%arg28 : memref<!tpu.dma_semaphore, #tpu.memory_space<semaphore_mem>>) {add = true}
      } else {
      }
      %mul3A_142 = arith.constant 4 : i32
      %mul3A_143 = arith.muli %scan3A_112, %mul3A_142 : i32
      %add3A_144 = arith.constant 1 : i32
      %add3A_145 = arith.addi %mul3A_143, %add3A_144 : i32
      %add3A_146 = arith.addi %mul3A_4, %add3A_145 : i32
      %ge3A_147 = arith.constant 2 : i32
      %ge3A_148 = arith.cmpi sge, %add3A_145, %ge3A_147 : i32
      %convert_element_type3A_149 = arith.extui %ge3A_148 : i1 to i32
      %cond3A_150 = arith.constant 0 : i32
      %cond3A_151 = arith.cmpi ne, %convert_element_type3A_149, %cond3A_150 : i32
      scf.if %cond3A_151 {
        %dma_wait3A_229 = arith.constant 0 : i32
        %dma_wait3A_230 = arith.constant 0 : i32
        %dma_wait3A_231 = tpu.memref_slice %arg6[%dma_wait3A_229, %dma_wait3A_230] : memref<100096x8xf32, #tpu.memory_space<vmem_shared>> -> memref<100096x8xf32, #tpu.memory_space<vmem_shared>>
        tpu.wait_indirect_dma semaphore(%arg28 : memref<!tpu.dma_semaphore, #tpu.memory_space<semaphore_mem>>) src(%arg16 : memref<2000x8xf32, #tpu.memory_space<vmem>>) dst(%dma_wait3A_231 : memref<100096x8xf32, #tpu.memory_space<vmem_shared>>)
      } else {
      }
      %add3A_152 = arith.constant 2 : i32
      %add3A_153 = arith.addi %add3A_145, %add3A_152 : i32
      %lt3A_154 = arith.constant 50 : i32
      %lt3A_155 = arith.cmpi slt, %add3A_153, %lt3A_154 : i32
      %convert_element_type3A_156 = arith.extui %lt3A_155 : i1 to i32
      %cond3A_157 = arith.constant 0 : i32
      %cond3A_158 = arith.cmpi ne, %convert_element_type3A_156, %cond3A_157 : i32
      scf.if %cond3A_158 {
        %add3A_229 = arith.constant 2 : i32
        %add3A_230 = arith.addi %add3A_146, %add3A_229 : i32
        %mul3A_231 = arith.constant 2000 : i32
        %mul3A_232 = arith.muli %add3A_230, %mul3A_231 : i32
        %dma_start3A_233 = tpu.memref_slice %arg2[%mul3A_232] : memref<6400000xi32, #tpu.memory_space<hbm>> -> memref<2000xi32, #tpu.memory_space<hbm>>
        %dma_start3A_234 = tpu.memref_slice %arg2[%mul3A_232] : memref<6400000xi32, #tpu.memory_space<hbm>> -> memref<2000xi32, #tpu.memory_space<hbm>>
        tpu.enqueue_dma source(%dma_start3A_234 : memref<2000xi32, #tpu.memory_space<hbm>>) target(%arg10 : memref<2000xi32, #tpu.memory_space<vmem>>) target_semaphore(%arg20 : memref<!tpu.dma_semaphore, #tpu.memory_space<semaphore_mem>>)
        %mul3A_235 = arith.constant 2000 : i32
        %mul3A_236 = arith.muli %add3A_230, %mul3A_235 : i32
        %add3A_237 = arith.constant 3200000 : i32
        %add3A_238 = arith.addi %add3A_237, %mul3A_236 : i32
        %dma_start3A_239 = tpu.memref_slice %arg2[%add3A_238] : memref<6400000xi32, #tpu.memory_space<hbm>> -> memref<2000xi32, #tpu.memory_space<hbm>>
        %dma_start3A_240 = tpu.memref_slice %arg2[%add3A_238] : memref<6400000xi32, #tpu.memory_space<hbm>> -> memref<2000xi32, #tpu.memory_space<hbm>>
        tpu.enqueue_dma source(%dma_start3A_240 : memref<2000xi32, #tpu.memory_space<hbm>>) target(%arg14 : memref<2000xi32, #tpu.memory_space<vmem>>) target_semaphore(%arg24 : memref<!tpu.dma_semaphore, #tpu.memory_space<semaphore_mem>>)
      } else {
      }
      %mul3A_159 = arith.constant 2000 : i32
      %mul3A_160 = arith.muli %add3A_146, %mul3A_159 : i32
      %dma_wait3A_161 = tpu.memref_slice %arg2[%mul3A_160] : memref<6400000xi32, #tpu.memory_space<hbm>> -> memref<2000xi32, #tpu.memory_space<hbm>>
      %dma_wait3A_162 = tpu.memref_slice %arg2[%mul3A_160] : memref<6400000xi32, #tpu.memory_space<hbm>> -> memref<2000xi32, #tpu.memory_space<hbm>>
      tpu.wait_dma2 semaphore(%arg18 : memref<!tpu.dma_semaphore, #tpu.memory_space<semaphore_mem>>) src(%dma_wait3A_162 : memref<2000xi32, #tpu.memory_space<hbm>>) dst(%arg8 : memref<2000xi32, #tpu.memory_space<vmem>>)
      %dma_start3A_163 = arith.constant 0 : i32
      %dma_start3A_164 = arith.constant 0 : i32
      %dma_start3A_165 = tpu.memref_slice %arg3[%dma_start3A_163, %dma_start3A_164] : memref<100000x8xf32, #tpu.memory_space<hbm>> -> memref<100000x8xf32, #tpu.memory_space<hbm>>
      tpu.enqueue_indirect_dma source(%dma_start3A_165 : memref<100000x8xf32, #tpu.memory_space<hbm>>) target(%arg16 : memref<2000x8xf32, #tpu.memory_space<vmem>>) offsets(%arg8 : memref<2000xi32, #tpu.memory_space<vmem>>) semaphore(%arg26 : memref<!tpu.dma_semaphore, #tpu.memory_space<semaphore_mem>>)
      %ge3A_166 = arith.constant 1 : i32
      %ge3A_167 = arith.cmpi sge, %add3A_145, %ge3A_166 : i32
      %convert_element_type3A_168 = arith.extui %ge3A_167 : i1 to i32
      %cond3A_169 = arith.constant 0 : i32
      %cond3A_170 = arith.cmpi ne, %convert_element_type3A_168, %cond3A_169 : i32
      scf.if %cond3A_170 {
        %dma_wait3A_229 = arith.constant 0 : i32
        %dma_wait3A_230 = arith.constant 0 : i32
        %dma_wait3A_231 = tpu.memref_slice %arg3[%dma_wait3A_229, %dma_wait3A_230] : memref<100000x8xf32, #tpu.memory_space<hbm>> -> memref<100000x8xf32, #tpu.memory_space<hbm>>
        tpu.wait_indirect_dma semaphore(%arg25 : memref<!tpu.dma_semaphore, #tpu.memory_space<semaphore_mem>>) src(%dma_wait3A_231 : memref<100000x8xf32, #tpu.memory_space<hbm>>) dst(%arg15 : memref<2000x8xf32, #tpu.memory_space<vmem>>)
        %sub3A_232 = arith.constant 1 : i32
        %sub3A_233 = arith.subi %add3A_146, %sub3A_232 : i32
        %mul3A_234 = arith.constant 2000 : i32
        %mul3A_235 = arith.muli %sub3A_233, %mul3A_234 : i32
        %add3A_236 = arith.constant 3200000 : i32
        %add3A_237 = arith.addi %add3A_236, %mul3A_235 : i32
        %dma_wait3A_238 = tpu.memref_slice %arg2[%add3A_237] : memref<6400000xi32, #tpu.memory_space<hbm>> -> memref<2000xi32, #tpu.memory_space<hbm>>
        %dma_wait3A_239 = tpu.memref_slice %arg2[%add3A_237] : memref<6400000xi32, #tpu.memory_space<hbm>> -> memref<2000xi32, #tpu.memory_space<hbm>>
        tpu.wait_dma2 semaphore(%arg21 : memref<!tpu.dma_semaphore, #tpu.memory_space<semaphore_mem>>) src(%dma_wait3A_239 : memref<2000xi32, #tpu.memory_space<hbm>>) dst(%arg11 : memref<2000xi32, #tpu.memory_space<vmem>>)
        %dma_start3A_240 = arith.constant 0 : i32
        %dma_start3A_241 = arith.constant 0 : i32
        %dma_start3A_242 = tpu.memref_slice %arg6[%dma_start3A_240, %dma_start3A_241] : memref<100096x8xf32, #tpu.memory_space<vmem_shared>> -> memref<100096x8xf32, #tpu.memory_space<vmem_shared>>
        tpu.enqueue_indirect_dma source(%arg15 : memref<2000x8xf32, #tpu.memory_space<vmem>>) target(%dma_start3A_242 : memref<100096x8xf32, #tpu.memory_space<vmem_shared>>) offsets(%arg11 : memref<2000xi32, #tpu.memory_space<vmem>>) semaphore(%arg27 : memref<!tpu.dma_semaphore, #tpu.memory_space<semaphore_mem>>) {add = true}
      } else {
      }
      %mul3A_171 = arith.constant 4 : i32
      %mul3A_172 = arith.muli %scan3A_112, %mul3A_171 : i32
      %add3A_173 = arith.constant 2 : i32
      %add3A_174 = arith.addi %mul3A_172, %add3A_173 : i32
      %add3A_175 = arith.addi %mul3A_4, %add3A_174 : i32
      %ge3A_176 = arith.constant 2 : i32
      %ge3A_177 = arith.cmpi sge, %add3A_174, %ge3A_176 : i32
      %convert_element_type3A_178 = arith.extui %ge3A_177 : i1 to i32
      %cond3A_179 = arith.constant 0 : i32
      %cond3A_180 = arith.cmpi ne, %convert_element_type3A_178, %cond3A_179 : i32
      scf.if %cond3A_180 {
        %dma_wait3A_229 = arith.constant 0 : i32
        %dma_wait3A_230 = arith.constant 0 : i32
        %dma_wait3A_231 = tpu.memref_slice %arg6[%dma_wait3A_229, %dma_wait3A_230] : memref<100096x8xf32, #tpu.memory_space<vmem_shared>> -> memref<100096x8xf32, #tpu.memory_space<vmem_shared>>
        tpu.wait_indirect_dma semaphore(%arg27 : memref<!tpu.dma_semaphore, #tpu.memory_space<semaphore_mem>>) src(%arg15 : memref<2000x8xf32, #tpu.memory_space<vmem>>) dst(%dma_wait3A_231 : memref<100096x8xf32, #tpu.memory_space<vmem_shared>>)
      } else {
      }
      %add3A_181 = arith.constant 2 : i32
      %add3A_182 = arith.addi %add3A_174, %add3A_181 : i32
      %lt3A_183 = arith.constant 50 : i32
      %lt3A_184 = arith.cmpi slt, %add3A_182, %lt3A_183 : i32
      %convert_element_type3A_185 = arith.extui %lt3A_184 : i1 to i32
      %cond3A_186 = arith.constant 0 : i32
      %cond3A_187 = arith.cmpi ne, %convert_element_type3A_185, %cond3A_186 : i32
      scf.if %cond3A_187 {
        %add3A_229 = arith.constant 2 : i32
        %add3A_230 = arith.addi %add3A_175, %add3A_229 : i32
        %mul3A_231 = arith.constant 2000 : i32
        %mul3A_232 = arith.muli %add3A_230, %mul3A_231 : i32
        %dma_start3A_233 = tpu.memref_slice %arg2[%mul3A_232] : memref<6400000xi32, #tpu.memory_space<hbm>> -> memref<2000xi32, #tpu.memory_space<hbm>>
        %dma_start3A_234 = tpu.memref_slice %arg2[%mul3A_232] : memref<6400000xi32, #tpu.memory_space<hbm>> -> memref<2000xi32, #tpu.memory_space<hbm>>
        tpu.enqueue_dma source(%dma_start3A_234 : memref<2000xi32, #tpu.memory_space<hbm>>) target(%arg7 : memref<2000xi32, #tpu.memory_space<vmem>>) target_semaphore(%arg17 : memref<!tpu.dma_semaphore, #tpu.memory_space<semaphore_mem>>)
        %mul3A_235 = arith.constant 2000 : i32
        %mul3A_236 = arith.muli %add3A_230, %mul3A_235 : i32
        %add3A_237 = arith.constant 3200000 : i32
        %add3A_238 = arith.addi %add3A_237, %mul3A_236 : i32
        %dma_start3A_239 = tpu.memref_slice %arg2[%add3A_238] : memref<6400000xi32, #tpu.memory_space<hbm>> -> memref<2000xi32, #tpu.memory_space<hbm>>
        %dma_start3A_240 = tpu.memref_slice %arg2[%add3A_238] : memref<6400000xi32, #tpu.memory_space<hbm>> -> memref<2000xi32, #tpu.memory_space<hbm>>
        tpu.enqueue_dma source(%dma_start3A_240 : memref<2000xi32, #tpu.memory_space<hbm>>) target(%arg11 : memref<2000xi32, #tpu.memory_space<vmem>>) target_semaphore(%arg21 : memref<!tpu.dma_semaphore, #tpu.memory_space<semaphore_mem>>)
      } else {
      }
      %mul3A_188 = arith.constant 2000 : i32
      %mul3A_189 = arith.muli %add3A_175, %mul3A_188 : i32
      %dma_wait3A_190 = tpu.memref_slice %arg2[%mul3A_189] : memref<6400000xi32, #tpu.memory_space<hbm>> -> memref<2000xi32, #tpu.memory_space<hbm>>
      %dma_wait3A_191 = tpu.memref_slice %arg2[%mul3A_189] : memref<6400000xi32, #tpu.memory_space<hbm>> -> memref<2000xi32, #tpu.memory_space<hbm>>
      tpu.wait_dma2 semaphore(%arg19 : memref<!tpu.dma_semaphore, #tpu.memory_space<semaphore_mem>>) src(%dma_wait3A_191 : memref<2000xi32, #tpu.memory_space<hbm>>) dst(%arg9 : memref<2000xi32, #tpu.memory_space<vmem>>)
      %dma_start3A_192 = arith.constant 0 : i32
      %dma_start3A_193 = arith.constant 0 : i32
      %dma_start3A_194 = tpu.memref_slice %arg3[%dma_start3A_192, %dma_start3A_193] : memref<100000x8xf32, #tpu.memory_space<hbm>> -> memref<100000x8xf32, #tpu.memory_space<hbm>>
      tpu.enqueue_indirect_dma source(%dma_start3A_194 : memref<100000x8xf32, #tpu.memory_space<hbm>>) target(%arg15 : memref<2000x8xf32, #tpu.memory_space<vmem>>) offsets(%arg9 : memref<2000xi32, #tpu.memory_space<vmem>>) semaphore(%arg25 : memref<!tpu.dma_semaphore, #tpu.memory_space<semaphore_mem>>)
      %ge3A_195 = arith.constant 1 : i32
      %ge3A_196 = arith.cmpi sge, %add3A_174, %ge3A_195 : i32
      %convert_element_type3A_197 = arith.extui %ge3A_196 : i1 to i32
      %cond3A_198 = arith.constant 0 : i32
      %cond3A_199 = arith.cmpi ne, %convert_element_type3A_197, %cond3A_198 : i32
      scf.if %cond3A_199 {
        %dma_wait3A_229 = arith.constant 0 : i32
        %dma_wait3A_230 = arith.constant 0 : i32
        %dma_wait3A_231 = tpu.memref_slice %arg3[%dma_wait3A_229, %dma_wait3A_230] : memref<100000x8xf32, #tpu.memory_space<hbm>> -> memref<100000x8xf32, #tpu.memory_space<hbm>>
        tpu.wait_indirect_dma semaphore(%arg26 : memref<!tpu.dma_semaphore, #tpu.memory_space<semaphore_mem>>) src(%dma_wait3A_231 : memref<100000x8xf32, #tpu.memory_space<hbm>>) dst(%arg16 : memref<2000x8xf32, #tpu.memory_space<vmem>>)
        %sub3A_232 = arith.constant 1 : i32
        %sub3A_233 = arith.subi %add3A_175, %sub3A_232 : i32
        %mul3A_234 = arith.constant 2000 : i32
        %mul3A_235 = arith.muli %sub3A_233, %mul3A_234 : i32
        %add3A_236 = arith.constant 3200000 : i32
        %add3A_237 = arith.addi %add3A_236, %mul3A_235 : i32
        %dma_wait3A_238 = tpu.memref_slice %arg2[%add3A_237] : memref<6400000xi32, #tpu.memory_space<hbm>> -> memref<2000xi32, #tpu.memory_space<hbm>>
        %dma_wait3A_239 = tpu.memref_slice %arg2[%add3A_237] : memref<6400000xi32, #tpu.memory_space<hbm>> -> memref<2000xi32, #tpu.memory_space<hbm>>
        tpu.wait_dma2 semaphore(%arg22 : memref<!tpu.dma_semaphore, #tpu.memory_space<semaphore_mem>>) src(%dma_wait3A_239 : memref<2000xi32, #tpu.memory_space<hbm>>) dst(%arg12 : memref<2000xi32, #tpu.memory_space<vmem>>)
        %dma_start3A_240 = arith.constant 0 : i32
        %dma_start3A_241 = arith.constant 0 : i32
        %dma_start3A_242 = tpu.memref_slice %arg6[%dma_start3A_240, %dma_start3A_241] : memref<100096x8xf32, #tpu.memory_space<vmem_shared>> -> memref<100096x8xf32, #tpu.memory_space<vmem_shared>>
        tpu.enqueue_indirect_dma source(%arg16 : memref<2000x8xf32, #tpu.memory_space<vmem>>) target(%dma_start3A_242 : memref<100096x8xf32, #tpu.memory_space<vmem_shared>>) offsets(%arg12 : memref<2000xi32, #tpu.memory_space<vmem>>) semaphore(%arg28 : memref<!tpu.dma_semaphore, #tpu.memory_space<semaphore_mem>>) {add = true}
      } else {
      }
      %mul3A_200 = arith.constant 4 : i32
      %mul3A_201 = arith.muli %scan3A_112, %mul3A_200 : i32
      %add3A_202 = arith.constant 3 : i32
      %add3A_203 = arith.addi %mul3A_201, %add3A_202 : i32
      %add3A_204 = arith.addi %mul3A_4, %add3A_203 : i32
      %ge3A_205 = arith.constant 2 : i32
      %ge3A_206 = arith.cmpi sge, %add3A_203, %ge3A_205 : i32
      %convert_element_type3A_207 = arith.extui %ge3A_206 : i1 to i32
      %cond3A_208 = arith.constant 0 : i32
      %cond3A_209 = arith.cmpi ne, %convert_element_type3A_207, %cond3A_208 : i32
      scf.if %cond3A_209 {
        %dma_wait3A_229 = arith.constant 0 : i32
        %dma_wait3A_230 = arith.constant 0 : i32
        %dma_wait3A_231 = tpu.memref_slice %arg6[%dma_wait3A_229, %dma_wait3A_230] : memref<100096x8xf32, #tpu.memory_space<vmem_shared>> -> memref<100096x8xf32, #tpu.memory_space<vmem_shared>>
        tpu.wait_indirect_dma semaphore(%arg28 : memref<!tpu.dma_semaphore, #tpu.memory_space<semaphore_mem>>) src(%arg16 : memref<2000x8xf32, #tpu.memory_space<vmem>>) dst(%dma_wait3A_231 : memref<100096x8xf32, #tpu.memory_space<vmem_shared>>)
      } else {
      }
      %add3A_210 = arith.constant 2 : i32
      %add3A_211 = arith.addi %add3A_203, %add3A_210 : i32
      %lt3A_212 = arith.constant 50 : i32
      %lt3A_213 = arith.cmpi slt, %add3A_211, %lt3A_212 : i32
      %convert_element_type3A_214 = arith.extui %lt3A_213 : i1 to i32
      %cond3A_215 = arith.constant 0 : i32
      %cond3A_216 = arith.cmpi ne, %convert_element_type3A_214, %cond3A_215 : i32
      scf.if %cond3A_216 {
        %add3A_229 = arith.constant 2 : i32
        %add3A_230 = arith.addi %add3A_204, %add3A_229 : i32
        %mul3A_231 = arith.constant 2000 : i32
        %mul3A_232 = arith.muli %add3A_230, %mul3A_231 : i32
        %dma_start3A_233 = tpu.memref_slice %arg2[%mul3A_232] : memref<6400000xi32, #tpu.memory_space<hbm>> -> memref<2000xi32, #tpu.memory_space<hbm>>
        %dma_start3A_234 = tpu.memref_slice %arg2[%mul3A_232] : memref<6400000xi32, #tpu.memory_space<hbm>> -> memref<2000xi32, #tpu.memory_space<hbm>>
        tpu.enqueue_dma source(%dma_start3A_234 : memref<2000xi32, #tpu.memory_space<hbm>>) target(%arg8 : memref<2000xi32, #tpu.memory_space<vmem>>) target_semaphore(%arg18 : memref<!tpu.dma_semaphore, #tpu.memory_space<semaphore_mem>>)
        %mul3A_235 = arith.constant 2000 : i32
        %mul3A_236 = arith.muli %add3A_230, %mul3A_235 : i32
        %add3A_237 = arith.constant 3200000 : i32
        %add3A_238 = arith.addi %add3A_237, %mul3A_236 : i32
        %dma_start3A_239 = tpu.memref_slice %arg2[%add3A_238] : memref<6400000xi32, #tpu.memory_space<hbm>> -> memref<2000xi32, #tpu.memory_space<hbm>>
        %dma_start3A_240 = tpu.memref_slice %arg2[%add3A_238] : memref<6400000xi32, #tpu.memory_space<hbm>> -> memref<2000xi32, #tpu.memory_space<hbm>>
        tpu.enqueue_dma source(%dma_start3A_240 : memref<2000xi32, #tpu.memory_space<hbm>>) target(%arg12 : memref<2000xi32, #tpu.memory_space<vmem>>) target_semaphore(%arg22 : memref<!tpu.dma_semaphore, #tpu.memory_space<semaphore_mem>>)
      } else {
      }
      %mul3A_217 = arith.constant 2000 : i32
      %mul3A_218 = arith.muli %add3A_204, %mul3A_217 : i32
      %dma_wait3A_219 = tpu.memref_slice %arg2[%mul3A_218] : memref<6400000xi32, #tpu.memory_space<hbm>> -> memref<2000xi32, #tpu.memory_space<hbm>>
      %dma_wait3A_220 = tpu.memref_slice %arg2[%mul3A_218] : memref<6400000xi32, #tpu.memory_space<hbm>> -> memref<2000xi32, #tpu.memory_space<hbm>>
      tpu.wait_dma2 semaphore(%arg20 : memref<!tpu.dma_semaphore, #tpu.memory_space<semaphore_mem>>) src(%dma_wait3A_220 : memref<2000xi32, #tpu.memory_space<hbm>>) dst(%arg10 : memref<2000xi32, #tpu.memory_space<vmem>>)
      %dma_start3A_221 = arith.constant 0 : i32
      %dma_start3A_222 = arith.constant 0 : i32
      %dma_start3A_223 = tpu.memref_slice %arg3[%dma_start3A_221, %dma_start3A_222] : memref<100000x8xf32, #tpu.memory_space<hbm>> -> memref<100000x8xf32, #tpu.memory_space<hbm>>
      tpu.enqueue_indirect_dma source(%dma_start3A_223 : memref<100000x8xf32, #tpu.memory_space<hbm>>) target(%arg16 : memref<2000x8xf32, #tpu.memory_space<vmem>>) offsets(%arg10 : memref<2000xi32, #tpu.memory_space<vmem>>) semaphore(%arg26 : memref<!tpu.dma_semaphore, #tpu.memory_space<semaphore_mem>>)
      %ge3A_224 = arith.constant 1 : i32
      %ge3A_225 = arith.cmpi sge, %add3A_203, %ge3A_224 : i32
      %convert_element_type3A_226 = arith.extui %ge3A_225 : i1 to i32
      %cond3A_227 = arith.constant 0 : i32
      %cond3A_228 = arith.cmpi ne, %convert_element_type3A_226, %cond3A_227 : i32
      scf.if %cond3A_228 {
        %dma_wait3A_229 = arith.constant 0 : i32
        %dma_wait3A_230 = arith.constant 0 : i32
        %dma_wait3A_231 = tpu.memref_slice %arg3[%dma_wait3A_229, %dma_wait3A_230] : memref<100000x8xf32, #tpu.memory_space<hbm>> -> memref<100000x8xf32, #tpu.memory_space<hbm>>
        tpu.wait_indirect_dma semaphore(%arg25 : memref<!tpu.dma_semaphore, #tpu.memory_space<semaphore_mem>>) src(%dma_wait3A_231 : memref<100000x8xf32, #tpu.memory_space<hbm>>) dst(%arg15 : memref<2000x8xf32, #tpu.memory_space<vmem>>)
        %sub3A_232 = arith.constant 1 : i32
        %sub3A_233 = arith.subi %add3A_204, %sub3A_232 : i32
        %mul3A_234 = arith.constant 2000 : i32
        %mul3A_235 = arith.muli %sub3A_233, %mul3A_234 : i32
        %add3A_236 = arith.constant 3200000 : i32
        %add3A_237 = arith.addi %add3A_236, %mul3A_235 : i32
        %dma_wait3A_238 = tpu.memref_slice %arg2[%add3A_237] : memref<6400000xi32, #tpu.memory_space<hbm>> -> memref<2000xi32, #tpu.memory_space<hbm>>
        %dma_wait3A_239 = tpu.memref_slice %arg2[%add3A_237] : memref<6400000xi32, #tpu.memory_space<hbm>> -> memref<2000xi32, #tpu.memory_space<hbm>>
        tpu.wait_dma2 semaphore(%arg23 : memref<!tpu.dma_semaphore, #tpu.memory_space<semaphore_mem>>) src(%dma_wait3A_239 : memref<2000xi32, #tpu.memory_space<hbm>>) dst(%arg13 : memref<2000xi32, #tpu.memory_space<vmem>>)
        %dma_start3A_240 = arith.constant 0 : i32
        %dma_start3A_241 = arith.constant 0 : i32
        %dma_start3A_242 = tpu.memref_slice %arg6[%dma_start3A_240, %dma_start3A_241] : memref<100096x8xf32, #tpu.memory_space<vmem_shared>> -> memref<100096x8xf32, #tpu.memory_space<vmem_shared>>
        tpu.enqueue_indirect_dma source(%arg15 : memref<2000x8xf32, #tpu.memory_space<vmem>>) target(%dma_start3A_242 : memref<100096x8xf32, #tpu.memory_space<vmem_shared>>) offsets(%arg13 : memref<2000xi32, #tpu.memory_space<vmem>>) semaphore(%arg27 : memref<!tpu.dma_semaphore, #tpu.memory_space<semaphore_mem>>) {add = true}
      } else {
      }
    }
    %scan3A_32 = arith.constant 12 : i32
    %add3A_33 = arith.constant 48 : i32
    %add3A_34 = arith.addi %mul3A_4, %add3A_33 : i32
    %ge3A = arith.constant 48 : i32
    %ge3A_35 = arith.constant 2 : i32
    %ge3A_36 = arith.cmpi sge, %ge3A, %ge3A_35 : i32
    %convert_element_type3A = arith.extui %ge3A_36 : i1 to i32
    %cond3A = arith.constant 0 : i32
    %cond3A_37 = arith.cmpi ne, %convert_element_type3A, %cond3A : i32
    scf.if %cond3A_37 {
      %dma_wait3A_112 = arith.constant 0 : i32
      %dma_wait3A_113 = arith.constant 0 : i32
      %dma_wait3A_114 = tpu.memref_slice %arg6[%dma_wait3A_112, %dma_wait3A_113] : memref<100096x8xf32, #tpu.memory_space<vmem_shared>> -> memref<100096x8xf32, #tpu.memory_space<vmem_shared>>
      tpu.wait_indirect_dma semaphore(%arg27 : memref<!tpu.dma_semaphore, #tpu.memory_space<semaphore_mem>>) src(%arg15 : memref<2000x8xf32, #tpu.memory_space<vmem>>) dst(%dma_wait3A_114 : memref<100096x8xf32, #tpu.memory_space<vmem_shared>>)
    } else {
    }
    %add3A_38 = arith.constant 48 : i32
    %add3A_39 = arith.constant 2 : i32
    %add3A_40 = arith.addi %add3A_38, %add3A_39 : i32
    %lt3A = arith.constant 50 : i32
    %lt3A_41 = arith.cmpi slt, %add3A_40, %lt3A : i32
    %convert_element_type3A_42 = arith.extui %lt3A_41 : i1 to i32
    %cond3A_43 = arith.constant 0 : i32
    %cond3A_44 = arith.cmpi ne, %convert_element_type3A_42, %cond3A_43 : i32
    scf.if %cond3A_44 {
      %add3A_112 = arith.constant 2 : i32
      %add3A_113 = arith.addi %add3A_34, %add3A_112 : i32
      %mul3A_114 = arith.constant 2000 : i32
      %mul3A_115 = arith.muli %add3A_113, %mul3A_114 : i32
      %dma_start3A_116 = tpu.memref_slice %arg2[%mul3A_115] : memref<6400000xi32, #tpu.memory_space<hbm>> -> memref<2000xi32, #tpu.memory_space<hbm>>
      %dma_start3A_117 = tpu.memref_slice %arg2[%mul3A_115] : memref<6400000xi32, #tpu.memory_space<hbm>> -> memref<2000xi32, #tpu.memory_space<hbm>>
      tpu.enqueue_dma source(%dma_start3A_117 : memref<2000xi32, #tpu.memory_space<hbm>>) target(%arg9 : memref<2000xi32, #tpu.memory_space<vmem>>) target_semaphore(%arg19 : memref<!tpu.dma_semaphore, #tpu.memory_space<semaphore_mem>>)
      %mul3A_118 = arith.constant 2000 : i32
      %mul3A_119 = arith.muli %add3A_113, %mul3A_118 : i32
      %add3A_120 = arith.constant 3200000 : i32
      %add3A_121 = arith.addi %add3A_120, %mul3A_119 : i32
      %dma_start3A_122 = tpu.memref_slice %arg2[%add3A_121] : memref<6400000xi32, #tpu.memory_space<hbm>> -> memref<2000xi32, #tpu.memory_space<hbm>>
      %dma_start3A_123 = tpu.memref_slice %arg2[%add3A_121] : memref<6400000xi32, #tpu.memory_space<hbm>> -> memref<2000xi32, #tpu.memory_space<hbm>>
      tpu.enqueue_dma source(%dma_start3A_123 : memref<2000xi32, #tpu.memory_space<hbm>>) target(%arg13 : memref<2000xi32, #tpu.memory_space<vmem>>) target_semaphore(%arg23 : memref<!tpu.dma_semaphore, #tpu.memory_space<semaphore_mem>>)
    } else {
    }
    %mul3A_45 = arith.constant 2000 : i32
    %mul3A_46 = arith.muli %add3A_34, %mul3A_45 : i32
    %dma_wait3A = tpu.memref_slice %arg2[%mul3A_46] : memref<6400000xi32, #tpu.memory_space<hbm>> -> memref<2000xi32, #tpu.memory_space<hbm>>
    %dma_wait3A_47 = tpu.memref_slice %arg2[%mul3A_46] : memref<6400000xi32, #tpu.memory_space<hbm>> -> memref<2000xi32, #tpu.memory_space<hbm>>
    tpu.wait_dma2 semaphore(%arg17 : memref<!tpu.dma_semaphore, #tpu.memory_space<semaphore_mem>>) src(%dma_wait3A_47 : memref<2000xi32, #tpu.memory_space<hbm>>) dst(%arg7 : memref<2000xi32, #tpu.memory_space<vmem>>)
    %dma_start3A_48 = arith.constant 0 : i32
    %dma_start3A_49 = arith.constant 0 : i32
    %dma_start3A_50 = tpu.memref_slice %arg3[%dma_start3A_48, %dma_start3A_49] : memref<100000x8xf32, #tpu.memory_space<hbm>> -> memref<100000x8xf32, #tpu.memory_space<hbm>>
    tpu.enqueue_indirect_dma source(%dma_start3A_50 : memref<100000x8xf32, #tpu.memory_space<hbm>>) target(%arg15 : memref<2000x8xf32, #tpu.memory_space<vmem>>) offsets(%arg7 : memref<2000xi32, #tpu.memory_space<vmem>>) semaphore(%arg25 : memref<!tpu.dma_semaphore, #tpu.memory_space<semaphore_mem>>)
    %ge3A_51 = arith.constant 48 : i32
    %ge3A_52 = arith.constant 1 : i32
    %ge3A_53 = arith.cmpi sge, %ge3A_51, %ge3A_52 : i32
    %convert_element_type3A_54 = arith.extui %ge3A_53 : i1 to i32
    %cond3A_55 = arith.constant 0 : i32
    %cond3A_56 = arith.cmpi ne, %convert_element_type3A_54, %cond3A_55 : i32
    scf.if %cond3A_56 {
      %dma_wait3A_112 = arith.constant 0 : i32
      %dma_wait3A_113 = arith.constant 0 : i32
      %dma_wait3A_114 = tpu.memref_slice %arg3[%dma_wait3A_112, %dma_wait3A_113] : memref<100000x8xf32, #tpu.memory_space<hbm>> -> memref<100000x8xf32, #tpu.memory_space<hbm>>
      tpu.wait_indirect_dma semaphore(%arg26 : memref<!tpu.dma_semaphore, #tpu.memory_space<semaphore_mem>>) src(%dma_wait3A_114 : memref<100000x8xf32, #tpu.memory_space<hbm>>) dst(%arg16 : memref<2000x8xf32, #tpu.memory_space<vmem>>)
      %sub3A_115 = arith.constant 1 : i32
      %sub3A_116 = arith.subi %add3A_34, %sub3A_115 : i32
      %mul3A_117 = arith.constant 2000 : i32
      %mul3A_118 = arith.muli %sub3A_116, %mul3A_117 : i32
      %add3A_119 = arith.constant 3200000 : i32
      %add3A_120 = arith.addi %add3A_119, %mul3A_118 : i32
      %dma_wait3A_121 = tpu.memref_slice %arg2[%add3A_120] : memref<6400000xi32, #tpu.memory_space<hbm>> -> memref<2000xi32, #tpu.memory_space<hbm>>
      %dma_wait3A_122 = tpu.memref_slice %arg2[%add3A_120] : memref<6400000xi32, #tpu.memory_space<hbm>> -> memref<2000xi32, #tpu.memory_space<hbm>>
      tpu.wait_dma2 semaphore(%arg24 : memref<!tpu.dma_semaphore, #tpu.memory_space<semaphore_mem>>) src(%dma_wait3A_122 : memref<2000xi32, #tpu.memory_space<hbm>>) dst(%arg14 : memref<2000xi32, #tpu.memory_space<vmem>>)
      %dma_start3A_123 = arith.constant 0 : i32
      %dma_start3A_124 = arith.constant 0 : i32
      %dma_start3A_125 = tpu.memref_slice %arg6[%dma_start3A_123, %dma_start3A_124] : memref<100096x8xf32, #tpu.memory_space<vmem_shared>> -> memref<100096x8xf32, #tpu.memory_space<vmem_shared>>
      tpu.enqueue_indirect_dma source(%arg16 : memref<2000x8xf32, #tpu.memory_space<vmem>>) target(%dma_start3A_125 : memref<100096x8xf32, #tpu.memory_space<vmem_shared>>) offsets(%arg14 : memref<2000xi32, #tpu.memory_space<vmem>>) semaphore(%arg28 : memref<!tpu.dma_semaphore, #tpu.memory_space<semaphore_mem>>) {add = true}
    } else {
    }
    %add3A_57 = arith.constant 49 : i32
    %add3A_58 = arith.addi %mul3A_4, %add3A_57 : i32
    %ge3A_59 = arith.constant 49 : i32
    %ge3A_60 = arith.constant 2 : i32
    %ge3A_61 = arith.cmpi sge, %ge3A_59, %ge3A_60 : i32
    %convert_element_type3A_62 = arith.extui %ge3A_61 : i1 to i32
    %cond3A_63 = arith.constant 0 : i32
    %cond3A_64 = arith.cmpi ne, %convert_element_type3A_62, %cond3A_63 : i32
    scf.if %cond3A_64 {
      %dma_wait3A_112 = arith.constant 0 : i32
      %dma_wait3A_113 = arith.constant 0 : i32
      %dma_wait3A_114 = tpu.memref_slice %arg6[%dma_wait3A_112, %dma_wait3A_113] : memref<100096x8xf32, #tpu.memory_space<vmem_shared>> -> memref<100096x8xf32, #tpu.memory_space<vmem_shared>>
      tpu.wait_indirect_dma semaphore(%arg28 : memref<!tpu.dma_semaphore, #tpu.memory_space<semaphore_mem>>) src(%arg16 : memref<2000x8xf32, #tpu.memory_space<vmem>>) dst(%dma_wait3A_114 : memref<100096x8xf32, #tpu.memory_space<vmem_shared>>)
    } else {
    }
    %add3A_65 = arith.constant 49 : i32
    %add3A_66 = arith.constant 2 : i32
    %add3A_67 = arith.addi %add3A_65, %add3A_66 : i32
    %lt3A_68 = arith.constant 50 : i32
    %lt3A_69 = arith.cmpi slt, %add3A_67, %lt3A_68 : i32
    %convert_element_type3A_70 = arith.extui %lt3A_69 : i1 to i32
    %cond3A_71 = arith.constant 0 : i32
    %cond3A_72 = arith.cmpi ne, %convert_element_type3A_70, %cond3A_71 : i32
    scf.if %cond3A_72 {
      %add3A_112 = arith.constant 2 : i32
      %add3A_113 = arith.addi %add3A_58, %add3A_112 : i32
      %mul3A_114 = arith.constant 2000 : i32
      %mul3A_115 = arith.muli %add3A_113, %mul3A_114 : i32
      %dma_start3A_116 = tpu.memref_slice %arg2[%mul3A_115] : memref<6400000xi32, #tpu.memory_space<hbm>> -> memref<2000xi32, #tpu.memory_space<hbm>>
      %dma_start3A_117 = tpu.memref_slice %arg2[%mul3A_115] : memref<6400000xi32, #tpu.memory_space<hbm>> -> memref<2000xi32, #tpu.memory_space<hbm>>
      tpu.enqueue_dma source(%dma_start3A_117 : memref<2000xi32, #tpu.memory_space<hbm>>) target(%arg10 : memref<2000xi32, #tpu.memory_space<vmem>>) target_semaphore(%arg20 : memref<!tpu.dma_semaphore, #tpu.memory_space<semaphore_mem>>)
      %mul3A_118 = arith.constant 2000 : i32
      %mul3A_119 = arith.muli %add3A_113, %mul3A_118 : i32
      %add3A_120 = arith.constant 3200000 : i32
      %add3A_121 = arith.addi %add3A_120, %mul3A_119 : i32
      %dma_start3A_122 = tpu.memref_slice %arg2[%add3A_121] : memref<6400000xi32, #tpu.memory_space<hbm>> -> memref<2000xi32, #tpu.memory_space<hbm>>
      %dma_start3A_123 = tpu.memref_slice %arg2[%add3A_121] : memref<6400000xi32, #tpu.memory_space<hbm>> -> memref<2000xi32, #tpu.memory_space<hbm>>
      tpu.enqueue_dma source(%dma_start3A_123 : memref<2000xi32, #tpu.memory_space<hbm>>) target(%arg14 : memref<2000xi32, #tpu.memory_space<vmem>>) target_semaphore(%arg24 : memref<!tpu.dma_semaphore, #tpu.memory_space<semaphore_mem>>)
    } else {
    }
    %mul3A_73 = arith.constant 2000 : i32
    %mul3A_74 = arith.muli %add3A_58, %mul3A_73 : i32
    %dma_wait3A_75 = tpu.memref_slice %arg2[%mul3A_74] : memref<6400000xi32, #tpu.memory_space<hbm>> -> memref<2000xi32, #tpu.memory_space<hbm>>
    %dma_wait3A_76 = tpu.memref_slice %arg2[%mul3A_74] : memref<6400000xi32, #tpu.memory_space<hbm>> -> memref<2000xi32, #tpu.memory_space<hbm>>
    tpu.wait_dma2 semaphore(%arg18 : memref<!tpu.dma_semaphore, #tpu.memory_space<semaphore_mem>>) src(%dma_wait3A_76 : memref<2000xi32, #tpu.memory_space<hbm>>) dst(%arg8 : memref<2000xi32, #tpu.memory_space<vmem>>)
    %dma_start3A_77 = arith.constant 0 : i32
    %dma_start3A_78 = arith.constant 0 : i32
    %dma_start3A_79 = tpu.memref_slice %arg3[%dma_start3A_77, %dma_start3A_78] : memref<100000x8xf32, #tpu.memory_space<hbm>> -> memref<100000x8xf32, #tpu.memory_space<hbm>>
    tpu.enqueue_indirect_dma source(%dma_start3A_79 : memref<100000x8xf32, #tpu.memory_space<hbm>>) target(%arg16 : memref<2000x8xf32, #tpu.memory_space<vmem>>) offsets(%arg8 : memref<2000xi32, #tpu.memory_space<vmem>>) semaphore(%arg26 : memref<!tpu.dma_semaphore, #tpu.memory_space<semaphore_mem>>)
    %ge3A_80 = arith.constant 49 : i32
    %ge3A_81 = arith.constant 1 : i32
    %ge3A_82 = arith.cmpi sge, %ge3A_80, %ge3A_81 : i32
    %convert_element_type3A_83 = arith.extui %ge3A_82 : i1 to i32
    %cond3A_84 = arith.constant 0 : i32
    %cond3A_85 = arith.cmpi ne, %convert_element_type3A_83, %cond3A_84 : i32
    scf.if %cond3A_85 {
      %dma_wait3A_112 = arith.constant 0 : i32
      %dma_wait3A_113 = arith.constant 0 : i32
      %dma_wait3A_114 = tpu.memref_slice %arg3[%dma_wait3A_112, %dma_wait3A_113] : memref<100000x8xf32, #tpu.memory_space<hbm>> -> memref<100000x8xf32, #tpu.memory_space<hbm>>
      tpu.wait_indirect_dma semaphore(%arg25 : memref<!tpu.dma_semaphore, #tpu.memory_space<semaphore_mem>>) src(%dma_wait3A_114 : memref<100000x8xf32, #tpu.memory_space<hbm>>) dst(%arg15 : memref<2000x8xf32, #tpu.memory_space<vmem>>)
      %sub3A_115 = arith.constant 1 : i32
      %sub3A_116 = arith.subi %add3A_58, %sub3A_115 : i32
      %mul3A_117 = arith.constant 2000 : i32
      %mul3A_118 = arith.muli %sub3A_116, %mul3A_117 : i32
      %add3A_119 = arith.constant 3200000 : i32
      %add3A_120 = arith.addi %add3A_119, %mul3A_118 : i32
      %dma_wait3A_121 = tpu.memref_slice %arg2[%add3A_120] : memref<6400000xi32, #tpu.memory_space<hbm>> -> memref<2000xi32, #tpu.memory_space<hbm>>
      %dma_wait3A_122 = tpu.memref_slice %arg2[%add3A_120] : memref<6400000xi32, #tpu.memory_space<hbm>> -> memref<2000xi32, #tpu.memory_space<hbm>>
      tpu.wait_dma2 semaphore(%arg21 : memref<!tpu.dma_semaphore, #tpu.memory_space<semaphore_mem>>) src(%dma_wait3A_122 : memref<2000xi32, #tpu.memory_space<hbm>>) dst(%arg11 : memref<2000xi32, #tpu.memory_space<vmem>>)
      %dma_start3A_123 = arith.constant 0 : i32
      %dma_start3A_124 = arith.constant 0 : i32
      %dma_start3A_125 = tpu.memref_slice %arg6[%dma_start3A_123, %dma_start3A_124] : memref<100096x8xf32, #tpu.memory_space<vmem_shared>> -> memref<100096x8xf32, #tpu.memory_space<vmem_shared>>
      tpu.enqueue_indirect_dma source(%arg15 : memref<2000x8xf32, #tpu.memory_space<vmem>>) target(%dma_start3A_125 : memref<100096x8xf32, #tpu.memory_space<vmem_shared>>) offsets(%arg11 : memref<2000xi32, #tpu.memory_space<vmem>>) semaphore(%arg27 : memref<!tpu.dma_semaphore, #tpu.memory_space<semaphore_mem>>) {add = true}
    } else {
    }
    %dma_wait3A_86 = arith.constant 0 : i32
    %dma_wait3A_87 = arith.constant 0 : i32
    %dma_wait3A_88 = tpu.memref_slice %arg3[%dma_wait3A_86, %dma_wait3A_87] : memref<100000x8xf32, #tpu.memory_space<hbm>> -> memref<100000x8xf32, #tpu.memory_space<hbm>>
    tpu.wait_indirect_dma semaphore(%arg26 : memref<!tpu.dma_semaphore, #tpu.memory_space<semaphore_mem>>) src(%dma_wait3A_88 : memref<100000x8xf32, #tpu.memory_space<hbm>>) dst(%arg16 : memref<2000x8xf32, #tpu.memory_space<vmem>>)
    %add3A_89 = arith.constant 50 : i32
    %add3A_90 = arith.addi %mul3A_4, %add3A_89 : i32
    %sub3A = arith.constant 1 : i32
    %sub3A_91 = arith.subi %add3A_90, %sub3A : i32
    %mul3A_92 = arith.constant 2000 : i32
    %mul3A_93 = arith.muli %sub3A_91, %mul3A_92 : i32
    %add3A_94 = arith.constant 3200000 : i32
    %add3A_95 = arith.addi %add3A_94, %mul3A_93 : i32
    %dma_wait3A_96 = tpu.memref_slice %arg2[%add3A_95] : memref<6400000xi32, #tpu.memory_space<hbm>> -> memref<2000xi32, #tpu.memory_space<hbm>>
    %dma_wait3A_97 = tpu.memref_slice %arg2[%add3A_95] : memref<6400000xi32, #tpu.memory_space<hbm>> -> memref<2000xi32, #tpu.memory_space<hbm>>
    tpu.wait_dma2 semaphore(%arg22 : memref<!tpu.dma_semaphore, #tpu.memory_space<semaphore_mem>>) src(%dma_wait3A_97 : memref<2000xi32, #tpu.memory_space<hbm>>) dst(%arg12 : memref<2000xi32, #tpu.memory_space<vmem>>)
    %dma_start3A_98 = arith.constant 0 : i32
    %dma_start3A_99 = arith.constant 0 : i32
    %dma_start3A_100 = tpu.memref_slice %arg6[%dma_start3A_98, %dma_start3A_99] : memref<100096x8xf32, #tpu.memory_space<vmem_shared>> -> memref<100096x8xf32, #tpu.memory_space<vmem_shared>>
    tpu.enqueue_indirect_dma source(%arg16 : memref<2000x8xf32, #tpu.memory_space<vmem>>) target(%dma_start3A_100 : memref<100096x8xf32, #tpu.memory_space<vmem_shared>>) offsets(%arg12 : memref<2000xi32, #tpu.memory_space<vmem>>) semaphore(%arg28 : memref<!tpu.dma_semaphore, #tpu.memory_space<semaphore_mem>>) {add = true}
    %dma_wait3A_101 = arith.constant 0 : i32
    %dma_wait3A_102 = arith.constant 0 : i32
    %dma_wait3A_103 = tpu.memref_slice %arg6[%dma_wait3A_101, %dma_wait3A_102] : memref<100096x8xf32, #tpu.memory_space<vmem_shared>> -> memref<100096x8xf32, #tpu.memory_space<vmem_shared>>
    tpu.wait_indirect_dma semaphore(%arg27 : memref<!tpu.dma_semaphore, #tpu.memory_space<semaphore_mem>>) src(%arg15 : memref<2000x8xf32, #tpu.memory_space<vmem>>) dst(%dma_wait3A_103 : memref<100096x8xf32, #tpu.memory_space<vmem_shared>>)
    %dma_wait3A_104 = arith.constant 0 : i32
    %dma_wait3A_105 = arith.constant 0 : i32
    %dma_wait3A_106 = tpu.memref_slice %arg6[%dma_wait3A_104, %dma_wait3A_105] : memref<100096x8xf32, #tpu.memory_space<vmem_shared>> -> memref<100096x8xf32, #tpu.memory_space<vmem_shared>>
    tpu.wait_indirect_dma semaphore(%arg28 : memref<!tpu.dma_semaphore, #tpu.memory_space<semaphore_mem>>) src(%arg16 : memref<2000x8xf32, #tpu.memory_space<vmem>>) dst(%dma_wait3A_106 : memref<100096x8xf32, #tpu.memory_space<vmem_shared>>)
    %barrier3A_107 = arith.constant 0 : index
    tpu.barrier barrier_id(%barrier3A_107)
    %mul3A_108 = arith.constant 6256 : i32
    %mul3A_109 = arith.muli %arg1, %mul3A_108 : i32
    %mul3A_110 = arith.constant 6256 : i32
    %mul3A_111 = arith.muli %arg1, %mul3A_110 : i32
    "tpu.region"() ({
      %run_scoped3A = tpu.sem_alloc : memref<!tpu.dma_semaphore, #tpu.memory_space<semaphore_mem>>
      %dma_start3A_112 = arith.constant 0 : i32
      %dma_start3A_113 = tpu.memref_slice %arg5[%arg0, %mul3A_111, %dma_start3A_112] : memref<2x100096x8xf32, #tpu.memory_space<hbm>> -> memref<1x6256x8xf32, #tpu.memory_space<hbm>>
      %dma_start3A_114 = tpu.memref_squeeze %dma_start3A_113 : memref<1x6256x8xf32, #tpu.memory_space<hbm>> -> memref<6256x8xf32, #tpu.memory_space<hbm>>
      %dma_start3A_115 = arith.constant 0 : i32
      %dma_start3A_116 = tpu.memref_slice %arg6[%mul3A_109, %dma_start3A_115] : memref<100096x8xf32, #tpu.memory_space<vmem_shared>> -> memref<6256x8xf32, #tpu.memory_space<vmem_shared>>
      tpu.enqueue_dma source(%dma_start3A_116 : memref<6256x8xf32, #tpu.memory_space<vmem_shared>>) target(%dma_start3A_114 : memref<6256x8xf32, #tpu.memory_space<hbm>>) target_semaphore(%run_scoped3A : memref<!tpu.dma_semaphore, #tpu.memory_space<semaphore_mem>>)
      %dma_wait3A_117 = arith.constant 0 : i32
      %dma_wait3A_118 = tpu.memref_slice %arg5[%arg0, %mul3A_111, %dma_wait3A_117] : memref<2x100096x8xf32, #tpu.memory_space<hbm>> -> memref<1x6256x8xf32, #tpu.memory_space<hbm>>
      %dma_wait3A_119 = tpu.memref_squeeze %dma_wait3A_118 : memref<1x6256x8xf32, #tpu.memory_space<hbm>> -> memref<6256x8xf32, #tpu.memory_space<hbm>>
      %dma_wait3A_120 = arith.constant 0 : i32
      %dma_wait3A_121 = tpu.memref_slice %arg6[%mul3A_109, %dma_wait3A_120] : memref<100096x8xf32, #tpu.memory_space<vmem_shared>> -> memref<6256x8xf32, #tpu.memory_space<vmem_shared>>
      tpu.wait_dma2 semaphore(%run_scoped3A : memref<!tpu.dma_semaphore, #tpu.memory_space<semaphore_mem>>) src(%dma_wait3A_121 : memref<6256x8xf32, #tpu.memory_space<vmem_shared>>) dst(%dma_wait3A_119 : memref<6256x8xf32, #tpu.memory_space<hbm>>)
      tpu.yield
    }) : () -> ()
    return
  }
}

#map = affine_map<(d0, d1) -> (0)>
module attributes {stable_mosaic.version = 14 : i64} {
  func.func @_hist_body(%arg0: i32, %arg1: i32, %arg2: memref<6400000xi32, #tpu.memory_space<hbm>>, %arg3: memref<409600xf32, #tpu.memory_space<hbm>>, %arg4: memref<102400xf32, #tpu.memory_space<vmem_shared>>, %arg5: memref<102400xf32, #tpu.memory_space<vmem_shared>>, %arg6: memref<6400xf32, #tpu.memory_space<vmem>>, %arg7: memref<2000xf32, #tpu.memory_space<vmem>>, %arg8: memref<2000xi32, #tpu.memory_space<vmem>>, %arg9: memref<2000xi32, #tpu.memory_space<vmem>>, %arg10: memref<2000xi32, #tpu.memory_space<vmem>>, %arg11: memref<2000xi32, #tpu.memory_space<vmem>>, %arg12: memref<2000xi32, #tpu.memory_space<vmem>>, %arg13: memref<2000xi32, #tpu.memory_space<vmem>>, %arg14: memref<2000xi32, #tpu.memory_space<vmem>>, %arg15: memref<2000xi32, #tpu.memory_space<vmem>>, %arg16: memref<!tpu.dma_semaphore, #tpu.memory_space<semaphore_mem>>, %arg17: memref<!tpu.dma_semaphore, #tpu.memory_space<semaphore_mem>>, %arg18: memref<!tpu.dma_semaphore, #tpu.memory_space<semaphore_mem>>, %arg19: memref<!tpu.dma_semaphore, #tpu.memory_space<semaphore_mem>>, %arg20: memref<!tpu.dma_semaphore, #tpu.memory_space<semaphore_mem>>, %arg21: memref<!tpu.dma_semaphore, #tpu.memory_space<semaphore_mem>>, %arg22: memref<!tpu.dma_semaphore, #tpu.memory_space<semaphore_mem>>, %arg23: memref<!tpu.dma_semaphore, #tpu.memory_space<semaphore_mem>>, %arg24: memref<!tpu.dma_semaphore, #tpu.memory_space<semaphore_mem>>, %arg25: memref<!tpu.dma_semaphore, #tpu.memory_space<semaphore_mem>>, %arg26: memref<!tpu.dma_semaphore, #tpu.memory_space<semaphore_mem>>, %arg27: memref<!tpu.dma_semaphore, #tpu.memory_space<semaphore_mem>>) attributes {dimension_semantics = [#tpu.dimension_semantics<core_parallel>, #tpu.dimension_semantics<subcore_parallel>], iteration_bounds = array<i64: 2, 16>, scalar_prefetch = 0 : i64, scratch_operands = 24 : i64, tpu.core_type = #tpu.core_type<sc_vector_subcore>, window_params = [{transform_indices = #map}, {transform_indices = #map}]} {
    %mul3A = arith.constant 16 : i32
    %mul3A_0 = arith.muli %arg0, %mul3A : i32
    %add3A = arith.addi %mul3A_0, %arg1 : i32
    %scan3A = arith.constant 0 : i32
    %scan3A_1 = arith.constant 0 : i32
    %scan3A_2 = arith.constant 400 : i32
    %scan3A_3 = arith.addi %scan3A_1, %scan3A_2 : i32
    %scan3A_4 = arith.constant 1 : i32
    scf.for %scan3A_131 = %scan3A_1 to %scan3A_3 step %scan3A_4  : i32 {
      %broadcast_in_dim3A = arith.constant 0.000000e+00 : f32
      %broadcast_in_dim3A_132 = vector.broadcast %broadcast_in_dim3A : f32 to vector<16xf32>
      %mul3A_133 = arith.constant 16 : i32
      %mul3A_134 = arith.muli %scan3A_131, %mul3A_133 : i32
      %swap3A = arith.index_cast %mul3A_134 : i32 to index
      %swap3A_135 = tpu.vector_load %arg6[%swap3A] {strides = array<i32>} : memref<6400xf32, #tpu.memory_space<vmem>>, vector<16xf32>,
      %swap3A_136 = vector.shape_cast %swap3A_135 : vector<16xf32> to vector<16xf32>
      %swap3A_137 = vector.shape_cast %broadcast_in_dim3A_132 : vector<16xf32> to vector<16xf32>
      tpu.vector_store %arg6[%swap3A], %swap3A_137 {strides = array<i32>} : memref<6400xf32, #tpu.memory_space<vmem>>, vector<16xf32>,
    }
    %scan3A_5 = arith.constant 400 : i32
    %scan3A_6 = arith.constant 0 : i32
    %scan3A_7 = arith.constant 0 : i32
    %scan3A_8 = arith.constant 125 : i32
    %scan3A_9 = arith.addi %scan3A_7, %scan3A_8 : i32
    %scan3A_10 = arith.constant 1 : i32
    scf.for %scan3A_131 = %scan3A_7 to %scan3A_9 step %scan3A_10  : i32 {
      %broadcast_in_dim3A = arith.constant 1.000000e+00 : f32
      %broadcast_in_dim3A_132 = vector.broadcast %broadcast_in_dim3A : f32 to vector<16xf32>
      %mul3A_133 = arith.constant 16 : i32
      %mul3A_134 = arith.muli %scan3A_131, %mul3A_133 : i32
      %swap3A = arith.index_cast %mul3A_134 : i32 to index
      %swap3A_135 = tpu.vector_load %arg7[%swap3A] {strides = array<i32>} : memref<2000xf32, #tpu.memory_space<vmem>>, vector<16xf32>,
      %swap3A_136 = vector.shape_cast %swap3A_135 : vector<16xf32> to vector<16xf32>
      %swap3A_137 = vector.shape_cast %broadcast_in_dim3A_132 : vector<16xf32> to vector<16xf32>
      tpu.vector_store %arg7[%swap3A], %swap3A_137 {strides = array<i32>} : memref<2000xf32, #tpu.memory_space<vmem>>, vector<16xf32>,
    }
    %scan3A_11 = arith.constant 125 : i32
    %mul3A_12 = arith.constant 6400 : i32
    %mul3A_13 = arith.muli %arg1, %mul3A_12 : i32
    "tpu.region"() ({
      %run_scoped3A = tpu.sem_alloc : memref<!tpu.dma_semaphore, #tpu.memory_space<semaphore_mem>>
      %dma_start3A = tpu.memref_slice %arg4[%mul3A_13] : memref<102400xf32, #tpu.memory_space<vmem_shared>> -> memref<6400xf32, #tpu.memory_space<vmem_shared>>
      %dma_start3A_131 = tpu.memref_slice %arg4[%mul3A_13] : memref<102400xf32, #tpu.memory_space<vmem_shared>> -> memref<6400xf32, #tpu.memory_space<vmem_shared>>
      tpu.enqueue_dma source(%arg6 : memref<6400xf32, #tpu.memory_space<vmem>>) target(%dma_start3A_131 : memref<6400xf32, #tpu.memory_space<vmem_shared>>) target_semaphore(%run_scoped3A : memref<!tpu.dma_semaphore, #tpu.memory_space<semaphore_mem>>)
      %dma_wait3A = tpu.memref_slice %arg4[%mul3A_13] : memref<102400xf32, #tpu.memory_space<vmem_shared>> -> memref<6400xf32, #tpu.memory_space<vmem_shared>>
      %dma_wait3A_132 = tpu.memref_slice %arg4[%mul3A_13] : memref<102400xf32, #tpu.memory_space<vmem_shared>> -> memref<6400xf32, #tpu.memory_space<vmem_shared>>
      tpu.wait_dma2 semaphore(%run_scoped3A : memref<!tpu.dma_semaphore, #tpu.memory_space<semaphore_mem>>) src(%arg6 : memref<6400xf32, #tpu.memory_space<vmem>>) dst(%dma_wait3A_132 : memref<6400xf32, #tpu.memory_space<vmem_shared>>)
      tpu.yield
    }) : () -> ()
    %mul3A_14 = arith.constant 6400 : i32
    %mul3A_15 = arith.muli %arg1, %mul3A_14 : i32
    "tpu.region"() ({
      %run_scoped3A = tpu.sem_alloc : memref<!tpu.dma_semaphore, #tpu.memory_space<semaphore_mem>>
      %dma_start3A = tpu.memref_slice %arg5[%mul3A_15] : memref<102400xf32, #tpu.memory_space<vmem_shared>> -> memref<6400xf32, #tpu.memory_space<vmem_shared>>
      %dma_start3A_131 = tpu.memref_slice %arg5[%mul3A_15] : memref<102400xf32, #tpu.memory_space<vmem_shared>> -> memref<6400xf32, #tpu.memory_space<vmem_shared>>
      tpu.enqueue_dma source(%arg6 : memref<6400xf32, #tpu.memory_space<vmem>>) target(%dma_start3A_131 : memref<6400xf32, #tpu.memory_space<vmem_shared>>) target_semaphore(%run_scoped3A : memref<!tpu.dma_semaphore, #tpu.memory_space<semaphore_mem>>)
      %dma_wait3A = tpu.memref_slice %arg5[%mul3A_15] : memref<102400xf32, #tpu.memory_space<vmem_shared>> -> memref<6400xf32, #tpu.memory_space<vmem_shared>>
      %dma_wait3A_132 = tpu.memref_slice %arg5[%mul3A_15] : memref<102400xf32, #tpu.memory_space<vmem_shared>> -> memref<6400xf32, #tpu.memory_space<vmem_shared>>
      tpu.wait_dma2 semaphore(%run_scoped3A : memref<!tpu.dma_semaphore, #tpu.memory_space<semaphore_mem>>) src(%arg6 : memref<6400xf32, #tpu.memory_space<vmem>>) dst(%dma_wait3A_132 : memref<6400xf32, #tpu.memory_space<vmem_shared>>)
      tpu.yield
    }) : () -> ()
    %barrier3A = arith.constant 0 : index
    tpu.barrier barrier_id(%barrier3A)
    %mul3A_16 = arith.constant 1600 : i32
    %mul3A_17 = arith.muli %mul3A_16, %add3A : i32
    %jit3A = arith.constant 32 : i32
    %div3A = arith.divsi %mul3A_17, %jit3A : i32
    %sign3A = arith.constant 0 : i32
    %sign3A_18 = arith.cmpi sgt, %mul3A_17, %sign3A : i32
    %sign3A_19 = arith.extui %sign3A_18 : i1 to i32
    %sign3A_20 = arith.constant 0 : i32
    %sign3A_21 = arith.cmpi slt, %mul3A_17, %sign3A_20 : i32
    %sign3A_22 = arith.extui %sign3A_21 : i1 to i32
    %sign3A_23 = arith.subi %sign3A_19, %sign3A_22 : i32
    %sign3A_24 = arith.constant 0 : i32
    %sign3A_25 = arith.cmpi sgt, %jit3A, %sign3A_24 : i32
    %sign3A_26 = arith.extui %sign3A_25 : i1 to i32
    %sign3A_27 = arith.constant 0 : i32
    %sign3A_28 = arith.cmpi slt, %jit3A, %sign3A_27 : i32
    %sign3A_29 = arith.extui %sign3A_28 : i1 to i32
    %sign3A_30 = arith.subi %sign3A_26, %sign3A_29 : i32
    %ne3A = arith.cmpi ne, %sign3A_23, %sign3A_30 : i32
    %rem3A = arith.remsi %mul3A_17, %jit3A : i32
    %ne3A_31 = arith.constant 0 : i32
    %ne3A_32 = arith.cmpi ne, %rem3A, %ne3A_31 : i32
    %and3A = arith.andi %ne3A, %ne3A_32 : i1
    %sub3A = arith.constant 1 : i32
    %sub3A_33 = arith.subi %div3A, %sub3A : i32
    %select_n3A = arith.select %and3A, %sub3A_33, %div3A : i32
    %add3A_34 = arith.constant 1 : i32
    %add3A_35 = arith.addi %add3A, %add3A_34 : i32
    %mul3A_36 = arith.constant 1600 : i32
    %mul3A_37 = arith.muli %mul3A_36, %add3A_35 : i32
    %jit3A_38 = arith.constant 32 : i32
    %div3A_39 = arith.divsi %mul3A_37, %jit3A_38 : i32
    %sign3A_40 = arith.constant 0 : i32
    %sign3A_41 = arith.cmpi sgt, %mul3A_37, %sign3A_40 : i32
    %sign3A_42 = arith.extui %sign3A_41 : i1 to i32
    %sign3A_43 = arith.constant 0 : i32
    %sign3A_44 = arith.cmpi slt, %mul3A_37, %sign3A_43 : i32
    %sign3A_45 = arith.extui %sign3A_44 : i1 to i32
    %sign3A_46 = arith.subi %sign3A_42, %sign3A_45 : i32
    %sign3A_47 = arith.constant 0 : i32
    %sign3A_48 = arith.cmpi sgt, %jit3A_38, %sign3A_47 : i32
    %sign3A_49 = arith.extui %sign3A_48 : i1 to i32
    %sign3A_50 = arith.constant 0 : i32
    %sign3A_51 = arith.cmpi slt, %jit3A_38, %sign3A_50 : i32
    %sign3A_52 = arith.extui %sign3A_51 : i1 to i32
    %sign3A_53 = arith.subi %sign3A_49, %sign3A_52 : i32
    %ne3A_54 = arith.cmpi ne, %sign3A_46, %sign3A_53 : i32
    %rem3A_55 = arith.remsi %mul3A_37, %jit3A_38 : i32
    %ne3A_56 = arith.constant 0 : i32
    %ne3A_57 = arith.cmpi ne, %rem3A_55, %ne3A_56 : i32
    %and3A_58 = arith.andi %ne3A_54, %ne3A_57 : i1
    %sub3A_59 = arith.constant 1 : i32
    %sub3A_60 = arith.subi %div3A_39, %sub3A_59 : i32
    %select_n3A_61 = arith.select %and3A_58, %sub3A_60, %div3A_39 : i32
    %sub3A_62 = arith.subi %select_n3A_61, %select_n3A : i32
    %add3A_63 = arith.constant 0 : i32
    %add3A_64 = arith.addi %select_n3A, %add3A_63 : i32
    %lt3A = arith.cmpi slt, %add3A_64, %select_n3A_61 : i32
    %convert_element_type3A = arith.extui %lt3A : i1 to i32
    %cond3A = arith.constant 0 : i32
    %cond3A_65 = arith.cmpi ne, %convert_element_type3A, %cond3A : i32
    scf.if %cond3A_65 {
      %add3A_131 = arith.constant 0 : i32
      %add3A_132 = arith.addi %select_n3A, %add3A_131 : i32
      %mul3A_133 = arith.constant 2000 : i32
      %mul3A_134 = arith.muli %add3A_132, %mul3A_133 : i32
      %dma_start3A = tpu.memref_slice %arg2[%mul3A_134] : memref<6400000xi32, #tpu.memory_space<hbm>> -> memref<2000xi32, #tpu.memory_space<hbm>>
      %dma_start3A_135 = tpu.memref_slice %arg2[%mul3A_134] : memref<6400000xi32, #tpu.memory_space<hbm>> -> memref<2000xi32, #tpu.memory_space<hbm>>
      tpu.enqueue_dma source(%dma_start3A_135 : memref<2000xi32, #tpu.memory_space<hbm>>) target(%arg8 : memref<2000xi32, #tpu.memory_space<vmem>>) target_semaphore(%arg16 : memref<!tpu.dma_semaphore, #tpu.memory_space<semaphore_mem>>)
      %mul3A_136 = arith.constant 2000 : i32
      %mul3A_137 = arith.muli %add3A_132, %mul3A_136 : i32
      %add3A_138 = arith.constant 3200000 : i32
      %add3A_139 = arith.addi %add3A_138, %mul3A_137 : i32
      %dma_start3A_140 = tpu.memref_slice %arg2[%add3A_139] : memref<6400000xi32, #tpu.memory_space<hbm>> -> memref<2000xi32, #tpu.memory_space<hbm>>
      %dma_start3A_141 = tpu.memref_slice %arg2[%add3A_139] : memref<6400000xi32, #tpu.memory_space<hbm>> -> memref<2000xi32, #tpu.memory_space<hbm>>
      tpu.enqueue_dma source(%dma_start3A_141 : memref<2000xi32, #tpu.memory_space<hbm>>) target(%arg12 : memref<2000xi32, #tpu.memory_space<vmem>>) target_semaphore(%arg20 : memref<!tpu.dma_semaphore, #tpu.memory_space<semaphore_mem>>)
    } else {
    }
    %add3A_66 = arith.constant 1 : i32
    %add3A_67 = arith.addi %select_n3A, %add3A_66 : i32
    %lt3A_68 = arith.cmpi slt, %add3A_67, %select_n3A_61 : i32
    %convert_element_type3A_69 = arith.extui %lt3A_68 : i1 to i32
    %cond3A_70 = arith.constant 0 : i32
    %cond3A_71 = arith.cmpi ne, %convert_element_type3A_69, %cond3A_70 : i32
    scf.if %cond3A_71 {
      %add3A_131 = arith.constant 1 : i32
      %add3A_132 = arith.addi %select_n3A, %add3A_131 : i32
      %mul3A_133 = arith.constant 2000 : i32
      %mul3A_134 = arith.muli %add3A_132, %mul3A_133 : i32
      %dma_start3A = tpu.memref_slice %arg2[%mul3A_134] : memref<6400000xi32, #tpu.memory_space<hbm>> -> memref<2000xi32, #tpu.memory_space<hbm>>
      %dma_start3A_135 = tpu.memref_slice %arg2[%mul3A_134] : memref<6400000xi32, #tpu.memory_space<hbm>> -> memref<2000xi32, #tpu.memory_space<hbm>>
      tpu.enqueue_dma source(%dma_start3A_135 : memref<2000xi32, #tpu.memory_space<hbm>>) target(%arg9 : memref<2000xi32, #tpu.memory_space<vmem>>) target_semaphore(%arg17 : memref<!tpu.dma_semaphore, #tpu.memory_space<semaphore_mem>>)
      %mul3A_136 = arith.constant 2000 : i32
      %mul3A_137 = arith.muli %add3A_132, %mul3A_136 : i32
      %add3A_138 = arith.constant 3200000 : i32
      %add3A_139 = arith.addi %add3A_138, %mul3A_137 : i32
      %dma_start3A_140 = tpu.memref_slice %arg2[%add3A_139] : memref<6400000xi32, #tpu.memory_space<hbm>> -> memref<2000xi32, #tpu.memory_space<hbm>>
      %dma_start3A_141 = tpu.memref_slice %arg2[%add3A_139] : memref<6400000xi32, #tpu.memory_space<hbm>> -> memref<2000xi32, #tpu.memory_space<hbm>>
      tpu.enqueue_dma source(%dma_start3A_141 : memref<2000xi32, #tpu.memory_space<hbm>>) target(%arg13 : memref<2000xi32, #tpu.memory_space<vmem>>) target_semaphore(%arg21 : memref<!tpu.dma_semaphore, #tpu.memory_space<semaphore_mem>>)
    } else {
    }
    %add3A_72 = arith.constant 3 : i32
    %add3A_73 = arith.addi %sub3A_62, %add3A_72 : i32
    %jit3A_74 = arith.constant 4 : i32
    %div3A_75 = arith.divsi %add3A_73, %jit3A_74 : i32
    %sign3A_76 = arith.constant 0 : i32
    %sign3A_77 = arith.cmpi sgt, %add3A_73, %sign3A_76 : i32
    %sign3A_78 = arith.extui %sign3A_77 : i1 to i32
    %sign3A_79 = arith.constant 0 : i32
    %sign3A_80 = arith.cmpi slt, %add3A_73, %sign3A_79 : i32
    %sign3A_81 = arith.extui %sign3A_80 : i1 to i32
    %sign3A_82 = arith.subi %sign3A_78, %sign3A_81 : i32
    %sign3A_83 = arith.constant 0 : i32
    %sign3A_84 = arith.cmpi sgt, %jit3A_74, %sign3A_83 : i32
    %sign3A_85 = arith.extui %sign3A_84 : i1 to i32
    %sign3A_86 = arith.constant 0 : i32
    %sign3A_87 = arith.cmpi slt, %jit3A_74, %sign3A_86 : i32
    %sign3A_88 = arith.extui %sign3A_87 : i1 to i32
    %sign3A_89 = arith.subi %sign3A_85, %sign3A_88 : i32
    %ne3A_90 = arith.cmpi ne, %sign3A_82, %sign3A_89 : i32
    %rem3A_91 = arith.remsi %add3A_73, %jit3A_74 : i32
    %ne3A_92 = arith.constant 0 : i32
    %ne3A_93 = arith.cmpi ne, %rem3A_91, %ne3A_92 : i32
    %and3A_94 = arith.andi %ne3A_90, %ne3A_93 : i1
    %sub3A_95 = arith.constant 1 : i32
    %sub3A_96 = arith.subi %div3A_75, %sub3A_95 : i32
    %select_n3A_97 = arith.select %and3A_94, %sub3A_96, %div3A_75 : i32
    %while3A = arith.constant 0 : i32
    %while3A_98 = arith.constant 0 : i32
    %while3A_99 = arith.subi %select_n3A_97, %while3A_98 : i32
    %while3A_100 = arith.addi %while3A_98, %while3A_99 : i32
    %while3A_101 = arith.constant 1 : i32
    %while3A_102 = arith.divsi %while3A_99, %while3A_101 : i32
    %while3A_103 = arith.muli %while3A_102, %while3A_101 : i32
    %while3A_104 = arith.addi %while3A_98, %while3A_103 : i32
    %while3A_105 = arith.constant 1 : i32
    scf.for %while3A_131 = %while3A_98 to %while3A_104 step %while3A_105  : i32 {
      %mul3A_132 = arith.constant 4 : i32
      %mul3A_133 = arith.muli %while3A_131, %mul3A_132 : i32
      %add3A_134 = arith.addi %select_n3A, %mul3A_133 : i32
      %add3A_135 = arith.constant 0 : i32
      %add3A_136 = arith.addi %add3A_134, %add3A_135 : i32
      %lt3A_137 = arith.cmpi slt, %add3A_136, %select_n3A_61 : i32
      %convert_element_type3A_138 = arith.extui %lt3A_137 : i1 to i32
      %cond3A_139 = arith.constant 0 : i32
      %cond3A_140 = arith.cmpi ne, %convert_element_type3A_138, %cond3A_139 : i32
      scf.if %cond3A_140 {
        %sub3A_168 = arith.constant 2 : i32
        %sub3A_169 = arith.subi %add3A_136, %sub3A_168 : i32
        %ge3A = arith.cmpi sge, %sub3A_169, %select_n3A : i32
        %convert_element_type3A_170 = arith.extui %ge3A : i1 to i32
        %cond3A_171 = arith.constant 0 : i32
        %cond3A_172 = arith.cmpi ne, %convert_element_type3A_170, %cond3A_171 : i32
        scf.if %cond3A_172 {
          %dma_wait3A_191 = arith.constant 0 : i32
          %dma_wait3A_192 = tpu.memref_slice %arg4[%dma_wait3A_191] : memref<102400xf32, #tpu.memory_space<vmem_shared>> -> memref<102400xf32, #tpu.memory_space<vmem_shared>>
          tpu.wait_indirect_dma semaphore(%arg24 : memref<!tpu.dma_semaphore, #tpu.memory_space<semaphore_mem>>) src(%arg7 : memref<2000xf32, #tpu.memory_space<vmem>>) dst(%dma_wait3A_192 : memref<102400xf32, #tpu.memory_space<vmem_shared>>)
          %dma_wait3A_193 = arith.constant 0 : i32
          %dma_wait3A_194 = tpu.memref_slice %arg5[%dma_wait3A_193] : memref<102400xf32, #tpu.memory_space<vmem_shared>> -> memref<102400xf32, #tpu.memory_space<vmem_shared>>
          tpu.wait_indirect_dma semaphore(%arg26 : memref<!tpu.dma_semaphore, #tpu.memory_space<semaphore_mem>>) src(%arg7 : memref<2000xf32, #tpu.memory_space<vmem>>) dst(%dma_wait3A_194 : memref<102400xf32, #tpu.memory_space<vmem_shared>>)
        } else {
        }
        %add3A_173 = arith.constant 2 : i32
        %add3A_174 = arith.addi %add3A_136, %add3A_173 : i32
        %lt3A_175 = arith.cmpi slt, %add3A_174, %select_n3A_61 : i32
        %convert_element_type3A_176 = arith.extui %lt3A_175 : i1 to i32
        %cond3A_177 = arith.constant 0 : i32
        %cond3A_178 = arith.cmpi ne, %convert_element_type3A_176, %cond3A_177 : i32
        scf.if %cond3A_178 {
          %add3A_191 = arith.constant 2 : i32
          %add3A_192 = arith.addi %add3A_136, %add3A_191 : i32
          %mul3A_193 = arith.constant 2000 : i32
          %mul3A_194 = arith.muli %add3A_192, %mul3A_193 : i32
          %dma_start3A_195 = tpu.memref_slice %arg2[%mul3A_194] : memref<6400000xi32, #tpu.memory_space<hbm>> -> memref<2000xi32, #tpu.memory_space<hbm>>
          %dma_start3A_196 = tpu.memref_slice %arg2[%mul3A_194] : memref<6400000xi32, #tpu.memory_space<hbm>> -> memref<2000xi32, #tpu.memory_space<hbm>>
          tpu.enqueue_dma source(%dma_start3A_196 : memref<2000xi32, #tpu.memory_space<hbm>>) target(%arg10 : memref<2000xi32, #tpu.memory_space<vmem>>) target_semaphore(%arg18 : memref<!tpu.dma_semaphore, #tpu.memory_space<semaphore_mem>>)
          %mul3A_197 = arith.constant 2000 : i32
          %mul3A_198 = arith.muli %add3A_192, %mul3A_197 : i32
          %add3A_199 = arith.constant 3200000 : i32
          %add3A_200 = arith.addi %add3A_199, %mul3A_198 : i32
          %dma_start3A_201 = tpu.memref_slice %arg2[%add3A_200] : memref<6400000xi32, #tpu.memory_space<hbm>> -> memref<2000xi32, #tpu.memory_space<hbm>>
          %dma_start3A_202 = tpu.memref_slice %arg2[%add3A_200] : memref<6400000xi32, #tpu.memory_space<hbm>> -> memref<2000xi32, #tpu.memory_space<hbm>>
          tpu.enqueue_dma source(%dma_start3A_202 : memref<2000xi32, #tpu.memory_space<hbm>>) target(%arg14 : memref<2000xi32, #tpu.memory_space<vmem>>) target_semaphore(%arg22 : memref<!tpu.dma_semaphore, #tpu.memory_space<semaphore_mem>>)
        } else {
        }
        %mul3A_179 = arith.constant 2000 : i32
        %mul3A_180 = arith.muli %add3A_136, %mul3A_179 : i32
        %dma_wait3A = tpu.memref_slice %arg2[%mul3A_180] : memref<6400000xi32, #tpu.memory_space<hbm>> -> memref<2000xi32, #tpu.memory_space<hbm>>
        %dma_wait3A_181 = tpu.memref_slice %arg2[%mul3A_180] : memref<6400000xi32, #tpu.memory_space<hbm>> -> memref<2000xi32, #tpu.memory_space<hbm>>
        tpu.wait_dma2 semaphore(%arg16 : memref<!tpu.dma_semaphore, #tpu.memory_space<semaphore_mem>>) src(%dma_wait3A_181 : memref<2000xi32, #tpu.memory_space<hbm>>) dst(%arg8 : memref<2000xi32, #tpu.memory_space<vmem>>)
        %mul3A_182 = arith.constant 2000 : i32
        %mul3A_183 = arith.muli %add3A_136, %mul3A_182 : i32
        %add3A_184 = arith.constant 3200000 : i32
        %add3A_185 = arith.addi %add3A_184, %mul3A_183 : i32
        %dma_wait3A_186 = tpu.memref_slice %arg2[%add3A_185] : memref<6400000xi32, #tpu.memory_space<hbm>> -> memref<2000xi32, #tpu.memory_space<hbm>>
        %dma_wait3A_187 = tpu.memref_slice %arg2[%add3A_185] : memref<6400000xi32, #tpu.memory_space<hbm>> -> memref<2000xi32, #tpu.memory_space<hbm>>
        tpu.wait_dma2 semaphore(%arg20 : memref<!tpu.dma_semaphore, #tpu.memory_space<semaphore_mem>>) src(%dma_wait3A_187 : memref<2000xi32, #tpu.memory_space<hbm>>) dst(%arg12 : memref<2000xi32, #tpu.memory_space<vmem>>)
        %dma_start3A = arith.constant 0 : i32
        %dma_start3A_188 = tpu.memref_slice %arg4[%dma_start3A] : memref<102400xf32, #tpu.memory_space<vmem_shared>> -> memref<102400xf32, #tpu.memory_space<vmem_shared>>
        tpu.enqueue_indirect_dma source(%arg7 : memref<2000xf32, #tpu.memory_space<vmem>>) target(%dma_start3A_188 : memref<102400xf32, #tpu.memory_space<vmem_shared>>) offsets(%arg8 : memref<2000xi32, #tpu.memory_space<vmem>>) semaphore(%arg24 : memref<!tpu.dma_semaphore, #tpu.memory_space<semaphore_mem>>) {add = true}
        %dma_start3A_189 = arith.constant 0 : i32
        %dma_start3A_190 = tpu.memref_slice %arg5[%dma_start3A_189] : memref<102400xf32, #tpu.memory_space<vmem_shared>> -> memref<102400xf32, #tpu.memory_space<vmem_shared>>
        tpu.enqueue_indirect_dma source(%arg7 : memref<2000xf32, #tpu.memory_space<vmem>>) target(%dma_start3A_190 : memref<102400xf32, #tpu.memory_space<vmem_shared>>) offsets(%arg12 : memref<2000xi32, #tpu.memory_space<vmem>>) semaphore(%arg26 : memref<!tpu.dma_semaphore, #tpu.memory_space<semaphore_mem>>) {add = true}
      } else {
      }
      %mul3A_141 = arith.constant 4 : i32
      %mul3A_142 = arith.muli %while3A_131, %mul3A_141 : i32
      %add3A_143 = arith.addi %select_n3A, %mul3A_142 : i32
      %add3A_144 = arith.constant 1 : i32
      %add3A_145 = arith.addi %add3A_143, %add3A_144 : i32
      %lt3A_146 = arith.cmpi slt, %add3A_145, %select_n3A_61 : i32
      %convert_element_type3A_147 = arith.extui %lt3A_146 : i1 to i32
      %cond3A_148 = arith.constant 0 : i32
      %cond3A_149 = arith.cmpi ne, %convert_element_type3A_147, %cond3A_148 : i32
      scf.if %cond3A_149 {
        %sub3A_168 = arith.constant 2 : i32
        %sub3A_169 = arith.subi %add3A_145, %sub3A_168 : i32
        %ge3A = arith.cmpi sge, %sub3A_169, %select_n3A : i32
        %convert_element_type3A_170 = arith.extui %ge3A : i1 to i32
        %cond3A_171 = arith.constant 0 : i32
        %cond3A_172 = arith.cmpi ne, %convert_element_type3A_170, %cond3A_171 : i32
        scf.if %cond3A_172 {
          %dma_wait3A_191 = arith.constant 0 : i32
          %dma_wait3A_192 = tpu.memref_slice %arg4[%dma_wait3A_191] : memref<102400xf32, #tpu.memory_space<vmem_shared>> -> memref<102400xf32, #tpu.memory_space<vmem_shared>>
          tpu.wait_indirect_dma semaphore(%arg25 : memref<!tpu.dma_semaphore, #tpu.memory_space<semaphore_mem>>) src(%arg7 : memref<2000xf32, #tpu.memory_space<vmem>>) dst(%dma_wait3A_192 : memref<102400xf32, #tpu.memory_space<vmem_shared>>)
          %dma_wait3A_193 = arith.constant 0 : i32
          %dma_wait3A_194 = tpu.memref_slice %arg5[%dma_wait3A_193] : memref<102400xf32, #tpu.memory_space<vmem_shared>> -> memref<102400xf32, #tpu.memory_space<vmem_shared>>
          tpu.wait_indirect_dma semaphore(%arg27 : memref<!tpu.dma_semaphore, #tpu.memory_space<semaphore_mem>>) src(%arg7 : memref<2000xf32, #tpu.memory_space<vmem>>) dst(%dma_wait3A_194 : memref<102400xf32, #tpu.memory_space<vmem_shared>>)
        } else {
        }
        %add3A_173 = arith.constant 2 : i32
        %add3A_174 = arith.addi %add3A_145, %add3A_173 : i32
        %lt3A_175 = arith.cmpi slt, %add3A_174, %select_n3A_61 : i32
        %convert_element_type3A_176 = arith.extui %lt3A_175 : i1 to i32
        %cond3A_177 = arith.constant 0 : i32
        %cond3A_178 = arith.cmpi ne, %convert_element_type3A_176, %cond3A_177 : i32
        scf.if %cond3A_178 {
          %add3A_191 = arith.constant 2 : i32
          %add3A_192 = arith.addi %add3A_145, %add3A_191 : i32
          %mul3A_193 = arith.constant 2000 : i32
          %mul3A_194 = arith.muli %add3A_192, %mul3A_193 : i32
          %dma_start3A_195 = tpu.memref_slice %arg2[%mul3A_194] : memref<6400000xi32, #tpu.memory_space<hbm>> -> memref<2000xi32, #tpu.memory_space<hbm>>
          %dma_start3A_196 = tpu.memref_slice %arg2[%mul3A_194] : memref<6400000xi32, #tpu.memory_space<hbm>> -> memref<2000xi32, #tpu.memory_space<hbm>>
          tpu.enqueue_dma source(%dma_start3A_196 : memref<2000xi32, #tpu.memory_space<hbm>>) target(%arg11 : memref<2000xi32, #tpu.memory_space<vmem>>) target_semaphore(%arg19 : memref<!tpu.dma_semaphore, #tpu.memory_space<semaphore_mem>>)
          %mul3A_197 = arith.constant 2000 : i32
          %mul3A_198 = arith.muli %add3A_192, %mul3A_197 : i32
          %add3A_199 = arith.constant 3200000 : i32
          %add3A_200 = arith.addi %add3A_199, %mul3A_198 : i32
          %dma_start3A_201 = tpu.memref_slice %arg2[%add3A_200] : memref<6400000xi32, #tpu.memory_space<hbm>> -> memref<2000xi32, #tpu.memory_space<hbm>>
          %dma_start3A_202 = tpu.memref_slice %arg2[%add3A_200] : memref<6400000xi32, #tpu.memory_space<hbm>> -> memref<2000xi32, #tpu.memory_space<hbm>>
          tpu.enqueue_dma source(%dma_start3A_202 : memref<2000xi32, #tpu.memory_space<hbm>>) target(%arg15 : memref<2000xi32, #tpu.memory_space<vmem>>) target_semaphore(%arg23 : memref<!tpu.dma_semaphore, #tpu.memory_space<semaphore_mem>>)
        } else {
        }
        %mul3A_179 = arith.constant 2000 : i32
        %mul3A_180 = arith.muli %add3A_145, %mul3A_179 : i32
        %dma_wait3A = tpu.memref_slice %arg2[%mul3A_180] : memref<6400000xi32, #tpu.memory_space<hbm>> -> memref<2000xi32, #tpu.memory_space<hbm>>
        %dma_wait3A_181 = tpu.memref_slice %arg2[%mul3A_180] : memref<6400000xi32, #tpu.memory_space<hbm>> -> memref<2000xi32, #tpu.memory_space<hbm>>
        tpu.wait_dma2 semaphore(%arg17 : memref<!tpu.dma_semaphore, #tpu.memory_space<semaphore_mem>>) src(%dma_wait3A_181 : memref<2000xi32, #tpu.memory_space<hbm>>) dst(%arg9 : memref<2000xi32, #tpu.memory_space<vmem>>)
        %mul3A_182 = arith.constant 2000 : i32
        %mul3A_183 = arith.muli %add3A_145, %mul3A_182 : i32
        %add3A_184 = arith.constant 3200000 : i32
        %add3A_185 = arith.addi %add3A_184, %mul3A_183 : i32
        %dma_wait3A_186 = tpu.memref_slice %arg2[%add3A_185] : memref<6400000xi32, #tpu.memory_space<hbm>> -> memref<2000xi32, #tpu.memory_space<hbm>>
        %dma_wait3A_187 = tpu.memref_slice %arg2[%add3A_185] : memref<6400000xi32, #tpu.memory_space<hbm>> -> memref<2000xi32, #tpu.memory_space<hbm>>
        tpu.wait_dma2 semaphore(%arg21 : memref<!tpu.dma_semaphore, #tpu.memory_space<semaphore_mem>>) src(%dma_wait3A_187 : memref<2000xi32, #tpu.memory_space<hbm>>) dst(%arg13 : memref<2000xi32, #tpu.memory_space<vmem>>)
        %dma_start3A = arith.constant 0 : i32
        %dma_start3A_188 = tpu.memref_slice %arg4[%dma_start3A] : memref<102400xf32, #tpu.memory_space<vmem_shared>> -> memref<102400xf32, #tpu.memory_space<vmem_shared>>
        tpu.enqueue_indirect_dma source(%arg7 : memref<2000xf32, #tpu.memory_space<vmem>>) target(%dma_start3A_188 : memref<102400xf32, #tpu.memory_space<vmem_shared>>) offsets(%arg9 : memref<2000xi32, #tpu.memory_space<vmem>>) semaphore(%arg25 : memref<!tpu.dma_semaphore, #tpu.memory_space<semaphore_mem>>) {add = true}
        %dma_start3A_189 = arith.constant 0 : i32
        %dma_start3A_190 = tpu.memref_slice %arg5[%dma_start3A_189] : memref<102400xf32, #tpu.memory_space<vmem_shared>> -> memref<102400xf32, #tpu.memory_space<vmem_shared>>
        tpu.enqueue_indirect_dma source(%arg7 : memref<2000xf32, #tpu.memory_space<vmem>>) target(%dma_start3A_190 : memref<102400xf32, #tpu.memory_space<vmem_shared>>) offsets(%arg13 : memref<2000xi32, #tpu.memory_space<vmem>>) semaphore(%arg27 : memref<!tpu.dma_semaphore, #tpu.memory_space<semaphore_mem>>) {add = true}
      } else {
      }
      %mul3A_150 = arith.constant 4 : i32
      %mul3A_151 = arith.muli %while3A_131, %mul3A_150 : i32
      %add3A_152 = arith.addi %select_n3A, %mul3A_151 : i32
      %add3A_153 = arith.constant 2 : i32
      %add3A_154 = arith.addi %add3A_152, %add3A_153 : i32
      %lt3A_155 = arith.cmpi slt, %add3A_154, %select_n3A_61 : i32
      %convert_element_type3A_156 = arith.extui %lt3A_155 : i1 to i32
      %cond3A_157 = arith.constant 0 : i32
      %cond3A_158 = arith.cmpi ne, %convert_element_type3A_156, %cond3A_157 : i32
      scf.if %cond3A_158 {
        %sub3A_168 = arith.constant 2 : i32
        %sub3A_169 = arith.subi %add3A_154, %sub3A_168 : i32
        %ge3A = arith.cmpi sge, %sub3A_169, %select_n3A : i32
        %convert_element_type3A_170 = arith.extui %ge3A : i1 to i32
        %cond3A_171 = arith.constant 0 : i32
        %cond3A_172 = arith.cmpi ne, %convert_element_type3A_170, %cond3A_171 : i32
        scf.if %cond3A_172 {
          %dma_wait3A_191 = arith.constant 0 : i32
          %dma_wait3A_192 = tpu.memref_slice %arg4[%dma_wait3A_191] : memref<102400xf32, #tpu.memory_space<vmem_shared>> -> memref<102400xf32, #tpu.memory_space<vmem_shared>>
          tpu.wait_indirect_dma semaphore(%arg24 : memref<!tpu.dma_semaphore, #tpu.memory_space<semaphore_mem>>) src(%arg7 : memref<2000xf32, #tpu.memory_space<vmem>>) dst(%dma_wait3A_192 : memref<102400xf32, #tpu.memory_space<vmem_shared>>)
          %dma_wait3A_193 = arith.constant 0 : i32
          %dma_wait3A_194 = tpu.memref_slice %arg5[%dma_wait3A_193] : memref<102400xf32, #tpu.memory_space<vmem_shared>> -> memref<102400xf32, #tpu.memory_space<vmem_shared>>
          tpu.wait_indirect_dma semaphore(%arg26 : memref<!tpu.dma_semaphore, #tpu.memory_space<semaphore_mem>>) src(%arg7 : memref<2000xf32, #tpu.memory_space<vmem>>) dst(%dma_wait3A_194 : memref<102400xf32, #tpu.memory_space<vmem_shared>>)
        } else {
        }
        %add3A_173 = arith.constant 2 : i32
        %add3A_174 = arith.addi %add3A_154, %add3A_173 : i32
        %lt3A_175 = arith.cmpi slt, %add3A_174, %select_n3A_61 : i32
        %convert_element_type3A_176 = arith.extui %lt3A_175 : i1 to i32
        %cond3A_177 = arith.constant 0 : i32
        %cond3A_178 = arith.cmpi ne, %convert_element_type3A_176, %cond3A_177 : i32
        scf.if %cond3A_178 {
          %add3A_191 = arith.constant 2 : i32
          %add3A_192 = arith.addi %add3A_154, %add3A_191 : i32
          %mul3A_193 = arith.constant 2000 : i32
          %mul3A_194 = arith.muli %add3A_192, %mul3A_193 : i32
          %dma_start3A_195 = tpu.memref_slice %arg2[%mul3A_194] : memref<6400000xi32, #tpu.memory_space<hbm>> -> memref<2000xi32, #tpu.memory_space<hbm>>
          %dma_start3A_196 = tpu.memref_slice %arg2[%mul3A_194] : memref<6400000xi32, #tpu.memory_space<hbm>> -> memref<2000xi32, #tpu.memory_space<hbm>>
          tpu.enqueue_dma source(%dma_start3A_196 : memref<2000xi32, #tpu.memory_space<hbm>>) target(%arg8 : memref<2000xi32, #tpu.memory_space<vmem>>) target_semaphore(%arg16 : memref<!tpu.dma_semaphore, #tpu.memory_space<semaphore_mem>>)
          %mul3A_197 = arith.constant 2000 : i32
          %mul3A_198 = arith.muli %add3A_192, %mul3A_197 : i32
          %add3A_199 = arith.constant 3200000 : i32
          %add3A_200 = arith.addi %add3A_199, %mul3A_198 : i32
          %dma_start3A_201 = tpu.memref_slice %arg2[%add3A_200] : memref<6400000xi32, #tpu.memory_space<hbm>> -> memref<2000xi32, #tpu.memory_space<hbm>>
          %dma_start3A_202 = tpu.memref_slice %arg2[%add3A_200] : memref<6400000xi32, #tpu.memory_space<hbm>> -> memref<2000xi32, #tpu.memory_space<hbm>>
          tpu.enqueue_dma source(%dma_start3A_202 : memref<2000xi32, #tpu.memory_space<hbm>>) target(%arg12 : memref<2000xi32, #tpu.memory_space<vmem>>) target_semaphore(%arg20 : memref<!tpu.dma_semaphore, #tpu.memory_space<semaphore_mem>>)
        } else {
        }
        %mul3A_179 = arith.constant 2000 : i32
        %mul3A_180 = arith.muli %add3A_154, %mul3A_179 : i32
        %dma_wait3A = tpu.memref_slice %arg2[%mul3A_180] : memref<6400000xi32, #tpu.memory_space<hbm>> -> memref<2000xi32, #tpu.memory_space<hbm>>
        %dma_wait3A_181 = tpu.memref_slice %arg2[%mul3A_180] : memref<6400000xi32, #tpu.memory_space<hbm>> -> memref<2000xi32, #tpu.memory_space<hbm>>
        tpu.wait_dma2 semaphore(%arg18 : memref<!tpu.dma_semaphore, #tpu.memory_space<semaphore_mem>>) src(%dma_wait3A_181 : memref<2000xi32, #tpu.memory_space<hbm>>) dst(%arg10 : memref<2000xi32, #tpu.memory_space<vmem>>)
        %mul3A_182 = arith.constant 2000 : i32
        %mul3A_183 = arith.muli %add3A_154, %mul3A_182 : i32
        %add3A_184 = arith.constant 3200000 : i32
        %add3A_185 = arith.addi %add3A_184, %mul3A_183 : i32
        %dma_wait3A_186 = tpu.memref_slice %arg2[%add3A_185] : memref<6400000xi32, #tpu.memory_space<hbm>> -> memref<2000xi32, #tpu.memory_space<hbm>>
        %dma_wait3A_187 = tpu.memref_slice %arg2[%add3A_185] : memref<6400000xi32, #tpu.memory_space<hbm>> -> memref<2000xi32, #tpu.memory_space<hbm>>
        tpu.wait_dma2 semaphore(%arg22 : memref<!tpu.dma_semaphore, #tpu.memory_space<semaphore_mem>>) src(%dma_wait3A_187 : memref<2000xi32, #tpu.memory_space<hbm>>) dst(%arg14 : memref<2000xi32, #tpu.memory_space<vmem>>)
        %dma_start3A = arith.constant 0 : i32
        %dma_start3A_188 = tpu.memref_slice %arg4[%dma_start3A] : memref<102400xf32, #tpu.memory_space<vmem_shared>> -> memref<102400xf32, #tpu.memory_space<vmem_shared>>
        tpu.enqueue_indirect_dma source(%arg7 : memref<2000xf32, #tpu.memory_space<vmem>>) target(%dma_start3A_188 : memref<102400xf32, #tpu.memory_space<vmem_shared>>) offsets(%arg10 : memref<2000xi32, #tpu.memory_space<vmem>>) semaphore(%arg24 : memref<!tpu.dma_semaphore, #tpu.memory_space<semaphore_mem>>) {add = true}
        %dma_start3A_189 = arith.constant 0 : i32
        %dma_start3A_190 = tpu.memref_slice %arg5[%dma_start3A_189] : memref<102400xf32, #tpu.memory_space<vmem_shared>> -> memref<102400xf32, #tpu.memory_space<vmem_shared>>
        tpu.enqueue_indirect_dma source(%arg7 : memref<2000xf32, #tpu.memory_space<vmem>>) target(%dma_start3A_190 : memref<102400xf32, #tpu.memory_space<vmem_shared>>) offsets(%arg14 : memref<2000xi32, #tpu.memory_space<vmem>>) semaphore(%arg26 : memref<!tpu.dma_semaphore, #tpu.memory_space<semaphore_mem>>) {add = true}
      } else {
      }
      %mul3A_159 = arith.constant 4 : i32
      %mul3A_160 = arith.muli %while3A_131, %mul3A_159 : i32
      %add3A_161 = arith.addi %select_n3A, %mul3A_160 : i32
      %add3A_162 = arith.constant 3 : i32
      %add3A_163 = arith.addi %add3A_161, %add3A_162 : i32
      %lt3A_164 = arith.cmpi slt, %add3A_163, %select_n3A_61 : i32
      %convert_element_type3A_165 = arith.extui %lt3A_164 : i1 to i32
      %cond3A_166 = arith.constant 0 : i32
      %cond3A_167 = arith.cmpi ne, %convert_element_type3A_165, %cond3A_166 : i32
      scf.if %cond3A_167 {
        %sub3A_168 = arith.constant 2 : i32
        %sub3A_169 = arith.subi %add3A_163, %sub3A_168 : i32
        %ge3A = arith.cmpi sge, %sub3A_169, %select_n3A : i32
        %convert_element_type3A_170 = arith.extui %ge3A : i1 to i32
        %cond3A_171 = arith.constant 0 : i32
        %cond3A_172 = arith.cmpi ne, %convert_element_type3A_170, %cond3A_171 : i32
        scf.if %cond3A_172 {
          %dma_wait3A_191 = arith.constant 0 : i32
          %dma_wait3A_192 = tpu.memref_slice %arg4[%dma_wait3A_191] : memref<102400xf32, #tpu.memory_space<vmem_shared>> -> memref<102400xf32, #tpu.memory_space<vmem_shared>>
          tpu.wait_indirect_dma semaphore(%arg25 : memref<!tpu.dma_semaphore, #tpu.memory_space<semaphore_mem>>) src(%arg7 : memref<2000xf32, #tpu.memory_space<vmem>>) dst(%dma_wait3A_192 : memref<102400xf32, #tpu.memory_space<vmem_shared>>)
          %dma_wait3A_193 = arith.constant 0 : i32
          %dma_wait3A_194 = tpu.memref_slice %arg5[%dma_wait3A_193] : memref<102400xf32, #tpu.memory_space<vmem_shared>> -> memref<102400xf32, #tpu.memory_space<vmem_shared>>
          tpu.wait_indirect_dma semaphore(%arg27 : memref<!tpu.dma_semaphore, #tpu.memory_space<semaphore_mem>>) src(%arg7 : memref<2000xf32, #tpu.memory_space<vmem>>) dst(%dma_wait3A_194 : memref<102400xf32, #tpu.memory_space<vmem_shared>>)
        } else {
        }
        %add3A_173 = arith.constant 2 : i32
        %add3A_174 = arith.addi %add3A_163, %add3A_173 : i32
        %lt3A_175 = arith.cmpi slt, %add3A_174, %select_n3A_61 : i32
        %convert_element_type3A_176 = arith.extui %lt3A_175 : i1 to i32
        %cond3A_177 = arith.constant 0 : i32
        %cond3A_178 = arith.cmpi ne, %convert_element_type3A_176, %cond3A_177 : i32
        scf.if %cond3A_178 {
          %add3A_191 = arith.constant 2 : i32
          %add3A_192 = arith.addi %add3A_163, %add3A_191 : i32
          %mul3A_193 = arith.constant 2000 : i32
          %mul3A_194 = arith.muli %add3A_192, %mul3A_193 : i32
          %dma_start3A_195 = tpu.memref_slice %arg2[%mul3A_194] : memref<6400000xi32, #tpu.memory_space<hbm>> -> memref<2000xi32, #tpu.memory_space<hbm>>
          %dma_start3A_196 = tpu.memref_slice %arg2[%mul3A_194] : memref<6400000xi32, #tpu.memory_space<hbm>> -> memref<2000xi32, #tpu.memory_space<hbm>>
          tpu.enqueue_dma source(%dma_start3A_196 : memref<2000xi32, #tpu.memory_space<hbm>>) target(%arg9 : memref<2000xi32, #tpu.memory_space<vmem>>) target_semaphore(%arg17 : memref<!tpu.dma_semaphore, #tpu.memory_space<semaphore_mem>>)
          %mul3A_197 = arith.constant 2000 : i32
          %mul3A_198 = arith.muli %add3A_192, %mul3A_197 : i32
          %add3A_199 = arith.constant 3200000 : i32
          %add3A_200 = arith.addi %add3A_199, %mul3A_198 : i32
          %dma_start3A_201 = tpu.memref_slice %arg2[%add3A_200] : memref<6400000xi32, #tpu.memory_space<hbm>> -> memref<2000xi32, #tpu.memory_space<hbm>>
          %dma_start3A_202 = tpu.memref_slice %arg2[%add3A_200] : memref<6400000xi32, #tpu.memory_space<hbm>> -> memref<2000xi32, #tpu.memory_space<hbm>>
          tpu.enqueue_dma source(%dma_start3A_202 : memref<2000xi32, #tpu.memory_space<hbm>>) target(%arg13 : memref<2000xi32, #tpu.memory_space<vmem>>) target_semaphore(%arg21 : memref<!tpu.dma_semaphore, #tpu.memory_space<semaphore_mem>>)
        } else {
        }
        %mul3A_179 = arith.constant 2000 : i32
        %mul3A_180 = arith.muli %add3A_163, %mul3A_179 : i32
        %dma_wait3A = tpu.memref_slice %arg2[%mul3A_180] : memref<6400000xi32, #tpu.memory_space<hbm>> -> memref<2000xi32, #tpu.memory_space<hbm>>
        %dma_wait3A_181 = tpu.memref_slice %arg2[%mul3A_180] : memref<6400000xi32, #tpu.memory_space<hbm>> -> memref<2000xi32, #tpu.memory_space<hbm>>
        tpu.wait_dma2 semaphore(%arg19 : memref<!tpu.dma_semaphore, #tpu.memory_space<semaphore_mem>>) src(%dma_wait3A_181 : memref<2000xi32, #tpu.memory_space<hbm>>) dst(%arg11 : memref<2000xi32, #tpu.memory_space<vmem>>)
        %mul3A_182 = arith.constant 2000 : i32
        %mul3A_183 = arith.muli %add3A_163, %mul3A_182 : i32
        %add3A_184 = arith.constant 3200000 : i32
        %add3A_185 = arith.addi %add3A_184, %mul3A_183 : i32
        %dma_wait3A_186 = tpu.memref_slice %arg2[%add3A_185] : memref<6400000xi32, #tpu.memory_space<hbm>> -> memref<2000xi32, #tpu.memory_space<hbm>>
        %dma_wait3A_187 = tpu.memref_slice %arg2[%add3A_185] : memref<6400000xi32, #tpu.memory_space<hbm>> -> memref<2000xi32, #tpu.memory_space<hbm>>
        tpu.wait_dma2 semaphore(%arg23 : memref<!tpu.dma_semaphore, #tpu.memory_space<semaphore_mem>>) src(%dma_wait3A_187 : memref<2000xi32, #tpu.memory_space<hbm>>) dst(%arg15 : memref<2000xi32, #tpu.memory_space<vmem>>)
        %dma_start3A = arith.constant 0 : i32
        %dma_start3A_188 = tpu.memref_slice %arg4[%dma_start3A] : memref<102400xf32, #tpu.memory_space<vmem_shared>> -> memref<102400xf32, #tpu.memory_space<vmem_shared>>
        tpu.enqueue_indirect_dma source(%arg7 : memref<2000xf32, #tpu.memory_space<vmem>>) target(%dma_start3A_188 : memref<102400xf32, #tpu.memory_space<vmem_shared>>) offsets(%arg11 : memref<2000xi32, #tpu.memory_space<vmem>>) semaphore(%arg25 : memref<!tpu.dma_semaphore, #tpu.memory_space<semaphore_mem>>) {add = true}
        %dma_start3A_189 = arith.constant 0 : i32
        %dma_start3A_190 = tpu.memref_slice %arg5[%dma_start3A_189] : memref<102400xf32, #tpu.memory_space<vmem_shared>> -> memref<102400xf32, #tpu.memory_space<vmem_shared>>
        tpu.enqueue_indirect_dma source(%arg7 : memref<2000xf32, #tpu.memory_space<vmem>>) target(%dma_start3A_190 : memref<102400xf32, #tpu.memory_space<vmem_shared>>) offsets(%arg15 : memref<2000xi32, #tpu.memory_space<vmem>>) semaphore(%arg27 : memref<!tpu.dma_semaphore, #tpu.memory_space<semaphore_mem>>) {add = true}
      } else {
      }
    }
    %while3A_106 = arith.constant 1 : i32
    scf.for %while3A_131 = %while3A_104 to %while3A_100 step %while3A_106  : i32 {
      %mul3A_132 = arith.constant 4 : i32
      %mul3A_133 = arith.muli %while3A_131, %mul3A_132 : i32
      %add3A_134 = arith.addi %select_n3A, %mul3A_133 : i32
      %add3A_135 = arith.constant 0 : i32
      %add3A_136 = arith.addi %add3A_134, %add3A_135 : i32
      %lt3A_137 = arith.cmpi slt, %add3A_136, %select_n3A_61 : i32
      %convert_element_type3A_138 = arith.extui %lt3A_137 : i1 to i32
      %cond3A_139 = arith.constant 0 : i32
      %cond3A_140 = arith.cmpi ne, %convert_element_type3A_138, %cond3A_139 : i32
      scf.if %cond3A_140 {
        %sub3A_168 = arith.constant 2 : i32
        %sub3A_169 = arith.subi %add3A_136, %sub3A_168 : i32
        %ge3A = arith.cmpi sge, %sub3A_169, %select_n3A : i32
        %convert_element_type3A_170 = arith.extui %ge3A : i1 to i32
        %cond3A_171 = arith.constant 0 : i32
        %cond3A_172 = arith.cmpi ne, %convert_element_type3A_170, %cond3A_171 : i32
        scf.if %cond3A_172 {
          %dma_wait3A_191 = arith.constant 0 : i32
          %dma_wait3A_192 = tpu.memref_slice %arg4[%dma_wait3A_191] : memref<102400xf32, #tpu.memory_space<vmem_shared>> -> memref<102400xf32, #tpu.memory_space<vmem_shared>>
          tpu.wait_indirect_dma semaphore(%arg24 : memref<!tpu.dma_semaphore, #tpu.memory_space<semaphore_mem>>) src(%arg7 : memref<2000xf32, #tpu.memory_space<vmem>>) dst(%dma_wait3A_192 : memref<102400xf32, #tpu.memory_space<vmem_shared>>)
          %dma_wait3A_193 = arith.constant 0 : i32
          %dma_wait3A_194 = tpu.memref_slice %arg5[%dma_wait3A_193] : memref<102400xf32, #tpu.memory_space<vmem_shared>> -> memref<102400xf32, #tpu.memory_space<vmem_shared>>
          tpu.wait_indirect_dma semaphore(%arg26 : memref<!tpu.dma_semaphore, #tpu.memory_space<semaphore_mem>>) src(%arg7 : memref<2000xf32, #tpu.memory_space<vmem>>) dst(%dma_wait3A_194 : memref<102400xf32, #tpu.memory_space<vmem_shared>>)
        } else {
        }
        %add3A_173 = arith.constant 2 : i32
        %add3A_174 = arith.addi %add3A_136, %add3A_173 : i32
        %lt3A_175 = arith.cmpi slt, %add3A_174, %select_n3A_61 : i32
        %convert_element_type3A_176 = arith.extui %lt3A_175 : i1 to i32
        %cond3A_177 = arith.constant 0 : i32
        %cond3A_178 = arith.cmpi ne, %convert_element_type3A_176, %cond3A_177 : i32
        scf.if %cond3A_178 {
          %add3A_191 = arith.constant 2 : i32
          %add3A_192 = arith.addi %add3A_136, %add3A_191 : i32
          %mul3A_193 = arith.constant 2000 : i32
          %mul3A_194 = arith.muli %add3A_192, %mul3A_193 : i32
          %dma_start3A_195 = tpu.memref_slice %arg2[%mul3A_194] : memref<6400000xi32, #tpu.memory_space<hbm>> -> memref<2000xi32, #tpu.memory_space<hbm>>
          %dma_start3A_196 = tpu.memref_slice %arg2[%mul3A_194] : memref<6400000xi32, #tpu.memory_space<hbm>> -> memref<2000xi32, #tpu.memory_space<hbm>>
          tpu.enqueue_dma source(%dma_start3A_196 : memref<2000xi32, #tpu.memory_space<hbm>>) target(%arg10 : memref<2000xi32, #tpu.memory_space<vmem>>) target_semaphore(%arg18 : memref<!tpu.dma_semaphore, #tpu.memory_space<semaphore_mem>>)
          %mul3A_197 = arith.constant 2000 : i32
          %mul3A_198 = arith.muli %add3A_192, %mul3A_197 : i32
          %add3A_199 = arith.constant 3200000 : i32
          %add3A_200 = arith.addi %add3A_199, %mul3A_198 : i32
          %dma_start3A_201 = tpu.memref_slice %arg2[%add3A_200] : memref<6400000xi32, #tpu.memory_space<hbm>> -> memref<2000xi32, #tpu.memory_space<hbm>>
          %dma_start3A_202 = tpu.memref_slice %arg2[%add3A_200] : memref<6400000xi32, #tpu.memory_space<hbm>> -> memref<2000xi32, #tpu.memory_space<hbm>>
          tpu.enqueue_dma source(%dma_start3A_202 : memref<2000xi32, #tpu.memory_space<hbm>>) target(%arg14 : memref<2000xi32, #tpu.memory_space<vmem>>) target_semaphore(%arg22 : memref<!tpu.dma_semaphore, #tpu.memory_space<semaphore_mem>>)
        } else {
        }
        %mul3A_179 = arith.constant 2000 : i32
        %mul3A_180 = arith.muli %add3A_136, %mul3A_179 : i32
        %dma_wait3A = tpu.memref_slice %arg2[%mul3A_180] : memref<6400000xi32, #tpu.memory_space<hbm>> -> memref<2000xi32, #tpu.memory_space<hbm>>
        %dma_wait3A_181 = tpu.memref_slice %arg2[%mul3A_180] : memref<6400000xi32, #tpu.memory_space<hbm>> -> memref<2000xi32, #tpu.memory_space<hbm>>
        tpu.wait_dma2 semaphore(%arg16 : memref<!tpu.dma_semaphore, #tpu.memory_space<semaphore_mem>>) src(%dma_wait3A_181 : memref<2000xi32, #tpu.memory_space<hbm>>) dst(%arg8 : memref<2000xi32, #tpu.memory_space<vmem>>)
        %mul3A_182 = arith.constant 2000 : i32
        %mul3A_183 = arith.muli %add3A_136, %mul3A_182 : i32
        %add3A_184 = arith.constant 3200000 : i32
        %add3A_185 = arith.addi %add3A_184, %mul3A_183 : i32
        %dma_wait3A_186 = tpu.memref_slice %arg2[%add3A_185] : memref<6400000xi32, #tpu.memory_space<hbm>> -> memref<2000xi32, #tpu.memory_space<hbm>>
        %dma_wait3A_187 = tpu.memref_slice %arg2[%add3A_185] : memref<6400000xi32, #tpu.memory_space<hbm>> -> memref<2000xi32, #tpu.memory_space<hbm>>
        tpu.wait_dma2 semaphore(%arg20 : memref<!tpu.dma_semaphore, #tpu.memory_space<semaphore_mem>>) src(%dma_wait3A_187 : memref<2000xi32, #tpu.memory_space<hbm>>) dst(%arg12 : memref<2000xi32, #tpu.memory_space<vmem>>)
        %dma_start3A = arith.constant 0 : i32
        %dma_start3A_188 = tpu.memref_slice %arg4[%dma_start3A] : memref<102400xf32, #tpu.memory_space<vmem_shared>> -> memref<102400xf32, #tpu.memory_space<vmem_shared>>
        tpu.enqueue_indirect_dma source(%arg7 : memref<2000xf32, #tpu.memory_space<vmem>>) target(%dma_start3A_188 : memref<102400xf32, #tpu.memory_space<vmem_shared>>) offsets(%arg8 : memref<2000xi32, #tpu.memory_space<vmem>>) semaphore(%arg24 : memref<!tpu.dma_semaphore, #tpu.memory_space<semaphore_mem>>) {add = true}
        %dma_start3A_189 = arith.constant 0 : i32
        %dma_start3A_190 = tpu.memref_slice %arg5[%dma_start3A_189] : memref<102400xf32, #tpu.memory_space<vmem_shared>> -> memref<102400xf32, #tpu.memory_space<vmem_shared>>
        tpu.enqueue_indirect_dma source(%arg7 : memref<2000xf32, #tpu.memory_space<vmem>>) target(%dma_start3A_190 : memref<102400xf32, #tpu.memory_space<vmem_shared>>) offsets(%arg12 : memref<2000xi32, #tpu.memory_space<vmem>>) semaphore(%arg26 : memref<!tpu.dma_semaphore, #tpu.memory_space<semaphore_mem>>) {add = true}
      } else {
      }
      %mul3A_141 = arith.constant 4 : i32
      %mul3A_142 = arith.muli %while3A_131, %mul3A_141 : i32
      %add3A_143 = arith.addi %select_n3A, %mul3A_142 : i32
      %add3A_144 = arith.constant 1 : i32
      %add3A_145 = arith.addi %add3A_143, %add3A_144 : i32
      %lt3A_146 = arith.cmpi slt, %add3A_145, %select_n3A_61 : i32
      %convert_element_type3A_147 = arith.extui %lt3A_146 : i1 to i32
      %cond3A_148 = arith.constant 0 : i32
      %cond3A_149 = arith.cmpi ne, %convert_element_type3A_147, %cond3A_148 : i32
      scf.if %cond3A_149 {
        %sub3A_168 = arith.constant 2 : i32
        %sub3A_169 = arith.subi %add3A_145, %sub3A_168 : i32
        %ge3A = arith.cmpi sge, %sub3A_169, %select_n3A : i32
        %convert_element_type3A_170 = arith.extui %ge3A : i1 to i32
        %cond3A_171 = arith.constant 0 : i32
        %cond3A_172 = arith.cmpi ne, %convert_element_type3A_170, %cond3A_171 : i32
        scf.if %cond3A_172 {
          %dma_wait3A_191 = arith.constant 0 : i32
          %dma_wait3A_192 = tpu.memref_slice %arg4[%dma_wait3A_191] : memref<102400xf32, #tpu.memory_space<vmem_shared>> -> memref<102400xf32, #tpu.memory_space<vmem_shared>>
          tpu.wait_indirect_dma semaphore(%arg25 : memref<!tpu.dma_semaphore, #tpu.memory_space<semaphore_mem>>) src(%arg7 : memref<2000xf32, #tpu.memory_space<vmem>>) dst(%dma_wait3A_192 : memref<102400xf32, #tpu.memory_space<vmem_shared>>)
          %dma_wait3A_193 = arith.constant 0 : i32
          %dma_wait3A_194 = tpu.memref_slice %arg5[%dma_wait3A_193] : memref<102400xf32, #tpu.memory_space<vmem_shared>> -> memref<102400xf32, #tpu.memory_space<vmem_shared>>
          tpu.wait_indirect_dma semaphore(%arg27 : memref<!tpu.dma_semaphore, #tpu.memory_space<semaphore_mem>>) src(%arg7 : memref<2000xf32, #tpu.memory_space<vmem>>) dst(%dma_wait3A_194 : memref<102400xf32, #tpu.memory_space<vmem_shared>>)
        } else {
        }
        %add3A_173 = arith.constant 2 : i32
        %add3A_174 = arith.addi %add3A_145, %add3A_173 : i32
        %lt3A_175 = arith.cmpi slt, %add3A_174, %select_n3A_61 : i32
        %convert_element_type3A_176 = arith.extui %lt3A_175 : i1 to i32
        %cond3A_177 = arith.constant 0 : i32
        %cond3A_178 = arith.cmpi ne, %convert_element_type3A_176, %cond3A_177 : i32
        scf.if %cond3A_178 {
          %add3A_191 = arith.constant 2 : i32
          %add3A_192 = arith.addi %add3A_145, %add3A_191 : i32
          %mul3A_193 = arith.constant 2000 : i32
          %mul3A_194 = arith.muli %add3A_192, %mul3A_193 : i32
          %dma_start3A_195 = tpu.memref_slice %arg2[%mul3A_194] : memref<6400000xi32, #tpu.memory_space<hbm>> -> memref<2000xi32, #tpu.memory_space<hbm>>
          %dma_start3A_196 = tpu.memref_slice %arg2[%mul3A_194] : memref<6400000xi32, #tpu.memory_space<hbm>> -> memref<2000xi32, #tpu.memory_space<hbm>>
          tpu.enqueue_dma source(%dma_start3A_196 : memref<2000xi32, #tpu.memory_space<hbm>>) target(%arg11 : memref<2000xi32, #tpu.memory_space<vmem>>) target_semaphore(%arg19 : memref<!tpu.dma_semaphore, #tpu.memory_space<semaphore_mem>>)
          %mul3A_197 = arith.constant 2000 : i32
          %mul3A_198 = arith.muli %add3A_192, %mul3A_197 : i32
          %add3A_199 = arith.constant 3200000 : i32
          %add3A_200 = arith.addi %add3A_199, %mul3A_198 : i32
          %dma_start3A_201 = tpu.memref_slice %arg2[%add3A_200] : memref<6400000xi32, #tpu.memory_space<hbm>> -> memref<2000xi32, #tpu.memory_space<hbm>>
          %dma_start3A_202 = tpu.memref_slice %arg2[%add3A_200] : memref<6400000xi32, #tpu.memory_space<hbm>> -> memref<2000xi32, #tpu.memory_space<hbm>>
          tpu.enqueue_dma source(%dma_start3A_202 : memref<2000xi32, #tpu.memory_space<hbm>>) target(%arg15 : memref<2000xi32, #tpu.memory_space<vmem>>) target_semaphore(%arg23 : memref<!tpu.dma_semaphore, #tpu.memory_space<semaphore_mem>>)
        } else {
        }
        %mul3A_179 = arith.constant 2000 : i32
        %mul3A_180 = arith.muli %add3A_145, %mul3A_179 : i32
        %dma_wait3A = tpu.memref_slice %arg2[%mul3A_180] : memref<6400000xi32, #tpu.memory_space<hbm>> -> memref<2000xi32, #tpu.memory_space<hbm>>
        %dma_wait3A_181 = tpu.memref_slice %arg2[%mul3A_180] : memref<6400000xi32, #tpu.memory_space<hbm>> -> memref<2000xi32, #tpu.memory_space<hbm>>
        tpu.wait_dma2 semaphore(%arg17 : memref<!tpu.dma_semaphore, #tpu.memory_space<semaphore_mem>>) src(%dma_wait3A_181 : memref<2000xi32, #tpu.memory_space<hbm>>) dst(%arg9 : memref<2000xi32, #tpu.memory_space<vmem>>)
        %mul3A_182 = arith.constant 2000 : i32
        %mul3A_183 = arith.muli %add3A_145, %mul3A_182 : i32
        %add3A_184 = arith.constant 3200000 : i32
        %add3A_185 = arith.addi %add3A_184, %mul3A_183 : i32
        %dma_wait3A_186 = tpu.memref_slice %arg2[%add3A_185] : memref<6400000xi32, #tpu.memory_space<hbm>> -> memref<2000xi32, #tpu.memory_space<hbm>>
        %dma_wait3A_187 = tpu.memref_slice %arg2[%add3A_185] : memref<6400000xi32, #tpu.memory_space<hbm>> -> memref<2000xi32, #tpu.memory_space<hbm>>
        tpu.wait_dma2 semaphore(%arg21 : memref<!tpu.dma_semaphore, #tpu.memory_space<semaphore_mem>>) src(%dma_wait3A_187 : memref<2000xi32, #tpu.memory_space<hbm>>) dst(%arg13 : memref<2000xi32, #tpu.memory_space<vmem>>)
        %dma_start3A = arith.constant 0 : i32
        %dma_start3A_188 = tpu.memref_slice %arg4[%dma_start3A] : memref<102400xf32, #tpu.memory_space<vmem_shared>> -> memref<102400xf32, #tpu.memory_space<vmem_shared>>
        tpu.enqueue_indirect_dma source(%arg7 : memref<2000xf32, #tpu.memory_space<vmem>>) target(%dma_start3A_188 : memref<102400xf32, #tpu.memory_space<vmem_shared>>) offsets(%arg9 : memref<2000xi32, #tpu.memory_space<vmem>>) semaphore(%arg25 : memref<!tpu.dma_semaphore, #tpu.memory_space<semaphore_mem>>) {add = true}
        %dma_start3A_189 = arith.constant 0 : i32
        %dma_start3A_190 = tpu.memref_slice %arg5[%dma_start3A_189] : memref<102400xf32, #tpu.memory_space<vmem_shared>> -> memref<102400xf32, #tpu.memory_space<vmem_shared>>
        tpu.enqueue_indirect_dma source(%arg7 : memref<2000xf32, #tpu.memory_space<vmem>>) target(%dma_start3A_190 : memref<102400xf32, #tpu.memory_space<vmem_shared>>) offsets(%arg13 : memref<2000xi32, #tpu.memory_space<vmem>>) semaphore(%arg27 : memref<!tpu.dma_semaphore, #tpu.memory_space<semaphore_mem>>) {add = true}
      } else {
      }
      %mul3A_150 = arith.constant 4 : i32
      %mul3A_151 = arith.muli %while3A_131, %mul3A_150 : i32
      %add3A_152 = arith.addi %select_n3A, %mul3A_151 : i32
      %add3A_153 = arith.constant 2 : i32
      %add3A_154 = arith.addi %add3A_152, %add3A_153 : i32
      %lt3A_155 = arith.cmpi slt, %add3A_154, %select_n3A_61 : i32
      %convert_element_type3A_156 = arith.extui %lt3A_155 : i1 to i32
      %cond3A_157 = arith.constant 0 : i32
      %cond3A_158 = arith.cmpi ne, %convert_element_type3A_156, %cond3A_157 : i32
      scf.if %cond3A_158 {
        %sub3A_168 = arith.constant 2 : i32
        %sub3A_169 = arith.subi %add3A_154, %sub3A_168 : i32
        %ge3A = arith.cmpi sge, %sub3A_169, %select_n3A : i32
        %convert_element_type3A_170 = arith.extui %ge3A : i1 to i32
        %cond3A_171 = arith.constant 0 : i32
        %cond3A_172 = arith.cmpi ne, %convert_element_type3A_170, %cond3A_171 : i32
        scf.if %cond3A_172 {
          %dma_wait3A_191 = arith.constant 0 : i32
          %dma_wait3A_192 = tpu.memref_slice %arg4[%dma_wait3A_191] : memref<102400xf32, #tpu.memory_space<vmem_shared>> -> memref<102400xf32, #tpu.memory_space<vmem_shared>>
          tpu.wait_indirect_dma semaphore(%arg24 : memref<!tpu.dma_semaphore, #tpu.memory_space<semaphore_mem>>) src(%arg7 : memref<2000xf32, #tpu.memory_space<vmem>>) dst(%dma_wait3A_192 : memref<102400xf32, #tpu.memory_space<vmem_shared>>)
          %dma_wait3A_193 = arith.constant 0 : i32
          %dma_wait3A_194 = tpu.memref_slice %arg5[%dma_wait3A_193] : memref<102400xf32, #tpu.memory_space<vmem_shared>> -> memref<102400xf32, #tpu.memory_space<vmem_shared>>
          tpu.wait_indirect_dma semaphore(%arg26 : memref<!tpu.dma_semaphore, #tpu.memory_space<semaphore_mem>>) src(%arg7 : memref<2000xf32, #tpu.memory_space<vmem>>) dst(%dma_wait3A_194 : memref<102400xf32, #tpu.memory_space<vmem_shared>>)
        } else {
        }
        %add3A_173 = arith.constant 2 : i32
        %add3A_174 = arith.addi %add3A_154, %add3A_173 : i32
        %lt3A_175 = arith.cmpi slt, %add3A_174, %select_n3A_61 : i32
        %convert_element_type3A_176 = arith.extui %lt3A_175 : i1 to i32
        %cond3A_177 = arith.constant 0 : i32
        %cond3A_178 = arith.cmpi ne, %convert_element_type3A_176, %cond3A_177 : i32
        scf.if %cond3A_178 {
          %add3A_191 = arith.constant 2 : i32
          %add3A_192 = arith.addi %add3A_154, %add3A_191 : i32
          %mul3A_193 = arith.constant 2000 : i32
          %mul3A_194 = arith.muli %add3A_192, %mul3A_193 : i32
          %dma_start3A_195 = tpu.memref_slice %arg2[%mul3A_194] : memref<6400000xi32, #tpu.memory_space<hbm>> -> memref<2000xi32, #tpu.memory_space<hbm>>
          %dma_start3A_196 = tpu.memref_slice %arg2[%mul3A_194] : memref<6400000xi32, #tpu.memory_space<hbm>> -> memref<2000xi32, #tpu.memory_space<hbm>>
          tpu.enqueue_dma source(%dma_start3A_196 : memref<2000xi32, #tpu.memory_space<hbm>>) target(%arg8 : memref<2000xi32, #tpu.memory_space<vmem>>) target_semaphore(%arg16 : memref<!tpu.dma_semaphore, #tpu.memory_space<semaphore_mem>>)
          %mul3A_197 = arith.constant 2000 : i32
          %mul3A_198 = arith.muli %add3A_192, %mul3A_197 : i32
          %add3A_199 = arith.constant 3200000 : i32
          %add3A_200 = arith.addi %add3A_199, %mul3A_198 : i32
          %dma_start3A_201 = tpu.memref_slice %arg2[%add3A_200] : memref<6400000xi32, #tpu.memory_space<hbm>> -> memref<2000xi32, #tpu.memory_space<hbm>>
          %dma_start3A_202 = tpu.memref_slice %arg2[%add3A_200] : memref<6400000xi32, #tpu.memory_space<hbm>> -> memref<2000xi32, #tpu.memory_space<hbm>>
          tpu.enqueue_dma source(%dma_start3A_202 : memref<2000xi32, #tpu.memory_space<hbm>>) target(%arg12 : memref<2000xi32, #tpu.memory_space<vmem>>) target_semaphore(%arg20 : memref<!tpu.dma_semaphore, #tpu.memory_space<semaphore_mem>>)
        } else {
        }
        %mul3A_179 = arith.constant 2000 : i32
        %mul3A_180 = arith.muli %add3A_154, %mul3A_179 : i32
        %dma_wait3A = tpu.memref_slice %arg2[%mul3A_180] : memref<6400000xi32, #tpu.memory_space<hbm>> -> memref<2000xi32, #tpu.memory_space<hbm>>
        %dma_wait3A_181 = tpu.memref_slice %arg2[%mul3A_180] : memref<6400000xi32, #tpu.memory_space<hbm>> -> memref<2000xi32, #tpu.memory_space<hbm>>
        tpu.wait_dma2 semaphore(%arg18 : memref<!tpu.dma_semaphore, #tpu.memory_space<semaphore_mem>>) src(%dma_wait3A_181 : memref<2000xi32, #tpu.memory_space<hbm>>) dst(%arg10 : memref<2000xi32, #tpu.memory_space<vmem>>)
        %mul3A_182 = arith.constant 2000 : i32
        %mul3A_183 = arith.muli %add3A_154, %mul3A_182 : i32
        %add3A_184 = arith.constant 3200000 : i32
        %add3A_185 = arith.addi %add3A_184, %mul3A_183 : i32
        %dma_wait3A_186 = tpu.memref_slice %arg2[%add3A_185] : memref<6400000xi32, #tpu.memory_space<hbm>> -> memref<2000xi32, #tpu.memory_space<hbm>>
        %dma_wait3A_187 = tpu.memref_slice %arg2[%add3A_185] : memref<6400000xi32, #tpu.memory_space<hbm>> -> memref<2000xi32, #tpu.memory_space<hbm>>
        tpu.wait_dma2 semaphore(%arg22 : memref<!tpu.dma_semaphore, #tpu.memory_space<semaphore_mem>>) src(%dma_wait3A_187 : memref<2000xi32, #tpu.memory_space<hbm>>) dst(%arg14 : memref<2000xi32, #tpu.memory_space<vmem>>)
        %dma_start3A = arith.constant 0 : i32
        %dma_start3A_188 = tpu.memref_slice %arg4[%dma_start3A] : memref<102400xf32, #tpu.memory_space<vmem_shared>> -> memref<102400xf32, #tpu.memory_space<vmem_shared>>
        tpu.enqueue_indirect_dma source(%arg7 : memref<2000xf32, #tpu.memory_space<vmem>>) target(%dma_start3A_188 : memref<102400xf32, #tpu.memory_space<vmem_shared>>) offsets(%arg10 : memref<2000xi32, #tpu.memory_space<vmem>>) semaphore(%arg24 : memref<!tpu.dma_semaphore, #tpu.memory_space<semaphore_mem>>) {add = true}
        %dma_start3A_189 = arith.constant 0 : i32
        %dma_start3A_190 = tpu.memref_slice %arg5[%dma_start3A_189] : memref<102400xf32, #tpu.memory_space<vmem_shared>> -> memref<102400xf32, #tpu.memory_space<vmem_shared>>
        tpu.enqueue_indirect_dma source(%arg7 : memref<2000xf32, #tpu.memory_space<vmem>>) target(%dma_start3A_190 : memref<102400xf32, #tpu.memory_space<vmem_shared>>) offsets(%arg14 : memref<2000xi32, #tpu.memory_space<vmem>>) semaphore(%arg26 : memref<!tpu.dma_semaphore, #tpu.memory_space<semaphore_mem>>) {add = true}
      } else {
      }
      %mul3A_159 = arith.constant 4 : i32
      %mul3A_160 = arith.muli %while3A_131, %mul3A_159 : i32
      %add3A_161 = arith.addi %select_n3A, %mul3A_160 : i32
      %add3A_162 = arith.constant 3 : i32
      %add3A_163 = arith.addi %add3A_161, %add3A_162 : i32
      %lt3A_164 = arith.cmpi slt, %add3A_163, %select_n3A_61 : i32
      %convert_element_type3A_165 = arith.extui %lt3A_164 : i1 to i32
      %cond3A_166 = arith.constant 0 : i32
      %cond3A_167 = arith.cmpi ne, %convert_element_type3A_165, %cond3A_166 : i32
      scf.if %cond3A_167 {
        %sub3A_168 = arith.constant 2 : i32
        %sub3A_169 = arith.subi %add3A_163, %sub3A_168 : i32
        %ge3A = arith.cmpi sge, %sub3A_169, %select_n3A : i32
        %convert_element_type3A_170 = arith.extui %ge3A : i1 to i32
        %cond3A_171 = arith.constant 0 : i32
        %cond3A_172 = arith.cmpi ne, %convert_element_type3A_170, %cond3A_171 : i32
        scf.if %cond3A_172 {
          %dma_wait3A_191 = arith.constant 0 : i32
          %dma_wait3A_192 = tpu.memref_slice %arg4[%dma_wait3A_191] : memref<102400xf32, #tpu.memory_space<vmem_shared>> -> memref<102400xf32, #tpu.memory_space<vmem_shared>>
          tpu.wait_indirect_dma semaphore(%arg25 : memref<!tpu.dma_semaphore, #tpu.memory_space<semaphore_mem>>) src(%arg7 : memref<2000xf32, #tpu.memory_space<vmem>>) dst(%dma_wait3A_192 : memref<102400xf32, #tpu.memory_space<vmem_shared>>)
          %dma_wait3A_193 = arith.constant 0 : i32
          %dma_wait3A_194 = tpu.memref_slice %arg5[%dma_wait3A_193] : memref<102400xf32, #tpu.memory_space<vmem_shared>> -> memref<102400xf32, #tpu.memory_space<vmem_shared>>
          tpu.wait_indirect_dma semaphore(%arg27 : memref<!tpu.dma_semaphore, #tpu.memory_space<semaphore_mem>>) src(%arg7 : memref<2000xf32, #tpu.memory_space<vmem>>) dst(%dma_wait3A_194 : memref<102400xf32, #tpu.memory_space<vmem_shared>>)
        } else {
        }
        %add3A_173 = arith.constant 2 : i32
        %add3A_174 = arith.addi %add3A_163, %add3A_173 : i32
        %lt3A_175 = arith.cmpi slt, %add3A_174, %select_n3A_61 : i32
        %convert_element_type3A_176 = arith.extui %lt3A_175 : i1 to i32
        %cond3A_177 = arith.constant 0 : i32
        %cond3A_178 = arith.cmpi ne, %convert_element_type3A_176, %cond3A_177 : i32
        scf.if %cond3A_178 {
          %add3A_191 = arith.constant 2 : i32
          %add3A_192 = arith.addi %add3A_163, %add3A_191 : i32
          %mul3A_193 = arith.constant 2000 : i32
          %mul3A_194 = arith.muli %add3A_192, %mul3A_193 : i32
          %dma_start3A_195 = tpu.memref_slice %arg2[%mul3A_194] : memref<6400000xi32, #tpu.memory_space<hbm>> -> memref<2000xi32, #tpu.memory_space<hbm>>
          %dma_start3A_196 = tpu.memref_slice %arg2[%mul3A_194] : memref<6400000xi32, #tpu.memory_space<hbm>> -> memref<2000xi32, #tpu.memory_space<hbm>>
          tpu.enqueue_dma source(%dma_start3A_196 : memref<2000xi32, #tpu.memory_space<hbm>>) target(%arg9 : memref<2000xi32, #tpu.memory_space<vmem>>) target_semaphore(%arg17 : memref<!tpu.dma_semaphore, #tpu.memory_space<semaphore_mem>>)
          %mul3A_197 = arith.constant 2000 : i32
          %mul3A_198 = arith.muli %add3A_192, %mul3A_197 : i32
          %add3A_199 = arith.constant 3200000 : i32
          %add3A_200 = arith.addi %add3A_199, %mul3A_198 : i32
          %dma_start3A_201 = tpu.memref_slice %arg2[%add3A_200] : memref<6400000xi32, #tpu.memory_space<hbm>> -> memref<2000xi32, #tpu.memory_space<hbm>>
          %dma_start3A_202 = tpu.memref_slice %arg2[%add3A_200] : memref<6400000xi32, #tpu.memory_space<hbm>> -> memref<2000xi32, #tpu.memory_space<hbm>>
          tpu.enqueue_dma source(%dma_start3A_202 : memref<2000xi32, #tpu.memory_space<hbm>>) target(%arg13 : memref<2000xi32, #tpu.memory_space<vmem>>) target_semaphore(%arg21 : memref<!tpu.dma_semaphore, #tpu.memory_space<semaphore_mem>>)
        } else {
        }
        %mul3A_179 = arith.constant 2000 : i32
        %mul3A_180 = arith.muli %add3A_163, %mul3A_179 : i32
        %dma_wait3A = tpu.memref_slice %arg2[%mul3A_180] : memref<6400000xi32, #tpu.memory_space<hbm>> -> memref<2000xi32, #tpu.memory_space<hbm>>
        %dma_wait3A_181 = tpu.memref_slice %arg2[%mul3A_180] : memref<6400000xi32, #tpu.memory_space<hbm>> -> memref<2000xi32, #tpu.memory_space<hbm>>
        tpu.wait_dma2 semaphore(%arg19 : memref<!tpu.dma_semaphore, #tpu.memory_space<semaphore_mem>>) src(%dma_wait3A_181 : memref<2000xi32, #tpu.memory_space<hbm>>) dst(%arg11 : memref<2000xi32, #tpu.memory_space<vmem>>)
        %mul3A_182 = arith.constant 2000 : i32
        %mul3A_183 = arith.muli %add3A_163, %mul3A_182 : i32
        %add3A_184 = arith.constant 3200000 : i32
        %add3A_185 = arith.addi %add3A_184, %mul3A_183 : i32
        %dma_wait3A_186 = tpu.memref_slice %arg2[%add3A_185] : memref<6400000xi32, #tpu.memory_space<hbm>> -> memref<2000xi32, #tpu.memory_space<hbm>>
        %dma_wait3A_187 = tpu.memref_slice %arg2[%add3A_185] : memref<6400000xi32, #tpu.memory_space<hbm>> -> memref<2000xi32, #tpu.memory_space<hbm>>
        tpu.wait_dma2 semaphore(%arg23 : memref<!tpu.dma_semaphore, #tpu.memory_space<semaphore_mem>>) src(%dma_wait3A_187 : memref<2000xi32, #tpu.memory_space<hbm>>) dst(%arg15 : memref<2000xi32, #tpu.memory_space<vmem>>)
        %dma_start3A = arith.constant 0 : i32
        %dma_start3A_188 = tpu.memref_slice %arg4[%dma_start3A] : memref<102400xf32, #tpu.memory_space<vmem_shared>> -> memref<102400xf32, #tpu.memory_space<vmem_shared>>
        tpu.enqueue_indirect_dma source(%arg7 : memref<2000xf32, #tpu.memory_space<vmem>>) target(%dma_start3A_188 : memref<102400xf32, #tpu.memory_space<vmem_shared>>) offsets(%arg11 : memref<2000xi32, #tpu.memory_space<vmem>>) semaphore(%arg25 : memref<!tpu.dma_semaphore, #tpu.memory_space<semaphore_mem>>) {add = true}
        %dma_start3A_189 = arith.constant 0 : i32
        %dma_start3A_190 = tpu.memref_slice %arg5[%dma_start3A_189] : memref<102400xf32, #tpu.memory_space<vmem_shared>> -> memref<102400xf32, #tpu.memory_space<vmem_shared>>
        tpu.enqueue_indirect_dma source(%arg7 : memref<2000xf32, #tpu.memory_space<vmem>>) target(%dma_start3A_190 : memref<102400xf32, #tpu.memory_space<vmem_shared>>) offsets(%arg15 : memref<2000xi32, #tpu.memory_space<vmem>>) semaphore(%arg27 : memref<!tpu.dma_semaphore, #tpu.memory_space<semaphore_mem>>) {add = true}
      } else {
      }
    }
    %gt3A = arith.constant 0 : i32
    %gt3A_107 = arith.cmpi sgt, %sub3A_62, %gt3A : i32
    %convert_element_type3A_108 = arith.extui %gt3A_107 : i1 to i32
    %cond3A_109 = arith.constant 0 : i32
    %cond3A_110 = arith.cmpi ne, %convert_element_type3A_108, %cond3A_109 : i32
    scf.if %cond3A_110 {
      %dma_wait3A = arith.constant 0 : i32
      %dma_wait3A_131 = tpu.memref_slice %arg4[%dma_wait3A] : memref<102400xf32, #tpu.memory_space<vmem_shared>> -> memref<102400xf32, #tpu.memory_space<vmem_shared>>
      tpu.wait_indirect_dma semaphore(%arg24 : memref<!tpu.dma_semaphore, #tpu.memory_space<semaphore_mem>>) src(%arg7 : memref<2000xf32, #tpu.memory_space<vmem>>) dst(%dma_wait3A_131 : memref<102400xf32, #tpu.memory_space<vmem_shared>>)
      %dma_wait3A_132 = arith.constant 0 : i32
      %dma_wait3A_133 = tpu.memref_slice %arg5[%dma_wait3A_132] : memref<102400xf32, #tpu.memory_space<vmem_shared>> -> memref<102400xf32, #tpu.memory_space<vmem_shared>>
      tpu.wait_indirect_dma semaphore(%arg26 : memref<!tpu.dma_semaphore, #tpu.memory_space<semaphore_mem>>) src(%arg7 : memref<2000xf32, #tpu.memory_space<vmem>>) dst(%dma_wait3A_133 : memref<102400xf32, #tpu.memory_space<vmem_shared>>)
    } else {
    }
    %gt3A_111 = arith.constant 1 : i32
    %gt3A_112 = arith.cmpi sgt, %sub3A_62, %gt3A_111 : i32
    %convert_element_type3A_113 = arith.extui %gt3A_112 : i1 to i32
    %cond3A_114 = arith.constant 0 : i32
    %cond3A_115 = arith.cmpi ne, %convert_element_type3A_113, %cond3A_114 : i32
    scf.if %cond3A_115 {
      %dma_wait3A = arith.constant 0 : i32
      %dma_wait3A_131 = tpu.memref_slice %arg4[%dma_wait3A] : memref<102400xf32, #tpu.memory_space<vmem_shared>> -> memref<102400xf32, #tpu.memory_space<vmem_shared>>
      tpu.wait_indirect_dma semaphore(%arg25 : memref<!tpu.dma_semaphore, #tpu.memory_space<semaphore_mem>>) src(%arg7 : memref<2000xf32, #tpu.memory_space<vmem>>) dst(%dma_wait3A_131 : memref<102400xf32, #tpu.memory_space<vmem_shared>>)
      %dma_wait3A_132 = arith.constant 0 : i32
      %dma_wait3A_133 = tpu.memref_slice %arg5[%dma_wait3A_132] : memref<102400xf32, #tpu.memory_space<vmem_shared>> -> memref<102400xf32, #tpu.memory_space<vmem_shared>>
      tpu.wait_indirect_dma semaphore(%arg27 : memref<!tpu.dma_semaphore, #tpu.memory_space<semaphore_mem>>) src(%arg7 : memref<2000xf32, #tpu.memory_space<vmem>>) dst(%dma_wait3A_133 : memref<102400xf32, #tpu.memory_space<vmem_shared>>)
    } else {
    }
    %barrier3A_116 = arith.constant 0 : index
    tpu.barrier barrier_id(%barrier3A_116)
    %mul3A_117 = arith.constant 204800 : i32
    %mul3A_118 = arith.muli %arg0, %mul3A_117 : i32
    %mul3A_119 = arith.constant 6400 : i32
    %mul3A_120 = arith.muli %arg1, %mul3A_119 : i32
    %mul3A_121 = arith.constant 6400 : i32
    %mul3A_122 = arith.muli %arg1, %mul3A_121 : i32
    %add3A_123 = arith.addi %mul3A_118, %mul3A_122 : i32
    "tpu.region"() ({
      %run_scoped3A = tpu.sem_alloc : memref<!tpu.dma_semaphore, #tpu.memory_space<semaphore_mem>>
      %dma_start3A = tpu.memref_slice %arg3[%add3A_123] : memref<409600xf32, #tpu.memory_space<hbm>> -> memref<6400xf32, #tpu.memory_space<hbm>>
      %dma_start3A_131 = tpu.memref_slice %arg4[%mul3A_120] : memref<102400xf32, #tpu.memory_space<vmem_shared>> -> memref<6400xf32, #tpu.memory_space<vmem_shared>>
      tpu.enqueue_dma source(%dma_start3A_131 : memref<6400xf32, #tpu.memory_space<vmem_shared>>) target(%dma_start3A : memref<6400xf32, #tpu.memory_space<hbm>>) target_semaphore(%run_scoped3A : memref<!tpu.dma_semaphore, #tpu.memory_space<semaphore_mem>>)
      %dma_wait3A = tpu.memref_slice %arg3[%add3A_123] : memref<409600xf32, #tpu.memory_space<hbm>> -> memref<6400xf32, #tpu.memory_space<hbm>>
      %dma_wait3A_132 = tpu.memref_slice %arg4[%mul3A_120] : memref<102400xf32, #tpu.memory_space<vmem_shared>> -> memref<6400xf32, #tpu.memory_space<vmem_shared>>
      tpu.wait_dma2 semaphore(%run_scoped3A : memref<!tpu.dma_semaphore, #tpu.memory_space<semaphore_mem>>) src(%dma_wait3A_132 : memref<6400xf32, #tpu.memory_space<vmem_shared>>) dst(%dma_wait3A : memref<6400xf32, #tpu.memory_space<hbm>>)
      tpu.yield
    }) : () -> ()
    %mul3A_124 = arith.constant 6400 : i32
    %mul3A_125 = arith.muli %arg1, %mul3A_124 : i32
    %add3A_126 = arith.constant 102400 : i32
    %add3A_127 = arith.addi %mul3A_118, %add3A_126 : i32
    %mul3A_128 = arith.constant 6400 : i32
    %mul3A_129 = arith.muli %arg1, %mul3A_128 : i32
    %add3A_130 = arith.addi %add3A_127, %mul3A_129 : i32
    "tpu.region"() ({
      %run_scoped3A = tpu.sem_alloc : memref<!tpu.dma_semaphore, #tpu.memory_space<semaphore_mem>>
      %dma_start3A = tpu.memref_slice %arg3[%add3A_130] : memref<409600xf32, #tpu.memory_space<hbm>> -> memref<6400xf32, #tpu.memory_space<hbm>>
      %dma_start3A_131 = tpu.memref_slice %arg5[%mul3A_125] : memref<102400xf32, #tpu.memory_space<vmem_shared>> -> memref<6400xf32, #tpu.memory_space<vmem_shared>>
      tpu.enqueue_dma source(%dma_start3A_131 : memref<6400xf32, #tpu.memory_space<vmem_shared>>) target(%dma_start3A : memref<6400xf32, #tpu.memory_space<hbm>>) target_semaphore(%run_scoped3A : memref<!tpu.dma_semaphore, #tpu.memory_space<semaphore_mem>>)
      %dma_wait3A = tpu.memref_slice %arg3[%add3A_130] : memref<409600xf32, #tpu.memory_space<hbm>> -> memref<6400xf32, #tpu.memory_space<hbm>>
      %dma_wait3A_132 = tpu.memref_slice %arg5[%mul3A_125] : memref<102400xf32, #tpu.memory_space<vmem_shared>> -> memref<6400xf32, #tpu.memory_space<vmem_shared>>
      tpu.wait_dma2 semaphore(%run_scoped3A : memref<!tpu.dma_semaphore, #tpu.memory_space<semaphore_mem>>) src(%dma_wait3A_132 : memref<6400xf32, #tpu.memory_space<vmem_shared>>) dst(%dma_wait3A : memref<6400xf32, #tpu.memory_space<hbm>>)
      tpu.yield
    }) : () -> ()
    return
  }
}

module attributes {stable_mosaic.version = 14 : i64} {
  func.func @_norm_body(%arg0: memref<25600x16xf32, #tpu.memory_space<vmem>>, %arg1: memref<6250x128xf32, #tpu.memory_space<vmem>>, %arg2: memref<6250x128xf32, #tpu.memory_space<vmem>>, %arg3: memref<6250x16xf32, #tpu.memory_space<vmem>>, %arg4: memref<6250x16xf32, #tpu.memory_space<vmem>>) attributes {dimension_semantics = [], scalar_prefetch = 0 : i64, scratch_operands = 0 : i64, tpu.core_type = #tpu.core_type<tc>} {
    %get3A = arith.constant 0 : index
    %get3A_0 = arith.constant 0 : index
    %get3A_1 = vector.load %arg0[%get3A, %get3A_0] : memref<25600x16xf32, #tpu.memory_space<vmem>>, vector<6250x16xf32>
    %get3A_2 = arith.constant 12800 : index
    %get3A_3 = arith.constant 0 : index
    %get3A_4 = vector.load %arg0[%get3A_2, %get3A_3] : memref<25600x16xf32, #tpu.memory_space<vmem>>, vector<6250x16xf32>
    %add3A = arith.addf %get3A_1, %get3A_4 : vector<6250x16xf32>
    %get3A_5 = arith.constant 6400 : index
    %get3A_6 = arith.constant 0 : index
    %get3A_7 = vector.load %arg0[%get3A_5, %get3A_6] : memref<25600x16xf32, #tpu.memory_space<vmem>>, vector<6250x16xf32>
    %get3A_8 = arith.constant 19200 : index
    %get3A_9 = arith.constant 0 : index
    %get3A_10 = vector.load %arg0[%get3A_8, %get3A_9] : memref<25600x16xf32, #tpu.memory_space<vmem>>, vector<6250x16xf32>
    %add3A_11 = arith.addf %get3A_7, %get3A_10 : vector<6250x16xf32>
    %max3A = arith.constant 9.99999997E-7 : f32
    %max3A_12 = vector.broadcast %max3A : f32 to vector<6250x16xf32>
    %max3A_13 = arith.maximumf %add3A, %max3A_12 : vector<6250x16xf32>
    %max3A_14 = arith.constant 9.99999997E-7 : f32
    %max3A_15 = vector.broadcast %max3A_14 : f32 to vector<6250x16xf32>
    %max3A_16 = arith.maximumf %add3A_11, %max3A_15 : vector<6250x16xf32>
    %swap3A = arith.constant 0 : index
    %swap3A_17 = arith.constant 0 : index
    %swap3A_18 = vector.load %arg3[%swap3A, %swap3A_17] : memref<6250x16xf32, #tpu.memory_space<vmem>>, vector<6250x16xf32>
    tpu.vector_store %arg3[%swap3A, %swap3A_17], %max3A_13 {strides = array<i32>} : memref<6250x16xf32, #tpu.memory_space<vmem>>, vector<6250x16xf32>,
    %div3A = arith.constant 1.000000e+00 : f32
    %div3A_19 = vector.broadcast %div3A : f32 to vector<6250x16xf32>
    %div3A_20 = arith.divf %div3A_19, %max3A_16 : vector<6250x16xf32>
    %swap3A_21 = arith.constant 0 : index
    %swap3A_22 = arith.constant 0 : index
    %swap3A_23 = vector.load %arg4[%swap3A_21, %swap3A_22] : memref<6250x16xf32, #tpu.memory_space<vmem>>, vector<6250x16xf32>
    tpu.vector_store %arg4[%swap3A_21, %swap3A_22], %div3A_20 {strides = array<i32>} : memref<6250x16xf32, #tpu.memory_space<vmem>>, vector<6250x16xf32>,
    %rsqrt3A = math.rsqrt %max3A_13 : vector<6250x16xf32>
    %iota3A = tpu.iota {dimensions = array<i32: 1>} : vector<16x128xi32>
    %iota3A_24 = tpu.iota {dimensions = array<i32: 0>} : vector<16x128xi32>
    %jit3A = arith.constant 8 : i32
    %div3A_25 = vector.broadcast %jit3A : i32 to vector<16x128xi32>
    %div3A_26 = arith.divsi %iota3A, %div3A_25 : vector<16x128xi32>
    %sign3A = arith.constant 0 : i32
    %sign3A_27 = vector.broadcast %sign3A : i32 to vector<16x128xi32>
    %sign3A_28 = arith.cmpi sgt, %iota3A, %sign3A_27 : vector<16x128xi32>
    %sign3A_29 = arith.extui %sign3A_28 : vector<16x128xi1> to vector<16x128xi32>
    %sign3A_30 = arith.constant 0 : i32
    %sign3A_31 = vector.broadcast %sign3A_30 : i32 to vector<16x128xi32>
    %sign3A_32 = arith.cmpi slt, %iota3A, %sign3A_31 : vector<16x128xi32>
    %sign3A_33 = arith.extui %sign3A_32 : vector<16x128xi1> to vector<16x128xi32>
    %sign3A_34 = arith.subi %sign3A_29, %sign3A_33 : vector<16x128xi32>
    %sign3A_35 = arith.constant 0 : i32
    %sign3A_36 = arith.cmpi sgt, %jit3A, %sign3A_35 : i32
    %sign3A_37 = arith.extui %sign3A_36 : i1 to i32
    %sign3A_38 = arith.constant 0 : i32
    %sign3A_39 = arith.cmpi slt, %jit3A, %sign3A_38 : i32
    %sign3A_40 = arith.extui %sign3A_39 : i1 to i32
    %sign3A_41 = arith.subi %sign3A_37, %sign3A_40 : i32
    %ne3A = vector.broadcast %sign3A_41 : i32 to vector<16x128xi32>
    %ne3A_42 = arith.cmpi ne, %sign3A_34, %ne3A : vector<16x128xi32>
    %rem3A = vector.broadcast %jit3A : i32 to vector<16x128xi32>
    %rem3A_43 = arith.remsi %iota3A, %rem3A : vector<16x128xi32>
    %ne3A_44 = arith.constant 0 : i32
    %ne3A_45 = vector.broadcast %ne3A_44 : i32 to vector<16x128xi32>
    %ne3A_46 = arith.cmpi ne, %rem3A_43, %ne3A_45 : vector<16x128xi32>
    %and3A = arith.andi %ne3A_42, %ne3A_46 : vector<16x128xi1>
    %sub3A = arith.constant 1 : i32
    %sub3A_47 = vector.broadcast %sub3A : i32 to vector<16x128xi32>
    %sub3A_48 = arith.subi %div3A_26, %sub3A_47 : vector<16x128xi32>
    %select_n3A = arith.select %and3A, %sub3A_48, %div3A_26 : vector<16x128xi1>, vector<16x128xi32>
    %eq3A = arith.cmpi eq, %select_n3A, %iota3A_24 : vector<16x128xi32>
    %convert_element_type3A = arith.extui %eq3A : vector<16x128xi1> to vector<16x128xi32>
    %convert_element_type3A_49 = arith.sitofp %convert_element_type3A : vector<16x128xi32> to vector<16x128xf32>
    %dot_general3A = arith.constant dense<0.000000e+00> : vector<6250x128xf32>
    %dot_general3A_50 = tpu.matmul %rsqrt3A, %convert_element_type3A_49, %dot_general3A {dimension_numbers = #tpu.dot_dimension_numbers<[1], [0], [0], [1], [0, 0, 1, 1], [], []>, transpose_lhs_hint = false} : vector<6250x16xf32>, vector<16x128xf32>, vector<6250x128xf32> -> vector<6250x128xf32>
    %get3A_51 = arith.constant 0 : index
    %get3A_52 = arith.constant 0 : index
    %get3A_53 = vector.load %arg1[%get3A_51, %get3A_52] : memref<6250x128xf32, #tpu.memory_space<vmem>>, vector<6250x128xf32>
    %mul3A = arith.mulf %get3A_53, %dot_general3A_50 : vector<6250x128xf32>
    %swap3A_54 = arith.constant 0 : index
    %swap3A_55 = arith.constant 0 : index
    %swap3A_56 = vector.load %arg2[%swap3A_54, %swap3A_55] : memref<6250x128xf32, #tpu.memory_space<vmem>>, vector<6250x128xf32>
    tpu.vector_store %arg2[%swap3A_54, %swap3A_55], %mul3A {strides = array<i32>} : memref<6250x128xf32, #tpu.memory_space<vmem>>, vector<6250x128xf32>,
    return
  }
}

module attributes {stable_mosaic.version = 14 : i64} {
  func.func @_final_body(%arg0: memref<2x6256x128xf32, #tpu.memory_space<vmem>>, %arg1: memref<6250x128xf32, #tpu.memory_space<vmem>>, %arg2: memref<6250x16xf32, #tpu.memory_space<vmem>>, %arg3: memref<6250x16xf32, #tpu.memory_space<vmem>>, %arg4: memref<1x1xf32, #tpu.memory_space<smem>>) attributes {dimension_semantics = [], scalar_prefetch = 0 : i64, scratch_operands = 0 : i64, tpu.core_type = #tpu.core_type<tc>} {
    %get3A = arith.constant 0 : index
    %get3A_0 = arith.constant 0 : index
    %get3A_1 = arith.constant 0 : index
    %get3A_2 = vector.load %arg0[%get3A, %get3A_0, %get3A_1] : memref<2x6256x128xf32, #tpu.memory_space<vmem>>, vector<1x6250x128xf32>
    %get3A_3 = vector.shape_cast %get3A_2 : vector<1x6250x128xf32> to vector<6250x128xf32>
    %get3A_4 = arith.constant 1 : index
    %get3A_5 = arith.constant 0 : index
    %get3A_6 = arith.constant 0 : index
    %get3A_7 = vector.load %arg0[%get3A_4, %get3A_5, %get3A_6] : memref<2x6256x128xf32, #tpu.memory_space<vmem>>, vector<1x6250x128xf32>
    %get3A_8 = vector.shape_cast %get3A_7 : vector<1x6250x128xf32> to vector<6250x128xf32>
    %add3A = arith.addf %get3A_3, %get3A_8 : vector<6250x128xf32>
    %iota3A = tpu.iota {dimensions = array<i32: 1>} : vector<16x128xi32>
    %iota3A_9 = tpu.iota {dimensions = array<i32: 0>} : vector<16x128xi32>
    %jit3A = arith.constant 8 : i32
    %div3A = vector.broadcast %jit3A : i32 to vector<16x128xi32>
    %div3A_10 = arith.divsi %iota3A, %div3A : vector<16x128xi32>
    %sign3A = arith.constant 0 : i32
    %sign3A_11 = vector.broadcast %sign3A : i32 to vector<16x128xi32>
    %sign3A_12 = arith.cmpi sgt, %iota3A, %sign3A_11 : vector<16x128xi32>
    %sign3A_13 = arith.extui %sign3A_12 : vector<16x128xi1> to vector<16x128xi32>
    %sign3A_14 = arith.constant 0 : i32
    %sign3A_15 = vector.broadcast %sign3A_14 : i32 to vector<16x128xi32>
    %sign3A_16 = arith.cmpi slt, %iota3A, %sign3A_15 : vector<16x128xi32>
    %sign3A_17 = arith.extui %sign3A_16 : vector<16x128xi1> to vector<16x128xi32>
    %sign3A_18 = arith.subi %sign3A_13, %sign3A_17 : vector<16x128xi32>
    %sign3A_19 = arith.constant 0 : i32
    %sign3A_20 = arith.cmpi sgt, %jit3A, %sign3A_19 : i32
    %sign3A_21 = arith.extui %sign3A_20 : i1 to i32
    %sign3A_22 = arith.constant 0 : i32
    %sign3A_23 = arith.cmpi slt, %jit3A, %sign3A_22 : i32
    %sign3A_24 = arith.extui %sign3A_23 : i1 to i32
    %sign3A_25 = arith.subi %sign3A_21, %sign3A_24 : i32
    %ne3A = vector.broadcast %sign3A_25 : i32 to vector<16x128xi32>
    %ne3A_26 = arith.cmpi ne, %sign3A_18, %ne3A : vector<16x128xi32>
    %rem3A = vector.broadcast %jit3A : i32 to vector<16x128xi32>
    %rem3A_27 = arith.remsi %iota3A, %rem3A : vector<16x128xi32>
    %ne3A_28 = arith.constant 0 : i32
    %ne3A_29 = vector.broadcast %ne3A_28 : i32 to vector<16x128xi32>
    %ne3A_30 = arith.cmpi ne, %rem3A_27, %ne3A_29 : vector<16x128xi32>
    %and3A = arith.andi %ne3A_26, %ne3A_30 : vector<16x128xi1>
    %sub3A = arith.constant 1 : i32
    %sub3A_31 = vector.broadcast %sub3A : i32 to vector<16x128xi32>
    %sub3A_32 = arith.subi %div3A_10, %sub3A_31 : vector<16x128xi32>
    %select_n3A = arith.select %and3A, %sub3A_32, %div3A_10 : vector<16x128xi1>, vector<16x128xi32>
    %eq3A = arith.cmpi eq, %select_n3A, %iota3A_9 : vector<16x128xi32>
    %convert_element_type3A = arith.extui %eq3A : vector<16x128xi1> to vector<16x128xi32>
    %convert_element_type3A_33 = arith.sitofp %convert_element_type3A : vector<16x128xi32> to vector<16x128xf32>
    %get3A_34 = arith.constant 0 : index
    %get3A_35 = arith.constant 0 : index
    %get3A_36 = vector.load %arg3[%get3A_34, %get3A_35] : memref<6250x16xf32, #tpu.memory_space<vmem>>, vector<6250x16xf32>
    %dot_general3A = arith.constant dense<0.000000e+00> : vector<6250x128xf32>
    %dot_general3A_37 = tpu.matmul %get3A_36, %convert_element_type3A_33, %dot_general3A {dimension_numbers = #tpu.dot_dimension_numbers<[1], [0], [0], [1], [0, 0, 1, 1], [], []>, transpose_lhs_hint = false} : vector<6250x16xf32>, vector<16x128xf32>, vector<6250x128xf32> -> vector<6250x128xf32>
    %get3A_38 = arith.constant 0 : index
    %get3A_39 = arith.constant 0 : index
    %get3A_40 = vector.load %arg2[%get3A_38, %get3A_39] : memref<6250x16xf32, #tpu.memory_space<vmem>>, vector<6250x16xf32>
    %dot_general3A_41 = arith.constant dense<0.000000e+00> : vector<6250x128xf32>
    %dot_general3A_42 = tpu.matmul %get3A_40, %convert_element_type3A_33, %dot_general3A_41 {dimension_numbers = #tpu.dot_dimension_numbers<[1], [0], [0], [1], [0, 0, 1, 1], [], []>, transpose_lhs_hint = false} : vector<6250x16xf32>, vector<16x128xf32>, vector<6250x128xf32> -> vector<6250x128xf32>
    %get3A_43 = arith.constant 0 : index
    %get3A_44 = arith.constant 0 : index
    %get3A_45 = vector.load %arg1[%get3A_43, %get3A_44] : memref<6250x128xf32, #tpu.memory_space<vmem>>, vector<6250x128xf32>
    %mul3A = arith.mulf %add3A, %add3A : vector<6250x128xf32>
    %mul3A_46 = arith.mulf %mul3A, %dot_general3A_37 : vector<6250x128xf32>
    %reduce_sum3A = arith.constant dense<0.000000e+00> : vector<128xf32>
    %reduce_sum3A_47 = vector.multi_reduction <add>, %mul3A_46, %reduce_sum3A [0] : vector<6250x128xf32> to vector<128xf32>
    %broadcast_in_dim3A = vector.shape_cast %reduce_sum3A_47 : vector<128xf32> to vector<1x128xf32>
    %mul3A_48 = arith.mulf %get3A_45, %get3A_45 : vector<6250x128xf32>
    %mul3A_49 = arith.mulf %mul3A_48, %dot_general3A_42 : vector<6250x128xf32>
    %reduce_sum3A_50 = arith.constant dense<0.000000e+00> : vector<128xf32>
    %reduce_sum3A_51 = vector.multi_reduction <add>, %mul3A_49, %reduce_sum3A_50 [0] : vector<6250x128xf32> to vector<128xf32>
    %broadcast_in_dim3A_52 = vector.shape_cast %reduce_sum3A_51 : vector<128xf32> to vector<1x128xf32>
    %iota3A_53 = tpu.iota {dimensions = array<i32: 0>} : vector<128x8xi32>
    %iota3A_54 = tpu.iota {dimensions = array<i32: 1>} : vector<128x8xi32>
    %jit3A_55 = arith.constant 8 : i32
    %eq3A_56 = arith.constant 0 : i32
    %eq3A_57 = arith.cmpi eq, %jit3A_55, %eq3A_56 : i32
    %jit3A_58 = arith.constant 1 : i32
    %select_n3A_59 = arith.select %eq3A_57, %jit3A_58, %jit3A_55 : i32
    %rem3A_60 = vector.broadcast %select_n3A_59 : i32 to vector<128x8xi32>
    %rem3A_61 = arith.remsi %iota3A_53, %rem3A_60 : vector<128x8xi32>
    %ne3A_62 = arith.constant 0 : i32
    %ne3A_63 = vector.broadcast %ne3A_62 : i32 to vector<128x8xi32>
    %ne3A_64 = arith.cmpi ne, %rem3A_61, %ne3A_63 : vector<128x8xi32>
    %lt3A = arith.constant 0 : i32
    %lt3A_65 = vector.broadcast %lt3A : i32 to vector<128x8xi32>
    %lt3A_66 = arith.cmpi slt, %rem3A_61, %lt3A_65 : vector<128x8xi32>
    %lt3A_67 = arith.constant 0 : i32
    %lt3A_68 = arith.cmpi slt, %select_n3A_59, %lt3A_67 : i32
    %ne3A_69 = vector.broadcast %lt3A_68 : i1 to vector<128x8xi1>
    %ne3A_70 = vector.broadcast %ne3A_69 : vector<128x8xi1> to vector<128x8xi1>
    %ne3A_71 = arith.xori %lt3A_66, %ne3A_70 : vector<128x8xi1>
    %and3A_72 = arith.andi %ne3A_71, %ne3A_64 : vector<128x8xi1>
    %add3A_73 = vector.broadcast %select_n3A_59 : i32 to vector<128x8xi32>
    %add3A_74 = arith.addi %rem3A_61, %add3A_73 : vector<128x8xi32>
    %select_n3A_75 = arith.select %and3A_72, %add3A_74, %rem3A_61 : vector<128x8xi1>, vector<128x8xi32>
    %eq3A_76 = arith.cmpi eq, %select_n3A_75, %iota3A_54 : vector<128x8xi32>
    %convert_element_type3A_77 = arith.extui %eq3A_76 : vector<128x8xi1> to vector<128x8xi32>
    %convert_element_type3A_78 = arith.sitofp %convert_element_type3A_77 : vector<128x8xi32> to vector<128x8xf32>
    %dot_general3A_79 = arith.constant dense<0.000000e+00> : vector<1x8xf32>
    %dot_general3A_80 = tpu.matmul %broadcast_in_dim3A, %convert_element_type3A_78, %dot_general3A_79 {dimension_numbers = #tpu.dot_dimension_numbers<[1], [0], [0], [1], [0, 0, 1, 1], [], []>, transpose_lhs_hint = false} : vector<1x128xf32>, vector<128x8xf32>, vector<1x8xf32> -> vector<1x8xf32>
    %dot_general3A_81 = arith.constant dense<0.000000e+00> : vector<1x8xf32>
    %dot_general3A_82 = tpu.matmul %broadcast_in_dim3A_52, %convert_element_type3A_78, %dot_general3A_81 {dimension_numbers = #tpu.dot_dimension_numbers<[1], [0], [0], [1], [0, 0, 1, 1], [], []>, transpose_lhs_hint = false} : vector<1x128xf32>, vector<128x8xf32>, vector<1x8xf32> -> vector<1x8xf32>
    %max3A = arith.constant 9.99999997E-7 : f32
    %max3A_83 = vector.broadcast %max3A : f32 to vector<1x8xf32>
    %max3A_84 = arith.maximumf %dot_general3A_82, %max3A_83 : vector<1x8xf32>
    %div3A_85 = arith.divf %dot_general3A_80, %max3A_84 : vector<1x8xf32>
    %sub3A_86 = arith.constant 1.000000e+00 : f32
    %sub3A_87 = vector.broadcast %sub3A_86 : f32 to vector<1x8xf32>
    %sub3A_88 = arith.subf %sub3A_87, %div3A_85 : vector<1x8xf32>
    %ne3A_89 = arith.cmpf one, %sub3A_88, %sub3A_88 : vector<1x8xf32>
    %abs3A = math.absf %sub3A_88 : vector<1x8xf32>
    %eq3A_90 = arith.constant 0x7F800000 : f32
    %eq3A_91 = vector.broadcast %eq3A_90 : f32 to vector<1x8xf32>
    %eq3A_92 = arith.cmpf oeq, %abs3A, %eq3A_91 : vector<1x8xf32>
    %or3A = arith.ori %ne3A_89, %eq3A_92 : vector<1x8xi1>
    %jit3A_93 = arith.constant 0.000000e+00 : f32
    %broadcast_in_dim3A_94 = vector.broadcast %jit3A_93 : f32 to vector<1x8xf32>
    %select_n3A_95 = arith.select %or3A, %broadcast_in_dim3A_94, %sub3A_88 : vector<1x8xi1>, vector<1x8xf32>
    %reduce_sum3A_96 = vector.shape_cast %select_n3A_95 : vector<1x8xf32> to vector<1x1x8xf32>
    %reduce_sum3A_97 = arith.constant dense<0.000000e+00> : vector<1xf32>
    %reduce_sum3A_98 = vector.multi_reduction <add>, %reduce_sum3A_96, %reduce_sum3A_97 [1, 2] : vector<1x1x8xf32> to vector<1xf32>
    %reduce_sum3A_99 = vector.shape_cast %reduce_sum3A_98 : vector<1xf32> to vector<1x1x1xf32>
    %reduce_sum3A_100 = vector.extract %reduce_sum3A_99[0, 0, 0] : f32 from vector<1x1x1xf32>
    %div3A_101 = arith.constant 8.000000e+00 : f32
    %div3A_102 = arith.divf %reduce_sum3A_100, %div3A_101 : f32
    %iota3A_103 = tpu.iota {dimensions = array<i32: 1>} : vector<6250x128xi32>
    %jit3A_104 = arith.constant 8 : i32
    %eq3A_105 = arith.constant 0 : i32
    %eq3A_106 = arith.cmpi eq, %jit3A_104, %eq3A_105 : i32
    %jit3A_107 = arith.constant 1 : i32
    %select_n3A_108 = arith.select %eq3A_106, %jit3A_107, %jit3A_104 : i32
    %rem3A_109 = vector.broadcast %select_n3A_108 : i32 to vector<6250x128xi32>
    %rem3A_110 = arith.remsi %iota3A_103, %rem3A_109 : vector<6250x128xi32>
    %ne3A_111 = arith.constant 0 : i32
    %ne3A_112 = vector.broadcast %ne3A_111 : i32 to vector<6250x128xi32>
    %ne3A_113 = arith.cmpi ne, %rem3A_110, %ne3A_112 : vector<6250x128xi32>
    %lt3A_114 = arith.constant 0 : i32
    %lt3A_115 = vector.broadcast %lt3A_114 : i32 to vector<6250x128xi32>
    %lt3A_116 = arith.cmpi slt, %rem3A_110, %lt3A_115 : vector<6250x128xi32>
    %lt3A_117 = arith.constant 0 : i32
    %lt3A_118 = arith.cmpi slt, %select_n3A_108, %lt3A_117 : i32
    %ne3A_119 = vector.broadcast %lt3A_118 : i1 to vector<6250x128xi1>
    %ne3A_120 = vector.broadcast %ne3A_119 : vector<6250x128xi1> to vector<6250x128xi1>
    %ne3A_121 = arith.xori %lt3A_116, %ne3A_120 : vector<6250x128xi1>
    %and3A_122 = arith.andi %ne3A_121, %ne3A_113 : vector<6250x128xi1>
    %add3A_123 = vector.broadcast %select_n3A_108 : i32 to vector<6250x128xi32>
    %add3A_124 = arith.addi %rem3A_110, %add3A_123 : vector<6250x128xi32>
    %select_n3A_125 = arith.select %and3A_122, %add3A_124, %rem3A_110 : vector<6250x128xi1>, vector<6250x128xi32>
    %eq3A_126 = arith.constant 0 : i32
    %eq3A_127 = vector.broadcast %eq3A_126 : i32 to vector<6250x128xi32>
    %eq3A_128 = arith.cmpi eq, %select_n3A_125, %eq3A_127 : vector<6250x128xi32>
    %gt3A = arith.constant 0.000000e+00 : f32
    %gt3A_129 = vector.broadcast %gt3A : f32 to vector<6250x128xf32>
    %gt3A_130 = arith.cmpf ogt, %get3A_45, %gt3A_129 : vector<6250x128xf32>
    %and3A_131 = arith.andi %eq3A_128, %gt3A_130 : vector<6250x128xi1>
    %lt3A_132 = arith.constant 0.000000e+00 : f32
    %lt3A_133 = vector.broadcast %lt3A_132 : f32 to vector<6250x128xf32>
    %lt3A_134 = arith.cmpf olt, %get3A_45, %lt3A_133 : vector<6250x128xf32>
    %and3A_135 = arith.andi %eq3A_128, %lt3A_134 : vector<6250x128xi1>
    %jit3A_136 = arith.constant 0.000000e+00 : f32
    %broadcast_in_dim3A_137 = vector.broadcast %jit3A_136 : f32 to vector<6250x128xf32>
    %select_n3A_138 = arith.select %and3A_131, %get3A_45, %broadcast_in_dim3A_137 : vector<6250x128xi1>, vector<6250x128xf32>
    %reduce_sum3A_139 = vector.shape_cast %select_n3A_138 : vector<6250x128xf32> to vector<1x6250x128xf32>
    %reduce_sum3A_140 = arith.constant dense<0.000000e+00> : vector<1xf32>
    %reduce_sum3A_141 = vector.multi_reduction <add>, %reduce_sum3A_139, %reduce_sum3A_140 [1, 2] : vector<1x6250x128xf32> to vector<1xf32>
    %reduce_sum3A_142 = vector.shape_cast %reduce_sum3A_141 : vector<1xf32> to vector<1x1x1xf32>
    %reduce_sum3A_143 = vector.extract %reduce_sum3A_142[0, 0, 0] : f32 from vector<1x1x1xf32>
    %jit3A_144 = arith.constant 0.000000e+00 : f32
    %broadcast_in_dim3A_145 = vector.broadcast %jit3A_144 : f32 to vector<6250x128xf32>
    %select_n3A_146 = arith.select %and3A_135, %get3A_45, %broadcast_in_dim3A_145 : vector<6250x128xi1>, vector<6250x128xf32>
    %reduce_sum3A_147 = vector.shape_cast %select_n3A_146 : vector<6250x128xf32> to vector<1x6250x128xf32>
    %reduce_sum3A_148 = arith.constant dense<0.000000e+00> : vector<1xf32>
    %reduce_sum3A_149 = vector.multi_reduction <add>, %reduce_sum3A_147, %reduce_sum3A_148 [1, 2] : vector<1x6250x128xf32> to vector<1xf32>
    %reduce_sum3A_150 = vector.shape_cast %reduce_sum3A_149 : vector<1xf32> to vector<1x1x1xf32>
    %reduce_sum3A_151 = vector.extract %reduce_sum3A_150[0, 0, 0] : f32 from vector<1x1x1xf32>
    %convert_element_type3A_152 = arith.extui %and3A_131 : vector<6250x128xi1> to vector<6250x128xi32>
    %convert_element_type3A_153 = arith.sitofp %convert_element_type3A_152 : vector<6250x128xi32> to vector<6250x128xf32>
    %reduce_sum3A_154 = vector.shape_cast %convert_element_type3A_153 : vector<6250x128xf32> to vector<1x6250x128xf32>
    %reduce_sum3A_155 = arith.constant dense<0.000000e+00> : vector<1xf32>
    %reduce_sum3A_156 = vector.multi_reduction <add>, %reduce_sum3A_154, %reduce_sum3A_155 [1, 2] : vector<1x6250x128xf32> to vector<1xf32>
    %reduce_sum3A_157 = vector.shape_cast %reduce_sum3A_156 : vector<1xf32> to vector<1x1x1xf32>
    %reduce_sum3A_158 = vector.extract %reduce_sum3A_157[0, 0, 0] : f32 from vector<1x1x1xf32>
    %convert_element_type3A_159 = arith.extui %and3A_135 : vector<6250x128xi1> to vector<6250x128xi32>
    %convert_element_type3A_160 = arith.sitofp %convert_element_type3A_159 : vector<6250x128xi32> to vector<6250x128xf32>
    %reduce_sum3A_161 = vector.shape_cast %convert_element_type3A_160 : vector<6250x128xf32> to vector<1x6250x128xf32>
    %reduce_sum3A_162 = arith.constant dense<0.000000e+00> : vector<1xf32>
    %reduce_sum3A_163 = vector.multi_reduction <add>, %reduce_sum3A_161, %reduce_sum3A_162 [1, 2] : vector<1x6250x128xf32> to vector<1xf32>
    %reduce_sum3A_164 = vector.shape_cast %reduce_sum3A_163 : vector<1xf32> to vector<1x1x1xf32>
    %reduce_sum3A_165 = vector.extract %reduce_sum3A_164[0, 0, 0] : f32 from vector<1x1x1xf32>
    %max3A_166 = arith.constant 1.000000e+00 : f32
    %max3A_167 = arith.maximumf %reduce_sum3A_158, %max3A_166 : f32
    %div3A_168 = arith.divf %reduce_sum3A_143, %max3A_167 : f32
    %max3A_169 = arith.constant 1.000000e+00 : f32
    %max3A_170 = arith.maximumf %reduce_sum3A_165, %max3A_169 : f32
    %div3A_171 = arith.divf %reduce_sum3A_151, %max3A_170 : f32
    %sub3A_172 = arith.subf %div3A_168, %div3A_171 : f32
    %abs3A_173 = math.absf %sub3A_172 : f32
    %eq3A_174 = arith.constant 0.000000e+00 : f32
    %eq3A_175 = arith.cmpf oeq, %reduce_sum3A_158, %eq3A_174 : f32
    %eq3A_176 = arith.constant 0.000000e+00 : f32
    %eq3A_177 = arith.cmpf oeq, %reduce_sum3A_165, %eq3A_176 : f32
    %or3A_178 = arith.ori %eq3A_175, %eq3A_177 : i1
    %add3A_179 = arith.constant 9.99999997E-7 : f32
    %add3A_180 = arith.addf %abs3A_173, %add3A_179 : f32
    %div3A_181 = arith.constant 1.000000e+00 : f32
    %div3A_182 = arith.divf %div3A_181, %add3A_180 : f32
    %jit3A_183 = arith.constant 1.000000e+00 : f32
    %select_n3A_184 = arith.select %or3A_178, %jit3A_183, %div3A_182 : f32
    %mul3A_185 = arith.constant 1.000000e-01 : f32
    %mul3A_186 = arith.mulf %mul3A_185, %select_n3A_184 : f32
    %add3A_187 = arith.addf %div3A_102, %mul3A_186 : f32
    %swap3A = arith.constant 0 : index
    %swap3A_188 = arith.constant 0 : index
    %swap3A_189 = memref.load %arg4[%swap3A, %swap3A_188] : memref<1x1xf32, #tpu.memory_space<smem>>
    memref.store %add3A_187, %arg4[%swap3A, %swap3A_188] : memref<1x1xf32, #tpu.memory_space<smem>>
    return
  }
}

</mosaic_0001>

<sc_bundles>
// kernel: _run.6.cloned.1.call-start
scs
__scs_entry_jumppad:
0x0: {  	(pc) =	sbr.rel $0x88, $3  }
0x1: {  	(tag) =	ssettag $0x0;
	lr =	simm.s32 $0x1  }
0x2: {  	[smem:$0x3F9F] =	sst lr;
	_ =	strace $0xD0000000  }
0x3: {  	_ = 	snop  }
0x4: {  	_ = 	snop  }
0x5: {  	_ = 	snop  }
0x6: {  	_ = 	snop  }
0x7: {  	_ = 	snop  }
__scs_overlays_trampoline_lowered:
0x8: {  	[smem:$0x3FAE] =	sst s0  }
0x9: {  	[smem:$0x3FAF] =	sst s1  }
0xa: {  	[smem:$0x3FB0] =	sst s2  }
0xb: {  	[smem:$0x3FB1] =	sst s3  }
0xc: {  	[smem:$0x3FB2] =	sst s4  }
0xd: {  	[smem:$0x3FB3] =	sst s5  }
0xe: {  	[smem:$0x3FB4] =	sst s6  }
0xf: {  	[smem:$0x3FB5] =	sst s7  }
0x10: {  	[smem:$0x3FB6] =	sst s8  }
0x11: {  	[smem:$0x3FB7] =	sst s9;
	s0 =	simm.s32 @!p0 $0x0  }
0x12: {  	s1 =	sld [smem:$0x3F9D];
	s0 =	simm.s32 @p0 $0x1  }
0x13: {  	[smem:$0x3FB8] =	sst s0;
	s0 =	simm.s32 @!p1 $0x0  }
0x14: {  	s2 =	sld [smem:$0x3F9C];
	s0 =	simm.s32 @p1 $0x1  }
0x15: {  	[smem:$0x3FB9] =	sst s0;
	s0 =	simm.s32 @!p2 $0x0  }
0x16: {  	s3 =	sld [smem:$0x3FDB];
	s0 =	simm.s32 @p2 $0x1  }
0x17: {  	s4 =	simm.s32 $0x1BF5;
	[smem:$0x3FBB] =	sst s0  }
0x18: {  	s0 =	sld [smem:$0x3F9E];
	_ =	swait.ge [sflag:s4], $0x0  }
0x19: {  	s7 =	sld [smem:$0x3F9F]  }
0x1a: {  	s8 =	sadd.s32 $0xFFFFE003, lr  }
0x1b: {  	s9 =	sadd.s32 $0xFFFFFEF7, lr;
	s5 =	simm.s32 $0xFFFFFFFF;
	p2 =	slt.u32 s8, $0xFFFFF086  }
0x1c: {  	p1 =	slt.u32 s9, $0xF7A;
	s5 =	simm.s32 @!p2 $0x0  }
0x1d: {  	s5 =	simm.s32 @p1 $0x1;
	p0 =	seq.s32 s7, s2  }
0x1e: {  	s7 =	smul.u32 @!p0 $0xF7A, s2;
	p2 =	seq.s32 @!p0 s5, $0x0  }
0x1f: {  	s9 =	smul.u32 $0xF7A, s1;
	s8 =	simm.s32 @!p0 $0x1BF5;
	p2 =	por !p2, p0  }
0x20: {  	[sflag:s8] =	ssyncset.s32 @!p0 $0xFFFFF086;
	s6 =	sadd.s32 @!p0 s3, s7;
	s7 =	simm.s32 @!p0 $0x108  }
0x21: {  	s3 =	sadd.s32 s3, s9;
	s6 =	sadd.s32 @!p0 $0x88, s6;
	s7 =	simm.s32 @p2 $0x1082  }
0x22: {  	[simem:s7], [sflag:s8] =	dma.local @!p0 [hbm:s6], $0xF7A  }
0x23: {  	s9 =	sor.u32 $0xD0000000, s2;
	s6 =	simm.s32 $0x108;
	_ =	swait.ge @!p0 [sflag:s8], $0x0  }
0x24: {  	s3 =	sadd.s32 $0x88, s3;
	s6 =	simm.s32 @!p1 $0x1082;
	[sflag:s4] =	ssyncset.s32 $0xFFFFF086  }
0x25: {  	[simem:s6], [sflag:s4] =	dma.local [hbm:s3], $0xF7A  }
0x26: {  	[smem:$0x3F9F] =	sst s1;
	(tag) =	ssettag s2;
	_ =	strace s9  }
0x27: {  	s1 =	sld [smem:$0x3FAF]  }
0x28: {  	s2 =	sld [smem:$0x3FB0]  }
0x29: {  	s4 =	sld [smem:$0x3FB2]  }
0x2a: {  	p0 =	seq.s32 s5, $0x0;
	s5 =	sld [smem:$0x3FB3]  }
0x2b: {  	s6 =	sld [smem:$0x3FB4]  }
0x2c: {  	s7 =	sld [smem:$0x3FB5]  }
0x2d: {  	s3 =	simm.s32 $0x108;
	s8 =	sld [smem:$0x3FB6]  }
0x2e: {  	s3 =	simm.s32 @!p0 $0x1082;
	s9 =	sld [smem:$0x3FB7]  }
0x2f: {  	lr =	sadd.s32 s0, s3;
	s0 =	sld [smem:$0x3FAE]  }
0x30: {  	s3 =	sld [smem:$0x3FB1]  }
0x31: {  	[smem:$0x3FBA] =	sst s10  }
0x32: {  	s10 =	sld [smem:$0x3FB8];
	_ =	sdelay $0x3  }
0x33: {  	p0 =	seq.s32 s10, $0x1;
	s10 =	sld [smem:$0x3FBA];
	_ =	sdelay $0x3  }
0x34: {  	[smem:$0x3FBA] =	sst s10  }
0x35: {  	s10 =	sld [smem:$0x3FB9];
	_ =	sdelay $0x3  }
0x36: {  	p1 =	seq.s32 s10, $0x1;
	s10 =	sld [smem:$0x3FBA];
	_ =	sdelay $0x3  }
0x37: {  	[smem:$0x3FBA] =	sst s10  }
0x38: {  	s10 =	sld [smem:$0x3FBB]  }
0x39: {  	_ = 	snop;
	(pc) =	sbr.ind lr, $3  }
0x3a: {  	_ = 	snop  }
0x3b: {  	_ = 	snop  }
0x3c: {  	p2 =	seq.s32 s10, $0x1;
	s10 =	sld [smem:$0x3FBA]  }
0x3d: {  	_ =	shalt  }
0x3e: {  	_ =	shalt  }
0x3f: {  	_ =	shalt  }
0x40: {  	_ =	shalt  }
0x41: {  	_ =	shalt  }
0x42: {  	_ =	shalt  }
0x43: {  	_ =	shalt  }
0x44: {  	_ =	shalt  }
0x45: {  	_ =	shalt  }
0x46: {  	_ =	shalt  }
0x47: {  	_ =	shalt  }
0x48: {  	_ =	shalt  }
0x49: {  	_ =	shalt  }
0x4a: {  	_ =	shalt  }
0x4b: {  	_ =	shalt  }
0x4c: {  	_ =	shalt  }
0x4d: {  	_ =	shalt  }
0x4e: {  	_ =	shalt  }
0x4f: {  	_ =	shalt  }
0x50: {  	_ =	shalt  }
0x51: {  	_ =	shalt  }
0x52: {  	_ =	shalt  }
0x53: {  	_ =	shalt  }
0x54: {  	_ =	shalt  }
0x55: {  	_ =	shalt  }
0x56: {  	_ =	shalt  }
0x57: {  	_ =	shalt  }
0x58: {  	_ =	shalt  }
0x59: {  	_ =	shalt  }
0x5a: {  	_ =	shalt  }
0x5b: {  	_ =	shalt  }
0x5c: {  	_ =	shalt  }
0x5d: {  	_ =	shalt  }
0x5e: {  	_ =	shalt  }
0x5f: {  	_ =	shalt  }
0x60: {  	_ =	shalt  }
0x61: {  	_ =	shalt  }
0x62: {  	_ =	shalt  }
0x63: {  	_ =	shalt  }
0x64: {  	_ =	shalt  }
0x65: {  	_ =	shalt  }
0x66: {  	_ =	shalt  }
0x67: {  	_ =	shalt  }
0x68: {  	_ =	shalt  }
0x69: {  	_ =	shalt  }
0x6a: {  	_ =	shalt  }
0x6b: {  	_ =	shalt  }
0x6c: {  	_ =	shalt  }
0x6d: {  	_ =	shalt  }
0x6e: {  	_ =	shalt  }
0x6f: {  	_ =	shalt  }
0x70: {  	_ =	shalt  }
0x71: {  	_ =	shalt  }
0x72: {  	_ =	shalt  }
0x73: {  	_ =	shalt  }
0x74: {  	_ =	shalt  }
0x75: {  	_ =	shalt  }
0x76: {  	_ =	shalt  }
0x77: {  	_ =	shalt  }
0x78: {  	_ =	shalt  }
0x79: {  	_ =	shalt  }
0x7a: {  	_ =	shalt  }
0x7b: {  	_ =	shalt  }
0x7c: {  	_ =	shalt  }
0x7d: {  	_ =	shalt  }
0x7e: {  	_ =	shalt  }
0x7f: {  	_ =	shalt  }
0x80: {  	_ =	shalt  }
0x81: {  	_ =	shalt  }
0x82: {  	_ =	shalt  }
0x83: {  	_ =	shalt  }
0x84: {  	_ =	shalt  }
0x85: {  	_ =	shalt  }
0x86: {  	_ =	shalt  }
0x87: {  	_ =	shalt  }
.Lfunc_end0:
.L_simem_size_0:
called_computation_lowered:
.L_overlay_start_0:
0x88: {  	s2 =	sld [smem:$0x3FD9]  }
0x89: {  	s3 =	sld [smem:$0x3FFE];
	_ =	sdelay $0x1  }
0x8a: {  	s1 =	srdreg.scid  }
0x8b: {  	s0 =	sand.u32 $0x1, s1  }
0x8c: {  	s16 =	sshll.u32 s0, $0xA;
	s2 =	sadd.s32 s3, s2  }
0x8d: {  	s2 =	sadd.s32 s2, s16  }
0x8e: {  	[smem:$0x3FC6] =	sst s2  }
0x8f: {  	_ = 	snop  }
0x90: {  	(tm) =	ssettm $0x1  }
0x91: {  	s17 =	sld [smem:$0x3FFB];
	_ =	sdelay $0x3  }
0x92: {  	_ =	strace s17  }
0x93: {  	s2 =	sld [smem:$0x3FFC];
	_ =	sdelay $0x3  }
0x94: {  	_ =	strace s2  }
0x95: {  	s2 =	sld [smem:$0x3FFD];
	_ =	sdelay $0x3  }
0x96: {  	_ =	strace s2  }
0x97: {  	_ =	strace $0x8FFFFFFF  }
0x98: {  	s18 =	sld [smem:$0x3FDB];
	_ =	sdelay $0x1  }
0x99: {  	s19 =	simm.s32 $_scs_section_size  }
0x9a: {  	s4 =	simm.s32 $_size__tile_overlayer_lowered;
	s5 =	simm.s32 $_tile_overlayer_lowered  }
0x9b: {  	s22 =	simm.s32 $0x1BFF;
	s21 =	sshll.u32 s5, $0x1;
	s2 =	sadd.s32 s19, s18  }
0x9c: {  	s6 =	simm.s32 $0x0;
	s20 =	sshll.u32 s4, $0x1;
	s4 =	sadd.s32 s21, s2  }
0x9d: {  	[timem:s6], [sflag:s22] =	dma.local [hbm:s4], s20  }
0x9e: {  	_ =	swait.ge [sflag:s22], s20  }
0x9f: {  	s3 =	ssub.s32 $0x0, s20;
	[sflag:s22] =	ssyncset.done $0x0  }
0xa0: {  	[sflag:s22] =	ssyncadd.s32 s3;
	_ =	sdelay $0x1  }
0xa1: {  	s23 =	simm.s32 $0x1B8B  }
0xa2: {  	_ =	swait.ge [sflag:s23], $0x1  }
0xa3: {  	[sflag:s23] =	ssyncset.done $0x0  }
0xa4: {  	s25 =	simm.s32 $0x1B8E;
	s24 =	sld [smem:$0x3FFE];
	[sflag:s23] =	ssyncadd.s32 $0xFFFFFFFF  }
0xa5: {  	s26 =	simm.s32 $execute0_lowered;
	[smem:$0x3FD2] =	sst s25  }
0xa6: {  	s4 =	sshll.u32 s26, $0x1;
	_ =	strace $0x80000046;
	[dreg:$0x1] =	wrdreg $0xFFFFFFFF  }
0xa7: {  	s28 =	simm.s32 $_size_execute0_lowered;
	s2 =	sadd.s32 s2, s4;
	[dreg:$0x0] =	wrdreg $0x0  }
0xa8: {  	s4 =	sshll.u32 s28, $0x1;
	[dreg:$0x2] =	wrdreg s2  }
0xa9: {  	[dreg:$0x3] =	wrdreg s4  }
0xaa: {  	[dreg:$0x4] =	wrdreg $0xC0  }
0xab: {  	_ =	task [dreg:s6], $0x5FFFF  }
0xac: {  	[dreg:$0x1] =	wrdreg $0xFFFFFFFF  }
0xad: {  	[dreg:$0x0] =	wrdreg $0x60  }
0xae: {  	[dreg:$0x2] =	wrdreg s24  }
0xaf: {  	[dreg:$0x3] =	wrdreg $0x0  }
0xb0: {  	[dreg:$0x4] =	wrdreg $0x19000  }
0xb1: {  	[dreg:$0x5] =	wrdreg $0x9  }
0xb2: {  	_ =	task.clear_ibuf [dreg:s6], $0x6FFFF;
	_ =	strace $0x90000046  }
0xb3: {  	s29 =	simm.s32 $0x9;
	_ =	strace $0x80000048  }
0xb4: {  	_ =	swait.ge [sflag:s29], $0x1  }
0xb5: {  	[sflag:s29] =	ssyncadd.s32 $0xFFFFFFFF  }
0xb6: {  	_ =	strace $0x90000048  }
0xb7: {  	_ =	sfence  }
0xb8: {  	s30 =	sld [smem:$0x0];
	_ =	sdelay $0x2  }
0xb9: {  	s31 =	sshll.u32 s1, $0xD;
	s1 =	sshrl.u32 s1, $0x2  }
0xba: {  	s3 =	sand.u32 $0x4000, s31;
	s1 =	sadd.s32 s1, s30  }
0xbb: {  	s0 =	sor.u32 s3, s0;
	s1 =	sshll.u32 s1, $0x11  }
0xbc: {  	s0 =	sor.u32 s1, s0  }
0xbd: {  	s0 =	sadd.s32 $0x8F2B, s0  }
0xbe: {  	[sflag:s0] =	ssyncadd.remote.s32 $0x1  }
0xbf: {  	_ =	sfence.sel $0xFFFF  }
0xc0: {  	[dreg:$0x0] =	wrdreg $0xFFFFFFFF;
	(pc) =	sbr.abs _section_cstart, $3  }
0xc1: {  	[dreg:$0x1] =	wrdreg $0xFFFFFFFF  }
0xc2: {  	_ =	task.clear_ibuf [dreg:s6], $0x2FFFF;
	_ =	strace $0x9FFFFFFF  }
0xc3: {  	(tm) =	ssettm $0x7FFFFFFF  }
tec
execute0_lowered:
.L_overlay_start_1:
0x0: {  	(tag) =	ssettag $0x1  }
0x1: {  	s21 =	stileid.u32  }
0x2: {  	s10 =	smul.u32 $0x1900, s21  }
0x3: {  	s24 =	smul.u32 $0x186A0, s21  }
0x4: {  	s1 =	srdreg.scid;
	s28 =	smul.u32 $0x32, s21  }
0x5: {  	s0 =	rddreg [dreg:$0x0];
	s1 =	sand.u32 $0x1, s1;
	s30 =	smul.u32 $0x30D4, s21  }
0x6: {  	s2 =	rddreg [dreg:$0x1];
	s5 =	smul.u32 $0x32000, s1  }
0x7: {  	s3 =	rddreg [dreg:$0x2];
	s4 =	simm.s32 $0x0;
	s15 =	smul.u32 $0x186A00, s1  }
0x8: {  	[smem:$0x7FF] =	sst s4;
	s6 =	sshll.u32 s1, $0x4;
	s26 =	smul.u32 $0x320, s1  }
0x9: {  	s9 =	ssub.s32 $0x2, s1;
	s1 =	smul.u32 $0x30D40, s1;
	s8 =	sor.u32 s21, s6  }
0xa: {  	s16 =	simm.s32 $0x1;
	_ =	strace $0x80000047;
	s7 =	smul.u32 $0x640, s8  }
0xb: {  	s11 =	sshrl.u32 s9, $0x1;
	s21 =	simm.s32 $0xD;
	s6 =	smul.u32 $0x32, s8  }
0xc: {  	s5 =	sadd.s32 s10, s5;
	s12 =	smul.u32 $0x186A0, s8;
	s17 =	ssub.s32 s9, s11  }
0xd: {  	s8 =	sadd.s32 s10, s2;
	s10 =	sadd.s32 s10, s3;
	s18 =	sshrl.u32 s5, $0x3  }
0xe: {  	s5 =	sadd.s32 $0x1000, s0;
	s17 =	smax.u32 s17, $0x1;
	s0 =	sadd.s32 s18, s0  }
0xf: {  	s7 =	sshrl.u32 s7, $0x5;
	s19 =	sshrl.u32 s12, $0x3;
	s23 =	sor.u32 $0x1, s6  }
0x10: {  	s18 =	sadd.s32 s24, s15;
	s7 =	sadd.s32 $0x32, s7;
	s9 =	sadd.s32 s5, s19  }
0x11: {  	s20 =	smul.u32 $0x7D0, s23;
	s19 =	sadd.s32 $0x30FB10, s18;
	s22 =	ssub.s32 s7, s6  }
0x12: {  	s29 =	sadd.s32 $0x30F340, s18;
	s15 =	sadd.s32 $0xC4600, s0;
	s13 =	sadd.s32 $0x3, s22  }
0x13: {  	[dreg:$0x8] =	wrdreg s9;
	s9 =	sadd.s32 $0x61A80, s9;
	s14 =	sshll.u32 s13, $0x10  }
0x14: {  	s19 =	sshrl.u32 s19, $0x3;
	[dreg:$0x9] =	wrdreg s9;
	s14 =	sshra.s32 s14, $0x1F  }
0x15: {  	s12 =	sshrl.u32 s20, $0x3;
	p0 =	slt.s32 s22, $0xFFFFFFFE;
	s14 =	sand.u32 $0x3, s14  }
0x16: {  	s20 =	sadd.s32 s28, s26;
	[dreg:$0x7] =	wrdreg s19;
	s13 =	sadd.s32 s14, s13  }
0x17: {  	s19 =	sadd.s32 s30, s1;
	s16 =	simm.s32 @!p0 $0x0;
	s13 =	sshll.u32 s13, $0x10  }
0x18: {  	p0 =	sle.u32 s7, s6;
	s14 =	sadd.s32 $0x30E3A0, s18;
	s13 =	sshra.s32 s13, $0x12  }
0x19: {  	s18 =	sadd.s32 $0x30EB70, s18;
	s25 =	ssub.s32 s13, s16;
	s16 =	sshrl.u32 s29, $0x3  }
0x1a: {  	[dreg:$0x6] =	wrdreg s16;
	s16 =	sadd.s32 $0xC7800, s0;
	s0 =	simm.s32 @!p0 $0x0  }
0x1b: {  	s14 =	sshrl.u32 s14, $0x3;
	s0 =	simm.s32 @p0 $0x1;
	p0 =	sge.u32 s23, s7  }
0x1c: {  	s31 =	sshrl.u32 s18, $0x3;
	[smem:$0x7FA] =	sst s0;
	s0 =	simm.s32 @!p0 $0x0  }
0x1d: {  	[dreg:$0x4] =	wrdreg s14;
	s0 =	simm.s32 @p0 $0x1;
	p0 =	slt.s32 s25, $0x1  }
.Ltmp0:
0x1e: {  	[smem:$0x7FB] =	sst s0;
	s0 =	simm.s32 @!p0 $0x0;
	(pc) =	sbr.rel .LBB2_1-.Ltmp0, $4  }
0x1f: {  	[dreg:$0x5] =	wrdreg s31;
	s0 =	simm.s32 @p0 $0x1;
	p0 =	slt.s32 s22, $0x1  }
0x20: {  	s12 =	sadd.s32 s5, s12;
	[smem:$0x7FC] =	sst s0;
	s0 =	simm.s32 @!p0 $0x0  }
0x21: {  	s18 =	sadd.s32 $0xFFFFFFFE, s20;
	[dreg:$0xa] =	wrdreg s25;
	s0 =	simm.s32 @p0 $0x1  }
0x22: {  	v0 =	vimm.f32 $0.0e+00;
	v1 =	vimm.f32 $1.000000000e+00;
	s20 =	simm.s32 $0x3200;
	s14 =	sadd.s32 $0x61A80, s12;
	[smem:$0x7FD] =	sst s0  }
.LBB2_7:
0x23: {  	s26 =	smov.u32 s5;
	s22 =	smov.u32 s18;
	s25 =	smov.u32 s18  }
.LBB2_12:
0x24: {  	p0 =	por p1, !p3  }
0x25: {  	[sflag:s1] =	ssyncadd.s32 @!p0 $0xFFFFF830  }
0x26: {  	p2 =	por p2, !p3;
	_ =	swait.ge @!p0 [sflag:s0], $0x7D0  }
0x27: {  	p1 =	por p5, !p3;
	s1 =	simm.s32 @!p2 $0x5AA0;
	[sflag:s0] =	ssyncset.done @!p0 $0x0  }
0x28: {  	s11 =	simm.s32 @!p2 $0x0;
	s9 =	rddreg [dreg:$0x7];
	[sflag:s0] =	ssyncadd.s32 @!p0 $0xFFFFF830  }
0x29: {  	[tilespmem:s1], [sflag:$0x2] =	stream.linear.gather @!p2 [hbm4b:s30+s11], $0x7D0, $0x38;
	[tilespmem:$0x9150] =	vst v63  }
0x2a: {  	s0 =	simm.s32 @!p2 $0x79E0;
	s9 =	sadd.s32 @!p2 s29, s9;
	s1 =	simm.s32 @!p1 $0x4  }
0x2b: {  	[tilespmem:s0], [sflag:$0x6] =	stream.linear.gather @!p2 [hbm4b:s9+s11], $0x7D0, $0x38;
	[tilespmem:$0x9150] =	vst v63  }
0x2c: {  	_ =	swait.ge @!p1 [sflag:s1], $0x7D0  }
0x2d: {  	[sflag:s1] =	ssyncset.done @!p1 $0x0  }
0x2e: {  	s0 =	simm.s32 @!p1 $0x8;
	[sflag:s1] =	ssyncadd.s32 @!p1 $0xFFFFF830  }
0x2f: {  	p0 =	slt.s32 @!p6 s22, s6;
	_ =	swait.ge @!p1 [sflag:s0], $0x7D0  }
0x30: {  	p0 =	por p0, p6;
	s9 =	simm.s32 @!p1 $0x7D0;
	[sflag:s0] =	ssyncset.done @!p1 $0x0  }
0x31: {  	s11 =	simm.s32 @!p1 $0x6A40;
	s1 =	simm.s32 @!p1 $0x4B00;
	[sflag:s0] =	ssyncadd.s32 @!p1 $0xFFFFF830  }
0x32: {  	[spmem:s2] =	stream.indirect.scatter.add.f32 @!p1 [tilespmem:s1], [sflag:$0xA], $0x1, s11, s9, $0xb8;
	[tilespmem:$0x9150] =	vst v63  }
0x33: {  	s0 =	simm.s32 @!p1 $0x8980;
	s11 =	simm.s32 @!p0 $0x9  }
0x34: {  	[spmem:s3] =	stream.indirect.scatter.add.f32 @!p1 [tilespmem:s1], [sflag:$0xC], $0x1, s0, s9, $0xb8;
	[tilespmem:$0x9150] =	vst v63  }
0x35: {  	p1 =	sge.s32 @!p6 s31, s7;
	s0 =	sadd.s32 @p3 $0x3E8, s26;
	_ =	swait.ge @!p0 [sflag:s11], $0x7D0  }
0x36: {  	s26 =	smov.u32 s5;
	p1 =	por p1, p6;
	[sflag:s11] =	ssyncset.done @!p0 $0x0  }
0x37: {  	s26 =	smov.u32 @p3 s0;
	s0 =	simm.s32 @!p0 $0xB;
	[sflag:s11] =	ssyncadd.s32 @!p0 $0xFFFFF830  }
0x38: {  	s1 =	sadd.s32 @!p1 s26, s19;
	_ =	swait.ge @!p0 [sflag:s0], $0x7D0  }
0x39: {  	s13 =	simm.s32 @!p1 $0x0;
	s1 =	sadd.s32 @!p1 $0x1F4, s1;
	[sflag:s0] =	ssyncset.done @!p0 $0x0  }
0x3a: {  	s11 =	simm.s32 @!p1 $0x6270;
	s9 =	rddreg [dreg:$0x4];
	[sflag:s0] =	ssyncadd.s32 @!p0 $0xFFFFF830  }
0x3b: {  	[tilespmem:s11], [sflag:$0x3] =	stream.linear.gather @!p1 [hbm4b:s1+s13], $0x7D0, $0x38;
	[tilespmem:$0x9150] =	vst v63  }
0x3c: {  	s0 =	simm.s32 @!p6 $0x1;
	s9 =	sadd.s32 @!p1 s26, s9;
	s1 =	simm.s32 @!p1 $0x81B0  }
0x3d: {  	[tilespmem:s1], [sflag:$0x7] =	stream.linear.gather @!p1 [hbm4b:s9+s13], $0x7D0, $0x38;
	[tilespmem:$0x9150] =	vst v63  }
0x3e: {  	s28 =	sadd.s32 $0x3, s22;
	_ =	swait.ge @!p6 [sflag:s0], $0x7D0  }
0x3f: {  	p0 =	sge.s32 s28, s7;
	[sflag:s0] =	ssyncset.done @!p6 $0x0  }
0x40: {  	s1 =	sadd.s32 @!p0 $0x1, s22;
	s9 =	simm.s32 @!p6 $0x5;
	[sflag:s0] =	ssyncadd.s32 @!p6 $0xFFFFF830  }
0x41: {  	p1 =	slt.s32 @!p0 s1, s6;
	_ =	swait.ge @!p6 [sflag:s9], $0x7D0  }
0x42: {  	s1 =	simm.s32 @!p6 $0x7D0;
	p1 =	por p1, p0;
	[sflag:s9] =	ssyncset.done @!p6 $0x0  }
0x43: {  	s0 =	simm.s32 @!p6 $0x52D0;
	[sflag:s9] =	ssyncadd.s32 @!p6 $0xFFFFF830;
	s9 =	simm.s32 @!p6 $0x4B00  }
0x44: {  	[spmem:s2] =	stream.indirect.scatter.add.f32 @!p6 [tilespmem:s9], [sflag:$0x9], $0x1, s0, s1, $0xb8;
	[tilespmem:$0x9150] =	vst v63  }
0x45: {  	s11 =	simm.s32 @!p1 $0xA;
	s0 =	simm.s32 @!p6 $0x7210  }
0x46: {  	[spmem:s3] =	stream.indirect.scatter.add.f32 @!p6 [tilespmem:s9], [sflag:$0xB], $0x1, s0, s1, $0xb8;
	[tilespmem:$0x9150] =	vst v63  }
0x47: {  	s0 =	sadd.s32 @!p0 $0x5, s22;
	_ =	swait.ge @!p1 [sflag:s11], $0x7D0  }
0x48: {  	p2 =	sge.s32 @!p0 s0, s7;
	[sflag:s11] =	ssyncset.done @!p1 $0x0  }
0x49: {  	s0 =	simm.s32 @!p1 $0xC;
	p2 =	por p2, p0;
	[sflag:s11] =	ssyncadd.s32 @!p1 $0xFFFFF830  }
0x4a: {  	s1 =	simm.s32 @!p2 $0x6A40;
	_ =	swait.ge @!p1 [sflag:s0], $0x7D0  }
0x4b: {  	s9 =	sadd.s32 @!p2 s26, s19;
	s13 =	simm.s32 @!p2 $0x0;
	[sflag:s0] =	ssyncset.done @!p1 $0x0  }
0x4c: {  	s9 =	sadd.s32 @!p2 $0x2EE, s9;
	s11 =	rddreg [dreg:$0x5];
	[sflag:s0] =	ssyncadd.s32 @!p1 $0xFFFFF830  }
0x4d: {  	[tilespmem:s1], [sflag:$0x4] =	stream.linear.gather @!p2 [hbm4b:s9+s13], $0x7D0, $0x38;
	[tilespmem:$0x9150] =	vst v63  }
0x4e: {  	s0 =	simm.s32 @!p2 $0x8980;
	s1 =	simm.s32 @!p0 $0x2;
	s9 =	sadd.s32 @!p2 s26, s11  }
0x4f: {  	[tilespmem:s0], [sflag:$0x8] =	stream.linear.gather @!p2 [hbm4b:s9+s13], $0x7D0, $0x38;
	[tilespmem:$0x9150] =	vst v63  }
0x50: {  	_ =	swait.ge @!p0 [sflag:s1], $0x7D0  }
0x51: {  	[sflag:s1] =	ssyncset.done @!p0 $0x0  }
0x52: {  	s31 =	sadd.s32 $0x4, s22;
	s9 =	simm.s32 @!p0 $0x6;
	[sflag:s1] =	ssyncadd.s32 @!p0 $0xFFFFF830  }
0x53: {  	p1 =	sge.s32 s31, s7;
	s11 =	simm.s32 @!p0 $0x4B00;
	_ =	swait.ge @!p0 [sflag:s9], $0x7D0  }
0x54: {  	p2 =	slt.s32 @!p1 s24, s6;
	s0 =	simm.s32 @!p0 $0x5AA0;
	[sflag:s9] =	ssyncset.done @!p0 $0x0  }
0x55: {  	p2 =	por p2, p1;
	s1 =	simm.s32 @!p0 $0x7D0;
	[sflag:s9] =	ssyncadd.s32 @!p0 $0xFFFFF830  }
0x56: {  	[spmem:s2] =	stream.indirect.scatter.add.f32 @!p0 [tilespmem:s11], [sflag:$0xA], $0x1, s0, s1, $0xb8;
	[tilespmem:$0x9150] =	vst v63  }
0x57: {  	s9 =	simm.s32 @!p2 $0x9;
	s0 =	simm.s32 @!p0 $0x79E0  }
0x58: {  	[spmem:s3] =	stream.indirect.scatter.add.f32 @!p0 [tilespmem:s11], [sflag:$0xC], $0x1, s0, s1, $0xb8;
	[tilespmem:$0x9150] =	vst v63  }
0x59: {  	s0 =	sadd.s32 @!p1 $0x6, s25;
	_ =	swait.ge @!p2 [sflag:s9], $0x7D0  }
0x5a: {  	p0 =	sge.s32 @!p1 s0, s7;
	[sflag:s9] =	ssyncset.done @!p2 $0x0  }
0x5b: {  	s0 =	simm.s32 @!p2 $0xB;
	p0 =	por p0, p1;
	[sflag:s9] =	ssyncadd.s32 @!p2 $0xFFFFF830  }
0x5c: {  	s1 =	sadd.s32 @!p0 s26, s19;
	_ =	swait.ge @!p2 [sflag:s0], $0x7D0  }
0x5d: {  	s11 =	simm.s32 @!p0 $0x52D0;
	s13 =	simm.s32 @!p0 $0x0;
	[sflag:s0] =	ssyncset.done @!p2 $0x0  }
0x5e: {  	s1 =	sadd.s32 @!p0 $0x3E8, s1;
	s9 =	rddreg [dreg:$0x6];
	[sflag:s0] =	ssyncadd.s32 @!p2 $0xFFFFF830  }
0x5f: {  	[tilespmem:s11], [sflag:$0x1] =	stream.linear.gather @!p0 [hbm4b:s1+s13], $0x7D0, $0x38;
	[tilespmem:$0x9150] =	vst v63  }
0x60: {  	s0 =	simm.s32 @!p0 $0x7210;
	s1 =	sadd.s32 @!p0 s26, s9;
	s9 =	simm.s32 @!p1 $0x3  }
0x61: {  	[tilespmem:s0], [sflag:$0x5] =	stream.linear.gather @!p0 [hbm4b:s1+s13], $0x7D0, $0x38;
	[tilespmem:$0x9150] =	vst v63  }
0x62: {  	_ =	swait.ge @!p1 [sflag:s9], $0x7D0  }
0x63: {  	[sflag:s9] =	ssyncset.done @!p1 $0x0  }
0x64: {  	s0 =	simm.s32 @!p1 $0x7;
	[sflag:s9] =	ssyncadd.s32 @!p1 $0xFFFFF830  }
0x65: {  	s11 =	simm.s32 @!p1 $0x6270;
	p0 =	sge.s32 s23, s7;
	_ =	swait.ge @!p1 [sflag:s0], $0x7D0  }
0x66: {  	s1 =	simm.s32 @!p1 $0x4B00;
	p2 =	slt.s32 @!p0 s28, s6;
	[sflag:s0] =	ssyncset.done @!p1 $0x0  }
0x67: {  	p2 =	por p2, p0;
	s9 =	simm.s32 @!p1 $0x7D0;
	[sflag:s0] =	ssyncadd.s32 @!p1 $0xFFFFF830  }
0x68: {  	[spmem:s2] =	stream.indirect.scatter.add.f32 @!p1 [tilespmem:s1], [sflag:$0x9], $0x1, s11, s9, $0xb8;
	[tilespmem:$0x9150] =	vst v63  }
0x69: {  	s0 =	simm.s32 @!p1 $0x81B0;
	s11 =	simm.s32 @!p2 $0xA  }
0x6a: {  	[spmem:s3] =	stream.indirect.scatter.add.f32 @!p1 [tilespmem:s1], [sflag:$0xB], $0x1, s0, s9, $0xb8;
	[tilespmem:$0x9150] =	vst v63  }
0x6b: {  	s0 =	sadd.s32 @!p0 $0x7, s22;
	_ =	swait.ge @!p2 [sflag:s11], $0x7D0  }
0x6c: {  	p1 =	sge.s32 @!p0 s0, s7;
	[sflag:s11] =	ssyncset.done @!p2 $0x0  }
0x6d: {  	s0 =	simm.s32 @!p2 $0xC;
	p1 =	por p1, p0;
	[sflag:s11] =	ssyncadd.s32 @!p2 $0xFFFFF830  }
0x6e: {  	s1 =	sadd.s32 @!p1 s26, s19;
	_ =	swait.ge @!p2 [sflag:s0], $0x7D0  }
0x6f: {  	s11 =	simm.s32 @!p1 $0x5AA0;
	s13 =	simm.s32 @!p1 $0x0;
	[sflag:s0] =	ssyncset.done @!p2 $0x0  }
0x70: {  	s1 =	sadd.s32 @!p1 $0x4E2, s1;
	s9 =	rddreg [dreg:$0x7];
	[sflag:s0] =	ssyncadd.s32 @!p2 $0xFFFFF830  }
0x71: {  	[tilespmem:s11], [sflag:$0x2] =	stream.linear.gather @!p1 [hbm4b:s1+s13], $0x7D0, $0x38;
	[tilespmem:$0x9150] =	vst v63  }
0x72: {  	s0 =	simm.s32 @!p1 $0x79E0;
	s9 =	sadd.s32 @!p1 s26, s9;
	s1 =	simm.s32 @!p0 $0x4  }
0x73: {  	[tilespmem:s0], [sflag:$0x6] =	stream.linear.gather @!p1 [hbm4b:s9+s13], $0x7D0, $0x38;
	[tilespmem:$0x9150] =	vst v63  }
0x74: {  	_ =	swait.ge @!p0 [sflag:s1], $0x7D0  }
0x75: {  	[sflag:s1] =	ssyncset.done @!p0 $0x0  }
0x76: {  	s0 =	simm.s32 @!p0 $0x8;
	[sflag:s1] =	ssyncadd.s32 @!p0 $0xFFFFF830  }
0x77: {  	_ =	swait.ge @!p0 [sflag:s0], $0x7D0  }
0x78: {  	s11 =	simm.s32 @!p0 $0x6A40;
	[sflag:s0] =	ssyncset.done @!p0 $0x0  }
0x79: {  	s9 =	simm.s32 @!p0 $0x7D0;
	s1 =	simm.s32 @!p0 $0x4B00;
	[sflag:s0] =	ssyncadd.s32 @!p0 $0xFFFFF830  }
0x7a: {  	[spmem:s2] =	stream.indirect.scatter.add.f32 @!p0 [tilespmem:s1], [sflag:$0xA], $0x1, s11, s9, $0xb8;
	[tilespmem:$0x9150] =	vst v63  }
0x7b: {  	s0 =	simm.s32 @!p0 $0x8980  }
0x7c: {  	[spmem:s3] =	stream.indirect.scatter.add.f32 @!p0 [tilespmem:s1], [sflag:$0xC], $0x1, s0, s9, $0xb8;
	[tilespmem:$0x9150] =	vst v63  }
.LBB2_13:
0x7d: {  	s0 =	sld [smem:$0x7FD];
	_ =	sdelay $0x2  }
0x7e: {  	p0 =	seq.s32 s0, $0x1  }
0x7f: {  	s0 =	simm.s32 @!p0 $0x9  }
0x80: {  	_ =	swait.ge @!p0 [sflag:s0], $0x7D0  }
0x81: {  	[sflag:s0] =	ssyncset.done @!p0 $0x0  }
0x82: {  	[sflag:s0] =	ssyncadd.s32 @!p0 $0xFFFFF830;
	s0 =	simm.s32 @!p0 $0xB  }
0x83: {  	_ =	swait.ge @!p0 [sflag:s0], $0x7D0  }
0x84: {  	[sflag:s0] =	ssyncset.done @!p0 $0x0  }
0x85: {  	[sflag:s0] =	ssyncadd.s32 @!p0 $0xFFFFF830;
	s0 =	simm.s32 @!p0 $0xA  }
0x86: {  	_ =	swait.ge @!p0 [sflag:s0], $0x7D0  }
0x87: {  	[sflag:s0] =	ssyncset.done @!p0 $0x0  }
0x88: {  	[sflag:s0] =	ssyncadd.s32 @!p0 $0xFFFFF830;
	s0 =	simm.s32 @!p0 $0xC  }
0x89: {  	_ =	swait.ge @!p0 [sflag:s0], $0x7D0  }
0x8a: {  	s30 =	stileid.u32;
	[sflag:s0] =	ssyncset.done @!p0 $0x0  }
0x8b: {  	[sflag:s0] =	ssyncadd.s32 @!p0 $0xFFFFF830;
	s0 =	sshll.u32 s30, $0x6  }
0x8c: {  	s1 =	sshrl.u32 s8, $0x3;
	[bflag:$0x0] =	sbarrier.arrive $0xFFFF;
	s0 =	sor.u32 $0x1C0D, s0  }
0x8d: {  	[hbm:s15], [sflag:s0] =	dma.local [spmem:s1], $0x320  }
0x8e: {  	s4 =	sadd.s32 $0x1, s4;
	_ =	swait.ge [sflag:s21], $0x320  }
0x8f: {  	p0 =	sne.s32 s4, s17;
	[sflag:s21] =	ssyncset.done $0x0  }
.Ltmp1:
0x90: {  	s31 =	sshrl.u32 s10, $0x3;
	[sflag:s21] =	ssyncadd.s32 $0xFFFFFCE0;
	(pc) =	sbr.rel @!p0 .LBB2_14-.Ltmp1, $4  }
0x91: {  	[hbm:s16], [sflag:s0] =	dma.local [spmem:s31], $0x320  }
0x92: {  	_ =	swait.ge [sflag:s21], $0x320  }
0x93: {  	[sflag:s21] =	ssyncset.done $0x0  }
0x94: {  	[sflag:s21] =	ssyncadd.s32 $0xFFFFFCE0  }
.LBB2_1:
0x95: {  	s0 =	simm.s32 $0x0  }
.LBB2_2:
0x96: {  	p0 =	sne.s32 s0, $0x63C0  }
.Ltmp2:
0x97: {  	_ = 	snop;
	(pc) =	sbr.rel @p0 .LBB2_2-.Ltmp2, $3  }
0x98: {  	_ =	sdelay $0x1  }
0x99: {  	s1 =	sshra.s32 s0, $0x2  }
0x9a: {  	s0 =	sadd.s32 $0x40, s0;
	[tilespmem:s1+$0x3200] =	vst v0  }
0x9b: {  	s0 =	simm.s32 $0x40;
	s1 =	simm.s32 $0x0  }
.LBB2_4:
0x9c: {  	p0 =	sne.s32 s0, $0x1F00;
	[tilespmem:s1+$0x4B00] =	vst v1;
	s1 =	smov.u32 s0;
	s0 =	sadd.s32 $0x40, s0  }
.Ltmp3:
0x9d: {  	(pc) =	sbr.rel @p0 .LBB2_4-.Ltmp3, $2  }
0x9e: {  	_ =	sdelay $0x2  }
0x9f: {  	s1 =	sshra.s32 s1, $0x2  }
0xa0: {  	[tilespmem:s1+$0x4B00] =	vst v1  }
0xa1: {  	[spmem:s8] =	stream.linear.scatter [tilespmem:s20], [sflag:$0xD], $0x1900, $0x38;
	[tilespmem:$0x9150] =	vst v63  }
0xa2: {  	_ =	swait.ge [sflag:s21], $0x1900  }
0xa3: {  	[sflag:s21] =	ssyncset.done $0x0  }
0xa4: {  	[sflag:s21] =	ssyncadd.s32 $0xFFFFE700  }
0xa5: {  	[spmem:s10] =	stream.linear.scatter [tilespmem:s20], [sflag:$0xD], $0x1900, $0x38;
	[tilespmem:$0x9150] =	vst v63  }
0xa6: {  	_ =	swait.ge [sflag:s21], $0x1900  }
0xa7: {  	[sflag:s21] =	ssyncset.done $0x0  }
0xa8: {  	[sflag:s21] =	ssyncadd.s32 $0xFFFFE700  }
0xa9: {  	[bflag:$0x0] =	sbarrier.arrive $0xFFFF  }
0xaa: {  	s0 =	sld [smem:$0x7FA];
	_ =	sdelay $0x2  }
0xab: {  	s9 =	rddreg [dreg:$0x8];
	p0 =	seq.s32 s0, $0x1  }
0xac: {  	s30 =	sld [smem:$0x7FB];
	s0 =	simm.s32 @!p0 $0x0;
	s1 =	simm.s32 @!p0 $0x52D0  }
0xad: {  	[tilespmem:s1], [sflag:$0x1] =	stream.linear.gather @!p0 [hbm4b:s9+s0], $0x7D0, $0x38;
	[tilespmem:$0x9150] =	vst v63  }
0xae: {  	s1 =	simm.s32 @!p0 $0x7210;
	s9 =	rddreg [dreg:$0x9]  }
0xaf: {  	[tilespmem:s1], [sflag:$0x5] =	stream.linear.gather @!p0 [hbm4b:s9+s0], $0x7D0, $0x38;
	[tilespmem:$0x9150] =	vst v63  }
0xb0: {  	p0 =	seq.s32 s30, $0x1  }
0xb1: {  	s31 =	sld [smem:$0x7FC];
	s0 =	simm.s32 @!p0 $0x0;
	s1 =	simm.s32 @!p0 $0x5AA0  }
0xb2: {  	[tilespmem:s1], [sflag:$0x2] =	stream.linear.gather @!p0 [hbm4b:s12+s0], $0x7D0, $0x38;
	[tilespmem:$0x9150] =	vst v63  }
0xb3: {  	s1 =	simm.s32 @!p0 $0x79E0  }
0xb4: {  	[tilespmem:s1], [sflag:$0x6] =	stream.linear.gather @!p0 [hbm4b:s14+s0], $0x7D0, $0x38;
	[tilespmem:$0x9150] =	vst v63  }
0xb5: {  	p0 =	seq.s32 s31, $0x1  }
.Ltmp4:
0xb6: {  	_ = 	snop;
	(pc) =	sbr.rel @p0 .LBB2_13-.Ltmp4, $1  }
0xb7: {  	_ =	sdelay $0x3  }
0xb8: {  	s0 =	rddreg [dreg:$0xa]  }
0xb9: {  	s25 =	sadd.s32 $0xFFFFFFFF, s0  }
0xba: {  	p0 =	sne.s32 s25, $0x0  }
.Ltmp5:
0xbb: {  	_ = 	snop;
	(pc) =	sbr.rel @!p0 .LBB2_7-.Ltmp5, $4  }
0xbc: {  	_ = 	snop  }
0xbd: {  	s24 =	sadd.s32 $0x2, s18  }
0xbe: {  	p6 =	sge.s32 s24, s7  }
0xbf: {  	s23 =	sadd.s32 $0x5, s18;
	p3 =	por $0x0, $0x0;
	s31 =	sadd.s32 @!p6 $0x4, s18  }
0xc0: {  	p0 =	slt.s32 @!p6 s18, s6  }
0xc1: {  	p0 =	por p0, p6  }
0xc2: {  	s0 =	simm.s32 @!p0 $0x9  }
0xc3: {  	_ =	swait.ge @!p0 [sflag:s0], $0x7D0  }
0xc4: {  	p1 =	sge.s32 @!p6 s31, s7;
	[sflag:s0] =	ssyncset.done @!p0 $0x0  }
0xc5: {  	p1 =	por p1, p6;
	s1 =	simm.s32 @!p0 $0xB;
	[sflag:s0] =	ssyncadd.s32 @!p0 $0xFFFFF830  }
0xc6: {  	s26 =	simm.s32 @!p1 $0x6270;
	_ =	swait.ge @!p0 [sflag:s1], $0x7D0  }
0xc7: {  	s28 =	simm.s32 @!p1 $0x0;
	s0 =	sadd.s32 @!p1 s5, s19;
	[sflag:s1] =	ssyncset.done @!p0 $0x0  }
0xc8: {  	s0 =	sadd.s32 @!p1 $0x1F4, s0;
	s22 =	rddreg [dreg:$0x4];
	[sflag:s1] =	ssyncadd.s32 @!p0 $0xFFFFF830  }
0xc9: {  	[tilespmem:s26], [sflag:$0x3] =	stream.linear.gather @!p1 [hbm4b:s0+s28], $0x7D0, $0x38;
	[tilespmem:$0x9150] =	vst v63  }
0xca: {  	s1 =	simm.s32 @!p1 $0x81B0;
	s22 =	sadd.s32 @!p1 s5, s22;
	s0 =	simm.s32 @!p6 $0x1  }
0xcb: {  	[tilespmem:s1], [sflag:$0x7] =	stream.linear.gather @!p1 [hbm4b:s22+s28], $0x7D0, $0x38;
	[tilespmem:$0x9150] =	vst v63  }
0xcc: {  	s26 =	sadd.s32 $0x3, s18;
	_ =	swait.ge @!p6 [sflag:s0], $0x7D0  }
0xcd: {  	p0 =	sge.s32 s26, s7;
	[sflag:s0] =	ssyncset.done @!p6 $0x0  }
0xce: {  	s1 =	sadd.s32 @!p0 $0x1, s18;
	s22 =	simm.s32 @!p6 $0x5;
	[sflag:s0] =	ssyncadd.s32 @!p6 $0xFFFFF830  }
0xcf: {  	p1 =	slt.s32 @!p0 s1, s6;
	_ =	swait.ge @!p6 [sflag:s22], $0x7D0  }
0xd0: {  	s1 =	simm.s32 @!p6 $0x7D0;
	p1 =	por p1, p0;
	[sflag:s22] =	ssyncset.done @!p6 $0x0  }
0xd1: {  	s0 =	simm.s32 @!p6 $0x52D0;
	[sflag:s22] =	ssyncadd.s32 @!p6 $0xFFFFF830;
	s22 =	simm.s32 @!p6 $0x4B00  }
0xd2: {  	[spmem:s2] =	stream.indirect.scatter.add.f32 @!p6 [tilespmem:s22], [sflag:$0x9], $0x1, s0, s1, $0xb8;
	[tilespmem:$0x9150] =	vst v63  }
0xd3: {  	s28 =	simm.s32 @!p1 $0xA;
	s0 =	simm.s32 @!p6 $0x7210  }
0xd4: {  	[spmem:s3] =	stream.indirect.scatter.add.f32 @!p6 [tilespmem:s22], [sflag:$0xB], $0x1, s0, s1, $0xb8;
	[tilespmem:$0x9150] =	vst v63  }
0xd5: {  	s0 =	sadd.s32 @!p0 $0x5, s18;
	_ =	swait.ge @!p1 [sflag:s28], $0x7D0  }
0xd6: {  	p2 =	sge.s32 @!p0 s0, s7;
	[sflag:s28] =	ssyncset.done @!p1 $0x0  }
0xd7: {  	s0 =	simm.s32 @!p1 $0xC;
	p2 =	por p2, p0;
	[sflag:s28] =	ssyncadd.s32 @!p1 $0xFFFFF830  }
0xd8: {  	s1 =	simm.s32 @!p2 $0x6A40;
	_ =	swait.ge @!p1 [sflag:s0], $0x7D0  }
0xd9: {  	s22 =	sadd.s32 @!p2 s5, s19;
	s29 =	simm.s32 @!p2 $0x0;
	[sflag:s0] =	ssyncset.done @!p1 $0x0  }
0xda: {  	s22 =	sadd.s32 @!p2 $0x2EE, s22;
	s28 =	rddreg [dreg:$0x5];
	[sflag:s0] =	ssyncadd.s32 @!p1 $0xFFFFF830  }
0xdb: {  	[tilespmem:s1], [sflag:$0x4] =	stream.linear.gather @!p2 [hbm4b:s22+s29], $0x7D0, $0x38;
	[tilespmem:$0x9150] =	vst v63  }
0xdc: {  	s0 =	simm.s32 @!p2 $0x8980;
	s1 =	simm.s32 @!p0 $0x2;
	s22 =	sadd.s32 @!p2 s5, s28  }
0xdd: {  	[tilespmem:s0], [sflag:$0x8] =	stream.linear.gather @!p2 [hbm4b:s22+s29], $0x7D0, $0x38;
	[tilespmem:$0x9150] =	vst v63  }
0xde: {  	_ =	swait.ge @!p0 [sflag:s1], $0x7D0  }
0xdf: {  	[sflag:s1] =	ssyncset.done @!p0 $0x0  }
0xe0: {  	s22 =	sadd.s32 $0x4, s18;
	s0 =	simm.s32 @!p0 $0x6;
	[sflag:s1] =	ssyncadd.s32 @!p0 $0xFFFFF830  }
0xe1: {  	s28 =	simm.s32 @!p0 $0x4B00;
	p3 =	sge.s32 s22, s7;
	_ =	swait.ge @!p0 [sflag:s0], $0x7D0  }
0xe2: {  	p1 =	slt.s32 @!p3 s24, s6;
	s24 =	simm.s32 @!p0 $0x7D0;
	[sflag:s0] =	ssyncset.done @!p0 $0x0  }
0xe3: {  	s1 =	simm.s32 @!p0 $0x5AA0;
	p1 =	por p1, p3;
	[sflag:s0] =	ssyncadd.s32 @!p0 $0xFFFFF830  }
0xe4: {  	[spmem:s2] =	stream.indirect.scatter.add.f32 @!p0 [tilespmem:s28], [sflag:$0xA], $0x1, s1, s24, $0xb8;
	[tilespmem:$0x9150] =	vst v63  }
0xe5: {  	s0 =	simm.s32 @!p0 $0x79E0;
	s1 =	simm.s32 @!p1 $0x9  }
0xe6: {  	[spmem:s3] =	stream.indirect.scatter.add.f32 @!p0 [tilespmem:s28], [sflag:$0xC], $0x1, s0, s24, $0xb8;
	[tilespmem:$0x9150] =	vst v63  }
0xe7: {  	p5 =	sge.s32 s23, s7;
	s0 =	sadd.s32 @!p3 $0x6, s18;
	_ =	swait.ge @!p1 [sflag:s1], $0x7D0  }
0xe8: {  	p4 =	slt.s32 @!p5 s26, s6;
	p0 =	sge.s32 @!p3 s0, s7;
	[sflag:s1] =	ssyncset.done @!p1 $0x0  }
0xe9: {  	s0 =	simm.s32 @!p1 $0xB;
	p0 =	por p0, p3;
	[sflag:s1] =	ssyncadd.s32 @!p1 $0xFFFFF830  }
0xea: {  	s26 =	smov.u32 s5;
	s1 =	sadd.s32 @!p0 s5, s19;
	_ =	swait.ge @!p1 [sflag:s0], $0x7D0  }
0xeb: {  	s28 =	simm.s32 @!p0 $0x52D0;
	s29 =	simm.s32 @!p0 $0x0;
	[sflag:s0] =	ssyncset.done @!p1 $0x0  }
0xec: {  	s1 =	sadd.s32 @!p0 $0x3E8, s1;
	s24 =	rddreg [dreg:$0x6];
	[sflag:s0] =	ssyncadd.s32 @!p1 $0xFFFFF830  }
0xed: {  	[tilespmem:s28], [sflag:$0x1] =	stream.linear.gather @!p0 [hbm4b:s1+s29], $0x7D0, $0x38;
	[tilespmem:$0x9150] =	vst v63  }
0xee: {  	s0 =	simm.s32 @!p0 $0x7210;
	s1 =	sadd.s32 @!p0 s5, s24;
	s24 =	simm.s32 @!p3 $0x3  }
0xef: {  	[tilespmem:s0], [sflag:$0x5] =	stream.linear.gather @!p0 [hbm4b:s1+s29], $0x7D0, $0x38;
	[tilespmem:$0x9150] =	vst v63  }
0xf0: {  	s23 =	simm.s32 @!p3 $0x4B00;
	s28 =	sadd.s32 $0xFFFFFFFF, s25;
	_ =	swait.ge @!p3 [sflag:s24], $0x7D0  }
0xf1: {  	s25 =	simm.s32 @!p3 $0x7D0;
	s0 =	sadd.s32 @!p5 $0x7, s18;
	[sflag:s24] =	ssyncset.done @!p3 $0x0  }
0xf2: {  	p1 =	sge.s32 @!p5 s0, s7;
	s0 =	simm.s32 @!p3 $0x7;
	[sflag:s24] =	ssyncadd.s32 @!p3 $0xFFFFF830  }
0xf3: {  	p0 =	sne.s32 s28, $0x0;
	s29 =	smov.u32 s5;
	_ =	swait.ge @!p3 [sflag:s0], $0x7D0  }
0xf4: {  	p2 =	por p1, p5;
	p1 =	por p4, p5;
	[sflag:s0] =	ssyncset.done @!p3 $0x0  }
0xf5: {  	s1 =	sadd.s32 @!p2 s5, s19;
	s24 =	simm.s32 @!p3 $0x6270;
	[sflag:s0] =	ssyncadd.s32 @!p3 $0xFFFFF830  }
0xf6: {  	[spmem:s2] =	stream.indirect.scatter.add.f32 @!p3 [tilespmem:s23], [sflag:$0x9], $0x1, s24, s25, $0xb8;
	[tilespmem:$0x9150] =	vst v63  }
.Ltmp6:
0xf7: {  	s30 =	sadd.s32 @!p2 $0x4E2, s1;
	s24 =	sadd.s32 $0x2, s22;
	(pc) =	sbr.rel @!p0 .LBB2_9-.Ltmp6, $4  }
0xf8: {  	s1 =	simm.s32 @!p1 $0xA;
	s0 =	simm.s32 @!p3 $0x81B0;
	p6 =	sge.s32 s24, s7  }
0xf9: {  	[spmem:s3] =	stream.indirect.scatter.add.f32 @!p3 [tilespmem:s23], [sflag:$0xB], $0x1, s0, s25, $0xb8;
	[tilespmem:$0x9150] =	vst v63  }
0xfa: {  	s23 =	sadd.s32 $0x5, s22;
	s31 =	sadd.s32 @!p6 $0x4, s22;
	_ =	swait.ge @!p1 [sflag:s1], $0x7D0  }
0xfb: {  	s0 =	simm.s32 @!p1 $0xC;
	s25 =	smov.u32 s22;
	[sflag:s1] =	ssyncset.done @!p1 $0x0  }
.LBB2_10:
0xfc: {  	s28 =	sadd.s32 $0xFFFFFFFF, s28  }
0xfd: {  	p0 =	sne.s32 s28, $0x0  }
0xfe: {  	[sflag:s1] =	ssyncadd.s32 @!p1 $0xFFFFF830;
	s1 =	simm.s32 @!p0 $0x0  }
0xff: {  	s1 =	simm.s32 @p0 $0x1  }
0x100: {  	[smem:$0x7F9] =	sst s1  }
0x101: {  	_ =	swait.ge @!p1 [sflag:s0], $0x7D0  }
0x102: {  	s13 =	simm.s32 @!p2 $0x0;
	[sflag:s0] =	ssyncset.done @!p1 $0x0  }
0x103: {  	s1 =	simm.s32 @!p2 $0x5AA0;
	s11 =	rddreg [dreg:$0x7];
	[sflag:s0] =	ssyncadd.s32 @!p1 $0xFFFFF830  }
0x104: {  	[tilespmem:s1], [sflag:$0x2] =	stream.linear.gather @!p2 [hbm4b:s30+s13], $0x7D0, $0x38;
	[tilespmem:$0x9150] =	vst v63  }
0x105: {  	s9 =	simm.s32 @!p5 $0x4;
	s0 =	simm.s32 @!p2 $0x79E0;
	s1 =	sadd.s32 @!p2 s29, s11  }
0x106: {  	[tilespmem:s0], [sflag:$0x6] =	stream.linear.gather @!p2 [hbm4b:s1+s13], $0x7D0, $0x38;
	[tilespmem:$0x9150] =	vst v63  }
0x107: {  	_ =	swait.ge @!p5 [sflag:s9], $0x7D0  }
0x108: {  	[sflag:s9] =	ssyncset.done @!p5 $0x0  }
0x109: {  	s1 =	simm.s32 @!p5 $0x8;
	[sflag:s9] =	ssyncadd.s32 @!p5 $0xFFFFF830  }
0x10a: {  	_ =	swait.ge @!p5 [sflag:s1], $0x7D0  }
0x10b: {  	p0 =	slt.s32 @!p6 s22, s6;
	s11 =	simm.s32 @!p5 $0x7D0;
	[sflag:s1] =	ssyncset.done @!p5 $0x0  }
0x10c: {  	s13 =	simm.s32 @!p5 $0x6A40;
	s9 =	simm.s32 @!p5 $0x4B00;
	[sflag:s1] =	ssyncadd.s32 @!p5 $0xFFFFF830  }
0x10d: {  	[spmem:s2] =	stream.indirect.scatter.add.f32 @!p5 [tilespmem:s9], [sflag:$0xA], $0x1, s13, s11, $0xb8;
	[tilespmem:$0x9150] =	vst v63  }
0x10e: {  	p3 =	por p0, p6;
	s1 =	simm.s32 @!p5 $0x8980  }
0x10f: {  	[spmem:s3] =	stream.indirect.scatter.add.f32 @!p5 [tilespmem:s9], [sflag:$0xC], $0x1, s1, s11, $0xb8;
	[tilespmem:$0x9150] =	vst v63  }
0x110: {  	p1 =	sge.s32 @!p6 s31, s7;
	p5 =	sge.s32 s23, s7;
	s11 =	sadd.s32 $0x3, s22  }
0x111: {  	p0 =	por p1, p6;
	s13 =	simm.s32 @!p3 $0x9;
	p1 =	slt.s32 @!p5 s11, s6  }
0x112: {  	_ =	swait.ge @!p3 [sflag:s13], $0x7D0;
	p4 =	sge.s32 s11, s7;
	s11 =	simm.s32 @!p1 $0x0  }
0x113: {  	s26 =	sadd.s32 $0x3E8, s26;
	[sflag:s13] =	ssyncset.done @!p3 $0x0;
	s11 =	simm.s32 @p1 $0x1  }
0x114: {  	s1 =	simm.s32 @!p3 $0xB;
	[sflag:s13] =	ssyncadd.s32 @!p3 $0xFFFFF830;
	[smem:$0x7F8] =	sst s11  }
0x115: {  	s0 =	sadd.s32 @!p0 s26, s19;
	_ =	swait.ge @!p3 [sflag:s1], $0x7D0  }
0x116: {  	s0 =	sadd.s32 @!p0 $0x1F4, s0;
	s23 =	simm.s32 @!p0 $0x0;
	[sflag:s1] =	ssyncset.done @!p3 $0x0  }
0x117: {  	s11 =	simm.s32 @!p0 $0x6270;
	s30 =	rddreg [dreg:$0x4];
	[sflag:s1] =	ssyncadd.s32 @!p3 $0xFFFFF830  }
0x118: {  	[tilespmem:s11], [sflag:$0x3] =	stream.linear.gather @!p0 [hbm4b:s0+s23], $0x7D0, $0x38;
	[tilespmem:$0x9150] =	vst v63  }
0x119: {  	s9 =	simm.s32 @!p6 $0x1;
	s13 =	simm.s32 @!p0 $0x81B0;
	s0 =	sadd.s32 @!p0 s26, s30  }
0x11a: {  	[tilespmem:s13], [sflag:$0x7] =	stream.linear.gather @!p0 [hbm4b:s0+s23], $0x7D0, $0x38;
	[tilespmem:$0x9150] =	vst v63  }
0x11b: {  	s1 =	sadd.s32 @!p4 $0x1, s22;
	_ =	swait.ge @!p6 [sflag:s9], $0x7D0  }
0x11c: {  	p2 =	slt.s32 @!p4 s1, s6;
	[sflag:s9] =	ssyncset.done @!p6 $0x0  }
0x11d: {  	s1 =	sadd.s32 @!p5 $0x7, s22;
	s0 =	simm.s32 @!p6 $0x5;
	[sflag:s9] =	ssyncadd.s32 @!p6 $0xFFFFF830  }
0x11e: {  	p1 =	sge.s32 @!p5 s1, s7;
	_ =	swait.ge @!p6 [sflag:s0], $0x7D0  }
0x11f: {  	s1 =	simm.s32 @!p6 $0x52D0;
	p0 =	por p2, p4;
	[sflag:s0] =	ssyncset.done @!p6 $0x0  }
0x120: {  	s9 =	simm.s32 @!p6 $0x7D0;
	[sflag:s0] =	ssyncadd.s32 @!p6 $0xFFFFF830;
	s0 =	simm.s32 @!p6 $0x4B00  }
0x121: {  	[spmem:s2] =	stream.indirect.scatter.add.f32 @!p6 [tilespmem:s0], [sflag:$0x9], $0x1, s1, s9, $0xb8;
	[tilespmem:$0x9150] =	vst v63  }
0x122: {  	s31 =	sadd.s32 @!p4 $0x5, s22;
	s11 =	simm.s32 @!p6 $0x7210;
	s13 =	simm.s32 @!p0 $0xA  }
0x123: {  	[spmem:s3] =	stream.indirect.scatter.add.f32 @!p6 [tilespmem:s0], [sflag:$0xB], $0x1, s11, s9, $0xb8;
	[tilespmem:$0x9150] =	vst v63  }
0x124: {  	p3 =	sge.s32 @!p4 s31, s7;
	_ =	swait.ge @!p0 [sflag:s13], $0x7D0  }
0x125: {  	p3 =	por p3, p4;
	p2 =	por p1, p5;
	[sflag:s13] =	ssyncset.done @!p0 $0x0  }
0x126: {  	s1 =	sadd.s32 @!p2 s26, s19;
	s11 =	simm.s32 @!p0 $0xC;
	[sflag:s13] =	ssyncadd.s32 @!p0 $0xFFFFF830  }
0x127: {  	s30 =	sadd.s32 @!p2 $0x4E2, s1;
	s1 =	sadd.s32 @!p3 s26, s19;
	_ =	swait.ge @!p0 [sflag:s11], $0x7D0  }
0x128: {  	s0 =	simm.s32 @!p3 $0x6A40;
	s9 =	simm.s32 @!p3 $0x0;
	[sflag:s11] =	ssyncset.done @!p0 $0x0  }
0x129: {  	s1 =	sadd.s32 @!p3 $0x2EE, s1;
	s23 =	rddreg [dreg:$0x5];
	[sflag:s11] =	ssyncadd.s32 @!p0 $0xFFFFF830  }
0x12a: {  	[tilespmem:s0], [sflag:$0x4] =	stream.linear.gather @!p3 [hbm4b:s1+s9], $0x7D0, $0x38;
	[tilespmem:$0x9150] =	vst v63  }
0x12b: {  	s13 =	simm.s32 @!p3 $0x8980;
	s11 =	simm.s32 @!p4 $0x2;
	s0 =	sadd.s32 @!p3 s26, s23  }
0x12c: {  	[tilespmem:s13], [sflag:$0x8] =	stream.linear.gather @!p3 [hbm4b:s0+s9], $0x7D0, $0x38;
	[tilespmem:$0x9150] =	vst v63  }
0x12d: {  	s22 =	sadd.s32 $0x4, s22;
	_ =	swait.ge @!p4 [sflag:s11], $0x7D0  }
0x12e: {  	p6 =	sge.s32 s22, s7;
	[sflag:s11] =	ssyncset.done @!p4 $0x0  }
0x12f: {  	p0 =	slt.s32 @!p6 s24, s6;
	s0 =	simm.s32 @!p4 $0x6;
	[sflag:s11] =	ssyncadd.s32 @!p4 $0xFFFFF830  }
0x130: {  	s1 =	sadd.s32 @!p6 $0x6, s25;
	p0 =	por p0, p6;
	_ =	swait.ge @!p4 [sflag:s0], $0x7D0  }
0x131: {  	p3 =	sge.s32 @!p6 s1, s7;
	s1 =	simm.s32 @!p4 $0x5AA0;
	[sflag:s0] =	ssyncset.done @!p4 $0x0  }
0x132: {  	s9 =	simm.s32 @!p4 $0x7D0;
	s11 =	simm.s32 @!p4 $0x4B00;
	[sflag:s0] =	ssyncadd.s32 @!p4 $0xFFFFF830  }
0x133: {  	[spmem:s2] =	stream.indirect.scatter.add.f32 @!p4 [tilespmem:s11], [sflag:$0xA], $0x1, s1, s9, $0xb8;
	[tilespmem:$0x9150] =	vst v63  }
0x134: {  	s13 =	simm.s32 @!p0 $0x9;
	s0 =	simm.s32 @!p4 $0x79E0  }
0x135: {  	[spmem:s3] =	stream.indirect.scatter.add.f32 @!p4 [tilespmem:s11], [sflag:$0xC], $0x1, s0, s9, $0xb8;
	[tilespmem:$0x9150] =	vst v63  }
0x136: {  	_ =	swait.ge @!p0 [sflag:s13], $0x7D0  }
0x137: {  	[sflag:s13] =	ssyncset.done @!p0 $0x0  }
0x138: {  	p3 =	por p3, p6;
	s0 =	simm.s32 @!p0 $0xB;
	[sflag:s13] =	ssyncadd.s32 @!p0 $0xFFFFF830  }
0x139: {  	s1 =	sadd.s32 @!p3 s26, s19;
	_ =	swait.ge @!p0 [sflag:s0], $0x7D0  }
0x13a: {  	s1 =	sadd.s32 @!p3 $0x3E8, s1;
	s9 =	simm.s32 @!p3 $0x52D0;
	[sflag:s0] =	ssyncset.done @!p0 $0x0  }
0x13b: {  	s11 =	simm.s32 @!p3 $0x0;
	s13 =	rddreg [dreg:$0x6];
	[sflag:s0] =	ssyncadd.s32 @!p0 $0xFFFFF830  }
0x13c: {  	[tilespmem:s9], [sflag:$0x1] =	stream.linear.gather @!p3 [hbm4b:s1+s11], $0x7D0, $0x38;
	[tilespmem:$0x9150] =	vst v63  }
0x13d: {  	s0 =	simm.s32 @!p3 $0x7210;
	s1 =	sadd.s32 @!p3 s26, s13;
	s9 =	simm.s32 @!p6 $0x3  }
0x13e: {  	[tilespmem:s0], [sflag:$0x5] =	stream.linear.gather @!p3 [hbm4b:s1+s11], $0x7D0, $0x38;
	[tilespmem:$0x9150] =	vst v63  }
0x13f: {  	_ =	swait.ge @!p6 [sflag:s9], $0x7D0  }
0x140: {  	[sflag:s9] =	ssyncset.done @!p6 $0x0  }
0x141: {  	s0 =	simm.s32 @!p6 $0x7;
	[sflag:s9] =	ssyncadd.s32 @!p6 $0xFFFFF830  }
0x142: {  	_ =	swait.ge @!p6 [sflag:s0], $0x7D0  }
0x143: {  	s11 =	simm.s32 @!p6 $0x7D0;
	[sflag:s0] =	ssyncset.done @!p6 $0x0;
	s24 =	sld [smem:$0x7F8]  }
0x144: {  	s1 =	simm.s32 @!p6 $0x6270;
	s9 =	simm.s32 @!p6 $0x4B00;
	[sflag:s0] =	ssyncadd.s32 @!p6 $0xFFFFF830  }
0x145: {  	[spmem:s2] =	stream.indirect.scatter.add.f32 @!p6 [tilespmem:s9], [sflag:$0x9], $0x1, s1, s11, $0xb8;
	[tilespmem:$0x9150] =	vst v63  }
0x146: {  	p4 =	seq.s32 s24, $0x1  }
0x147: {  	s0 =	simm.s32 @!p6 $0x81B0;
	p1 =	por p4, p5  }
0x148: {  	[spmem:s3] =	stream.indirect.scatter.add.f32 @!p6 [tilespmem:s9], [sflag:$0xB], $0x1, s0, s11, $0xb8;
	[tilespmem:$0x9150] =	vst v63  }
0x149: {  	s1 =	simm.s32 @!p1 $0xA  }
0x14a: {  	_ =	swait.ge @!p1 [sflag:s1], $0x7D0  }
0x14b: {  	s13 =	sld [smem:$0x7F9];
	_ =	sdelay $0x2  }
0x14c: {  	p0 =	seq.s32 s13, $0x1  }
.Ltmp7:
0x14d: {  	_ = 	snop;
	(pc) =	sbr.rel @p0 .LBB2_10-.Ltmp7, $4  }
0x14e: {  	_ = 	snop  }
0x14f: {  	s29 =	smov.u32 s26;
	s24 =	sadd.s32 $0x2, s22  }
0x150: {  	s23 =	sadd.s32 $0x5, s22;
	s25 =	smov.u32 s22;
	p6 =	sge.s32 s24, s7  }
0x151: {  	s31 =	sadd.s32 @!p6 $0x4, s22;
	s0 =	simm.s32 @!p1 $0xC;
	[sflag:s1] =	ssyncset.done @!p1 $0x0  }
.Ltmp8:
0x152: {  	(pc) =	sbr.rel .LBB2_12-.Ltmp8, $2  }
0x153: {  	_ =	sdelay $0x2  }
0x154: {  	p3 =	por $0x1, $0x1  }
.LBB2_9:
.Ltmp9:
0x155: {  	(pc) =	sbr.rel .LBB2_12-.Ltmp9, $3  }
0x156: {  	_ =	sdelay $0x1  }
0x157: {  	s26 =	smov.u32 s5  }
0x158: {  	s29 =	smov.u32 s5;
	s25 =	smov.u32 s22;
	p3 =	por $0x1, $0x1  }
.LBB2_14:
0x159: {  	_ =	sfence.sel $0x180000  }
0x15a: {  	[bflag:$0x0] =	sbarrier.arrive $0xFFFF  }
0x15b: {  	_ =	strace $0x90000047  }
0x15c: {  	s0 =	stileid.u32;
	[bflag:$0x2] =	sbarrier.arrive $0xFFFF  }
0x15d: {  	p0 =	sne.s32 s0, $0x0;
	s0 =	rddreg [dreg:$0x3]  }
0x15e: {  	s0 =	sadd.s32 @!p0 $0x100000, s0  }
0x15f: {  	[sflag:s0] =	ssyncadd.tile.s32 @!p0 $0x1;
	_ =	shalt  }
.Lfunc_end2:
_tile_overlayer_lowered:
.L_overlay_start_2:
0x160: {  	(tag) =	ssettag $0x2  }
0x161: {  	s0 =	rddreg [dreg:$0x0];
	s2 =	stileid.u32  }
0x162: {  	s1 =	rddreg [dreg:$0x1];
	p0 =	sne.s32 s2, $0x0  }
0x163: {  	s3 =	rddreg [dreg:$0x2];
	[bflag:$0x3] =	sbarrier.arrive $0xFFFF;
	s2 =	simm.s32 @!p0 $0x1C0D  }
0x164: {  	[timem:s3], [sflag:s2] =	dma.local @!p0 [hbm:s0], s1  }
0x165: {  	s0 =	simm.s32 @!p0 $0xD  }
0x166: {  	_ =	swait.ge @!p0 [sflag:s0], s1  }
0x167: {  	s1 =	ssub.s32 @!p0 $0x0, s1;
	[sflag:s0] =	ssyncset.done @!p0 $0x0  }
0x168: {  	[sflag:s0] =	ssyncadd.s32 @!p0 s1  }
0x169: {  	[bflag:$0x3] =	sbarrier.arrive $0xFFFF  }
0x16a: {  	_ =	shalt  }

// kernel: _run.9.cloned.1.call-start
scs
__scs_entry_jumppad:
0x0: {  	(pc) =	sbr.rel $0x88, $3  }
0x1: {  	(tag) =	ssettag $0x0;
	lr =	simm.s32 $0x1  }
0x2: {  	[smem:$0x3F9F] =	sst lr;
	_ =	strace $0xD0000000  }
0x3: {  	_ = 	snop  }
0x4: {  	_ = 	snop  }
0x5: {  	_ = 	snop  }
0x6: {  	_ = 	snop  }
0x7: {  	_ = 	snop  }
__scs_overlays_trampoline_lowered:
0x8: {  	[smem:$0x3FAE] =	sst s0  }
0x9: {  	[smem:$0x3FAF] =	sst s1  }
0xa: {  	[smem:$0x3FB0] =	sst s2  }
0xb: {  	[smem:$0x3FB1] =	sst s3  }
0xc: {  	[smem:$0x3FB2] =	sst s4  }
0xd: {  	[smem:$0x3FB3] =	sst s5  }
0xe: {  	[smem:$0x3FB4] =	sst s6  }
0xf: {  	[smem:$0x3FB5] =	sst s7  }
0x10: {  	[smem:$0x3FB6] =	sst s8  }
0x11: {  	[smem:$0x3FB7] =	sst s9;
	s0 =	simm.s32 @!p0 $0x0  }
0x12: {  	s1 =	sld [smem:$0x3F9D];
	s0 =	simm.s32 @p0 $0x1  }
0x13: {  	[smem:$0x3FB8] =	sst s0;
	s0 =	simm.s32 @!p1 $0x0  }
0x14: {  	s2 =	sld [smem:$0x3F9C];
	s0 =	simm.s32 @p1 $0x1  }
0x15: {  	[smem:$0x3FB9] =	sst s0;
	s0 =	simm.s32 @!p2 $0x0  }
0x16: {  	s3 =	sld [smem:$0x3FDB];
	s0 =	simm.s32 @p2 $0x1  }
0x17: {  	s4 =	simm.s32 $0x1BF5;
	[smem:$0x3FBB] =	sst s0  }
0x18: {  	s0 =	sld [smem:$0x3F9E];
	_ =	swait.ge [sflag:s4], $0x0  }
0x19: {  	s7 =	sld [smem:$0x3F9F]  }
0x1a: {  	s8 =	sadd.s32 $0xFFFFE003, lr  }
0x1b: {  	s9 =	sadd.s32 $0xFFFFFEF7, lr;
	s5 =	simm.s32 $0xFFFFFFFF;
	p2 =	slt.u32 s8, $0xFFFFF086  }
0x1c: {  	p1 =	slt.u32 s9, $0xF7A;
	s5 =	simm.s32 @!p2 $0x0  }
0x1d: {  	s5 =	simm.s32 @p1 $0x1;
	p0 =	seq.s32 s7, s2  }
0x1e: {  	s7 =	smul.u32 @!p0 $0xF7A, s2;
	p2 =	seq.s32 @!p0 s5, $0x0  }
0x1f: {  	s9 =	smul.u32 $0xF7A, s1;
	s8 =	simm.s32 @!p0 $0x1BF5;
	p2 =	por !p2, p0  }
0x20: {  	[sflag:s8] =	ssyncset.s32 @!p0 $0xFFFFF086;
	s6 =	sadd.s32 @!p0 s3, s7;
	s7 =	simm.s32 @!p0 $0x108  }
0x21: {  	s3 =	sadd.s32 s3, s9;
	s6 =	sadd.s32 @!p0 $0x88, s6;
	s7 =	simm.s32 @p2 $0x1082  }
0x22: {  	[simem:s7], [sflag:s8] =	dma.local @!p0 [hbm:s6], $0xF7A  }
0x23: {  	s9 =	sor.u32 $0xD0000000, s2;
	s6 =	simm.s32 $0x108;
	_ =	swait.ge @!p0 [sflag:s8], $0x0  }
0x24: {  	s3 =	sadd.s32 $0x88, s3;
	s6 =	simm.s32 @!p1 $0x1082;
	[sflag:s4] =	ssyncset.s32 $0xFFFFF086  }
0x25: {  	[simem:s6], [sflag:s4] =	dma.local [hbm:s3], $0xF7A  }
0x26: {  	[smem:$0x3F9F] =	sst s1;
	(tag) =	ssettag s2;
	_ =	strace s9  }
0x27: {  	s1 =	sld [smem:$0x3FAF]  }
0x28: {  	s2 =	sld [smem:$0x3FB0]  }
0x29: {  	s4 =	sld [smem:$0x3FB2]  }
0x2a: {  	p0 =	seq.s32 s5, $0x0;
	s5 =	sld [smem:$0x3FB3]  }
0x2b: {  	s6 =	sld [smem:$0x3FB4]  }
0x2c: {  	s7 =	sld [smem:$0x3FB5]  }
0x2d: {  	s3 =	simm.s32 $0x108;
	s8 =	sld [smem:$0x3FB6]  }
0x2e: {  	s3 =	simm.s32 @!p0 $0x1082;
	s9 =	sld [smem:$0x3FB7]  }
0x2f: {  	lr =	sadd.s32 s0, s3;
	s0 =	sld [smem:$0x3FAE]  }
0x30: {  	s3 =	sld [smem:$0x3FB1]  }
0x31: {  	[smem:$0x3FBA] =	sst s10  }
0x32: {  	s10 =	sld [smem:$0x3FB8];
	_ =	sdelay $0x3  }
0x33: {  	p0 =	seq.s32 s10, $0x1;
	s10 =	sld [smem:$0x3FBA];
	_ =	sdelay $0x3  }
0x34: {  	[smem:$0x3FBA] =	sst s10  }
0x35: {  	s10 =	sld [smem:$0x3FB9];
	_ =	sdelay $0x3  }
0x36: {  	p1 =	seq.s32 s10, $0x1;
	s10 =	sld [smem:$0x3FBA];
	_ =	sdelay $0x3  }
0x37: {  	[smem:$0x3FBA] =	sst s10  }
0x38: {  	s10 =	sld [smem:$0x3FBB]  }
0x39: {  	_ = 	snop;
	(pc) =	sbr.ind lr, $3  }
0x3a: {  	_ = 	snop  }
0x3b: {  	_ = 	snop  }
0x3c: {  	p2 =	seq.s32 s10, $0x1;
	s10 =	sld [smem:$0x3FBA]  }
0x3d: {  	_ =	shalt  }
0x3e: {  	_ =	shalt  }
0x3f: {  	_ =	shalt  }
0x40: {  	_ =	shalt  }
0x41: {  	_ =	shalt  }
0x42: {  	_ =	shalt  }
0x43: {  	_ =	shalt  }
0x44: {  	_ =	shalt  }
0x45: {  	_ =	shalt  }
0x46: {  	_ =	shalt  }
0x47: {  	_ =	shalt  }
0x48: {  	_ =	shalt  }
0x49: {  	_ =	shalt  }
0x4a: {  	_ =	shalt  }
0x4b: {  	_ =	shalt  }
0x4c: {  	_ =	shalt  }
0x4d: {  	_ =	shalt  }
0x4e: {  	_ =	shalt  }
0x4f: {  	_ =	shalt  }
0x50: {  	_ =	shalt  }
0x51: {  	_ =	shalt  }
0x52: {  	_ =	shalt  }
0x53: {  	_ =	shalt  }
0x54: {  	_ =	shalt  }
0x55: {  	_ =	shalt  }
0x56: {  	_ =	shalt  }
0x57: {  	_ =	shalt  }
0x58: {  	_ =	shalt  }
0x59: {  	_ =	shalt  }
0x5a: {  	_ =	shalt  }
0x5b: {  	_ =	shalt  }
0x5c: {  	_ =	shalt  }
0x5d: {  	_ =	shalt  }
0x5e: {  	_ =	shalt  }
0x5f: {  	_ =	shalt  }
0x60: {  	_ =	shalt  }
0x61: {  	_ =	shalt  }
0x62: {  	_ =	shalt  }
0x63: {  	_ =	shalt  }
0x64: {  	_ =	shalt  }
0x65: {  	_ =	shalt  }
0x66: {  	_ =	shalt  }
0x67: {  	_ =	shalt  }
0x68: {  	_ =	shalt  }
0x69: {  	_ =	shalt  }
0x6a: {  	_ =	shalt  }
0x6b: {  	_ =	shalt  }
0x6c: {  	_ =	shalt  }
0x6d: {  	_ =	shalt  }
0x6e: {  	_ =	shalt  }
0x6f: {  	_ =	shalt  }
0x70: {  	_ =	shalt  }
0x71: {  	_ =	shalt  }
0x72: {  	_ =	shalt  }
0x73: {  	_ =	shalt  }
0x74: {  	_ =	shalt  }
0x75: {  	_ =	shalt  }
0x76: {  	_ =	shalt  }
0x77: {  	_ =	shalt  }
0x78: {  	_ =	shalt  }
0x79: {  	_ =	shalt  }
0x7a: {  	_ =	shalt  }
0x7b: {  	_ =	shalt  }
0x7c: {  	_ =	shalt  }
0x7d: {  	_ =	shalt  }
0x7e: {  	_ =	shalt  }
0x7f: {  	_ =	shalt  }
0x80: {  	_ =	shalt  }
0x81: {  	_ =	shalt  }
0x82: {  	_ =	shalt  }
0x83: {  	_ =	shalt  }
0x84: {  	_ =	shalt  }
0x85: {  	_ =	shalt  }
0x86: {  	_ =	shalt  }
0x87: {  	_ =	shalt  }
.Lfunc_end0:
.L_simem_size_0:
called_computation.1_lowered:
.L_overlay_start_0:
0x88: {  	s2 =	sld [smem:$0x3FD9]  }
0x89: {  	s3 =	sld [smem:$0x3FFE];
	_ =	sdelay $0x1  }
0x8a: {  	s1 =	srdreg.scid  }
0x8b: {  	s0 =	sand.u32 $0x1, s1  }
0x8c: {  	s16 =	sshll.u32 s0, $0xA;
	s2 =	sadd.s32 s3, s2  }
0x8d: {  	s2 =	sadd.s32 s2, s16  }
0x8e: {  	[smem:$0x3FC6] =	sst s2  }
0x8f: {  	_ = 	snop  }
0x90: {  	(tm) =	ssettm $0x1  }
0x91: {  	s17 =	sld [smem:$0x3FFB];
	_ =	sdelay $0x3  }
0x92: {  	_ =	strace s17  }
0x93: {  	s2 =	sld [smem:$0x3FFC];
	_ =	sdelay $0x3  }
0x94: {  	_ =	strace s2  }
0x95: {  	s2 =	sld [smem:$0x3FFD];
	_ =	sdelay $0x3  }
0x96: {  	_ =	strace s2  }
0x97: {  	_ =	strace $0x8FFFFFFF  }
0x98: {  	s18 =	sld [smem:$0x3FDB];
	_ =	sdelay $0x1  }
0x99: {  	s19 =	simm.s32 $_scs_section_size  }
0x9a: {  	s4 =	simm.s32 $_size__tile_overlayer_lowered;
	s5 =	simm.s32 $_tile_overlayer_lowered  }
0x9b: {  	s22 =	simm.s32 $0x1BFF;
	s21 =	sshll.u32 s5, $0x1;
	s2 =	sadd.s32 s19, s18  }
0x9c: {  	s6 =	simm.s32 $0x0;
	s20 =	sshll.u32 s4, $0x1;
	s4 =	sadd.s32 s21, s2  }
0x9d: {  	[timem:s6], [sflag:s22] =	dma.local [hbm:s4], s20  }
0x9e: {  	_ =	swait.ge [sflag:s22], s20  }
0x9f: {  	s3 =	ssub.s32 $0x0, s20;
	[sflag:s22] =	ssyncset.done $0x0  }
0xa0: {  	[sflag:s22] =	ssyncadd.s32 s3;
	_ =	sdelay $0x1  }
0xa1: {  	s23 =	simm.s32 $0x1B8B  }
0xa2: {  	_ =	swait.ge [sflag:s23], $0x1  }
0xa3: {  	[sflag:s23] =	ssyncset.done $0x0  }
0xa4: {  	s25 =	simm.s32 $0x1B8E;
	s24 =	sld [smem:$0x3FFE];
	[sflag:s23] =	ssyncadd.s32 $0xFFFFFFFF  }
0xa5: {  	s26 =	simm.s32 $execute0_lowered;
	[smem:$0x3FD2] =	sst s25  }
0xa6: {  	s4 =	sshll.u32 s26, $0x1;
	_ =	strace $0x80000049;
	[dreg:$0x1] =	wrdreg $0xFFFFFFFF  }
0xa7: {  	s28 =	simm.s32 $_size_execute0_lowered;
	s2 =	sadd.s32 s2, s4;
	[dreg:$0x0] =	wrdreg $0x0  }
0xa8: {  	s4 =	sshll.u32 s28, $0x1;
	[dreg:$0x2] =	wrdreg s2  }
0xa9: {  	[dreg:$0x3] =	wrdreg s4  }
0xaa: {  	[dreg:$0x4] =	wrdreg $0xC0  }
0xab: {  	_ =	task [dreg:s6], $0x5FFFF  }
0xac: {  	[dreg:$0x1] =	wrdreg $0xFFFFFFFF  }
0xad: {  	[dreg:$0x0] =	wrdreg $0x60  }
0xae: {  	[dreg:$0x2] =	wrdreg s24  }
0xaf: {  	[dreg:$0x3] =	wrdreg $0x0  }
0xb0: {  	[dreg:$0x4] =	wrdreg $0x9  }
0xb1: {  	_ =	task.clear_ibuf [dreg:s6], $0x5FFFF;
	_ =	strace $0x90000049  }
0xb2: {  	s29 =	simm.s32 $0x9;
	_ =	strace $0x8000004B  }
0xb3: {  	_ =	swait.ge [sflag:s29], $0x1  }
0xb4: {  	[sflag:s29] =	ssyncadd.s32 $0xFFFFFFFF  }
0xb5: {  	_ =	strace $0x9000004B  }
0xb6: {  	_ =	sfence  }
0xb7: {  	s30 =	sld [smem:$0x0];
	_ =	sdelay $0x2  }
0xb8: {  	s31 =	sshll.u32 s1, $0xD;
	s1 =	sshrl.u32 s1, $0x2  }
0xb9: {  	s3 =	sand.u32 $0x4000, s31;
	s1 =	sadd.s32 s1, s30  }
0xba: {  	s0 =	sor.u32 s3, s0;
	s1 =	sshll.u32 s1, $0x11  }
0xbb: {  	s0 =	sor.u32 s1, s0  }
0xbc: {  	s0 =	sadd.s32 $0x8F2B, s0  }
0xbd: {  	[sflag:s0] =	ssyncadd.remote.s32 $0x1  }
0xbe: {  	_ =	sfence.sel $0xFFFF  }
0xbf: {  	[dreg:$0x0] =	wrdreg $0xFFFFFFFF;
	(pc) =	sbr.abs _section_cstart, $3  }
0xc0: {  	[dreg:$0x1] =	wrdreg $0xFFFFFFFF  }
0xc1: {  	_ =	task.clear_ibuf [dreg:s6], $0x2FFFF;
	_ =	strace $0x9FFFFFFF  }
0xc2: {  	(tm) =	ssettm $0x7FFFFFFF  }
0xc3: {  	_ =	shalt  }
tec
execute0_lowered:
.L_overlay_start_1:
0x0: {  	(tag) =	ssettag $0x1  }
0x1: {  	s0 =	rddreg [dreg:$0x0]  }
0x2: {  	s2 =	rddreg [dreg:$0x1]  }
0x3: {  	s1 =	srdreg.scid;
	s12 =	stileid.u32  }
0x4: {  	s3 =	simm.s32 $0x0;
	s28 =	simm.s32 $0x7D0;
	s29 =	simm.s32 $0x10200  }
0x5: {  	s30 =	simm.s32 $0x3;
	s13 =	simm.s32 $0x6;
	s14 =	simm.s32 $0xC  }
0x6: {  	s31 =	simm.s32 $0xD320;
	s1 =	sand.u32 $0x1, s1;
	s6 =	smul.u32 $0xC380, s12  }
0x7: {  	[smem:$0x7FF] =	sst s3;
	s4 =	sadd.s32 $0x1000, s0;
	s5 =	sadd.s32 $0xC4600, s0  }
0x8: {  	s8 =	sadd.s32 $0xDCE00, s0;
	s18 =	sshll.u32 s12, $0x6;
	s21 =	smul.u32 $0x186A0, s12  }
0x9: {  	s7 =	smul.u32 $0xC3800, s1;
	_ =	strace $0x8000004A;
	[dreg:$0x5] =	wrdreg s8  }
0xa: {  	s16 =	sshll.u32 s1, $0x4;
	s9 =	ssub.s32 $0x2, s1;
	s11 =	smul.u32 $0x320, s1  }
0xb: {  	s15 =	sor.u32 $0x1C0D, s18;
	s1 =	smul.u32 $0x186A00, s1;
	s18 =	simm.s32 $0x0  }
0xc: {  	s8 =	sor.u32 s12, s16;
	s17 =	sshrl.u32 s9, $0x1;
	s12 =	smul.u32 $0x32, s12  }
0xd: {  	[dreg:$0x6] =	wrdreg s15;
	s7 =	sadd.s32 s6, s7;
	s10 =	smul.u32 $0x186A0, s8  }
0xe: {  	s9 =	ssub.s32 s9, s17;
	s6 =	sadd.s32 s6, s2;
	s23 =	sadd.s32 s21, s1  }
0xf: {  	s17 =	simm.s32 $0xD;
	s7 =	sshrl.u32 s7, $0x3;
	s24 =	smax.u32 s9, $0x1  }
0x10: {  	s25 =	sadd.s32 s12, s11;
	s16 =	sshrl.u32 s6, $0x3;
	s6 =	simm.s32 $0x9  }
0x11: {  	s11 =	simm.s32 $0xB;
	s12 =	simm.s32 $0xA;
	s9 =	simm.s32 $0x4  }
0x12: {  	s0 =	sadd.s32 s7, s0;
	s7 =	smul.u32 $0x32, s8;
	[dreg:$0xc] =	wrdreg s24  }
0x13: {  	s10 =	sshrl.u32 s10, $0x3;
	s1 =	sor.u32 $0x1, s25;
	[dreg:$0xf] =	wrdreg s16  }
0x14: {  	s8 =	sadd.s32 $0x30E3A0, s23;
	s10 =	sadd.s32 s4, s10;
	[dreg:$0x4] =	wrdreg s1  }
0x15: {  	s25 =	simm.s32 $0xF260;
	s0 =	sadd.s32 $0xDE800, s0;
	[dreg:$0x7] =	wrdreg s10  }
0x16: {  	s8 =	sshrl.u32 s8, $0x3;
	s19 =	sadd.s32 $0x61A80, s10;
	[dreg:$0xb] =	wrdreg s0  }
0x17: {  	s1 =	simm.s32 $0x14080;
	s20 =	sadd.s32 $0xFA, s10;
	[dreg:$0x8] =	wrdreg s19  }
0x18: {  	s10 =	sadd.s32 $0x61B7A, s10;
	s22 =	sor.u32 $0x1, s7;
	[dreg:$0x9] =	wrdreg s20  }
0x19: {  	s0 =	sadd.s32 $0xFA0, s23;
	s26 =	sadd.s32 s8, s4;
	[dreg:$0xa] =	wrdreg s10  }
0x1a: {  	s23 =	simm.s32 $0x2;
	[dreg:$0x3] =	wrdreg s22;
	s0 =	sshrl.u32 s0, $0x3  }
0x1b: {  	s8 =	simm.s32 $0x7;
	[dreg:$0xd] =	wrdreg s26;
	s0 =	sadd.s32 s0, s4  }
0x1c: {  	s26 =	simm.s32 $0x1;
	s10 =	simm.s32 $0x5;
	[dreg:$0xe] =	wrdreg s0  }
.LBB2_1:
0x1d: {  	[dreg:$0x10] =	wrdreg s18  }
0x1e: {  	s0 =	rddreg [dreg:$0x5]  }
0x1f: {  	[spmem:s16], [sflag:s15] =	dma.local [hbm:s0], $0x1870  }
0x20: {  	_ =	swait.ge [sflag:s17], $0x1870  }
0x21: {  	[sflag:s17] =	ssyncset.done $0x0  }
0x22: {  	[sflag:s17] =	ssyncadd.s32 $0xFFFFE790  }
0x23: {  	[bflag:$0x0] =	sbarrier.arrive $0xFFFF  }
0x24: {  	s19 =	simm.s32 $0xC380;
	s20 =	rddreg [dreg:$0x7]  }
0x25: {  	[tilespmem:s19], [sflag:$0x1] =	stream.linear.gather [hbm4b:s20+s3], $0x7D0, $0x38;
	[tilespmem:$0x17F00] =	vst v63  }
0x26: {  	s21 =	rddreg [dreg:$0x8];
	s20 =	simm.s32 $0xE2C0  }
0x27: {  	[tilespmem:s20], [sflag:$0x5] =	stream.linear.gather [hbm4b:s21+s3], $0x7D0, $0x38;
	[tilespmem:$0x17F00] =	vst v63  }
0x28: {  	p0 =	por $0x1, $0x1;
	s22 =	rddreg [dreg:$0x9];
	s21 =	simm.s32 $0xCB50  }
0x29: {  	[tilespmem:s21], [sflag:$0x2] =	stream.linear.gather [hbm4b:s22+s3], $0x7D0, $0x38;
	[tilespmem:$0x17F00] =	vst v63  }
0x2a: {  	s0 =	simm.s32 @!p0 $0xB;
	s24 =	rddreg [dreg:$0xa];
	s22 =	simm.s32 $0xEA90  }
0x2b: {  	[tilespmem:s22], [sflag:$0x6] =	stream.linear.gather [hbm4b:s24+s3], $0x7D0, $0x38;
	[tilespmem:$0x17F00] =	vst v63  }
0x2c: {  	_ =	swait.ge @!p0 [sflag:s0], $0x3E80  }
0x2d: {  	[sflag:s0] =	ssyncset.done @!p0 $0x0  }
0x2e: {  	s24 =	simm.s32 $0xD320;
	s17 =	rddreg [dreg:$0xe];
	[sflag:s0] =	ssyncadd.s32 @!p0 $0xFFFFC180  }
0x2f: {  	[tilespmem:s24], [sflag:$0x3] =	stream.linear.gather [hbm4b:s17+s3], $0x7D0, $0x38;
	[tilespmem:$0x17F00] =	vst v63  }
0x30: {  	s18 =	rddreg [dreg:$0xd]  }
0x31: {  	[tilespmem:s25], [sflag:$0x7] =	stream.linear.gather [hbm4b:s18+s3], $0x7D0, $0x38;
	[tilespmem:$0x17F00] =	vst v63  }
0x32: {  	_ =	swait.ge [sflag:s26], $0x7D0  }
0x33: {  	[sflag:s26] =	ssyncset.done $0x0  }
0x34: {  	s0 =	simm.s32 @!p0 $0xA;
	[sflag:s26] =	ssyncadd.s32 $0xFFFFF830  }
0x35: {  	[tilespmem:s29], [sflag:$0x9] =	stream.indirect.gather [hbm4b:s5+s28], $0x8, s19, s28, $0xb8;
	[tilespmem:$0x17F00] =	vst v63  }
0x36: {  	_ =	swait.ge @!p0 [sflag:s0], $0x3E80  }
0x37: {  	[sflag:s0] =	ssyncset.done @!p0 $0x0  }
0x38: {  	[sflag:s0] =	ssyncadd.s32 @!p0 $0xFFFFC180;
	s0 =	simm.s32 @!p0 $0x8  }
0x39: {  	_ =	swait.ge @!p0 [sflag:s0], $0x7D0  }
0x3a: {  	s15 =	simm.s32 @!p0 $0xFA30;
	[sflag:s0] =	ssyncset.done @!p0 $0x0  }
0x3b: {  	s16 =	simm.s32 @!p0 $0x14080;
	[sflag:s0] =	ssyncadd.s32 @!p0 $0xFFFFF830;
	s0 =	simm.s32 @!p0 $0x7D0  }
0x3c: {  	[spmem:s2] =	stream.indirect.scatter.add.f32 @!p0 [tilespmem:s16], [sflag:$0xC], $0x8, s15, s0, $0xb8;
	[tilespmem:$0x17F00] =	vst v63  }
0x3d: {  	s0 =	simm.s32 @!p0 $0xC;
	s15 =	rddreg [dreg:$0x4]  }
0x3e: {  	_ =	swait.ge @!p0 [sflag:s0], $0x3E80;
	s15 =	sadd.s32 @!p0 $0x3, s15  }
0x3f: {  	s16 =	rddreg [dreg:$0x3];
	s15 =	sadd.s32 @!p0 $0xFFFFFFFD, s15  }
0x40: {  	s15 =	smov.u32 @p0 s16  }
0x41: {  	s15 =	smul.u32 $0x7D0, s15;
	_ =	sdelay $0x1  }
0x42: {  	s15 =	sshrl.u32 s15, $0x3  }
0x43: {  	[sflag:s0] =	ssyncset.done @!p0 $0x0;
	s15 =	sadd.s32 s4, s15  }
0x44: {  	[sflag:s0] =	ssyncadd.s32 @!p0 $0xFFFFC180;
	s16 =	simm.s32 $0xDAF0;
	s25 =	sadd.s32 $0x1F4, s15  }
0x45: {  	[tilespmem:s16], [sflag:$0x4] =	stream.linear.gather [hbm4b:s25+s3], $0x7D0, $0x38;
	[tilespmem:$0x17F00] =	vst v63  }
0x46: {  	s15 =	sadd.s32 $0x61C74, s15;
	s25 =	simm.s32 $0xFA30  }
0x47: {  	[tilespmem:s25], [sflag:$0x8] =	stream.linear.gather [hbm4b:s15+s3], $0x7D0, $0x38;
	[tilespmem:$0x17F00] =	vst v63  }
0x48: {  	_ =	swait.ge [sflag:s23], $0x7D0  }
0x49: {  	[sflag:s23] =	ssyncset.done $0x0  }
0x4a: {  	[sflag:s23] =	ssyncadd.s32 $0xFFFFF830  }
0x4b: {  	[tilespmem:s1], [sflag:$0xA] =	stream.indirect.gather [hbm4b:s5+s28], $0x8, s21, s28, $0xb8;
	[tilespmem:$0x17F00] =	vst v63  }
0x4c: {  	_ =	swait.ge [sflag:s6], $0x3E80  }
0x4d: {  	[sflag:s6] =	ssyncset.done $0x0  }
0x4e: {  	s0 =	simm.s32 @!p0 $0x2;
	[sflag:s6] =	ssyncadd.s32 $0xFFFFC180  }
0x4f: {  	s0 =	simm.s32 @p0 $0x2;
	_ =	swait.ge [sflag:s10], $0x7D0  }
0x50: {  	s0 =	sadd.s32 s7, s0;
	[sflag:s10] =	ssyncset.done $0x0  }
0x51: {  	s0 =	smul.u32 $0x7D0, s0;
	[sflag:s10] =	ssyncadd.s32 $0xFFFFF830  }
0x52: {  	[spmem:s2] =	stream.indirect.scatter.add.f32 [tilespmem:s29], [sflag:$0xB], $0x8, s20, s28, $0xb8;
	[tilespmem:$0x17F00] =	vst v63  }
0x53: {  	s0 =	sshrl.u32 s0, $0x3;
	_ =	swait.ge [sflag:s11], $0x3E80  }
0x54: {  	s0 =	sadd.s32 s4, s0;
	[sflag:s11] =	ssyncset.done $0x0  }
0x55: {  	s25 =	sadd.s32 $0x1F4, s0;
	[sflag:s11] =	ssyncadd.s32 $0xFFFFC180  }
0x56: {  	[tilespmem:s19], [sflag:$0x1] =	stream.linear.gather [hbm4b:s25+s3], $0x7D0, $0x38;
	[tilespmem:$0x17F00] =	vst v63  }
0x57: {  	s0 =	sadd.s32 $0x61C74, s0  }
0x58: {  	[tilespmem:s20], [sflag:$0x5] =	stream.linear.gather [hbm4b:s0+s3], $0x7D0, $0x38;
	[tilespmem:$0x17F00] =	vst v63  }
0x59: {  	_ =	swait.ge [sflag:s30], $0x7D0  }
0x5a: {  	[sflag:s30] =	ssyncset.done $0x0  }
0x5b: {  	[sflag:s30] =	ssyncadd.s32 $0xFFFFF830  }
0x5c: {  	[tilespmem:s29], [sflag:$0x9] =	stream.indirect.gather [hbm4b:s5+s28], $0x8, s24, s28, $0xb8;
	[tilespmem:$0x17F00] =	vst v63  }
0x5d: {  	_ =	swait.ge [sflag:s12], $0x3E80  }
0x5e: {  	[sflag:s12] =	ssyncset.done $0x0  }
0x5f: {  	s0 =	simm.s32 $0x3;
	[sflag:s12] =	ssyncadd.s32 $0xFFFFC180  }
0x60: {  	s0 =	simm.s32 @p0 $0x3;
	_ =	swait.ge [sflag:s13], $0x7D0  }
0x61: {  	s0 =	sadd.s32 s7, s0;
	[sflag:s13] =	ssyncset.done $0x0  }
0x62: {  	s0 =	smul.u32 $0x7D0, s0;
	[sflag:s13] =	ssyncadd.s32 $0xFFFFF830  }
0x63: {  	[spmem:s2] =	stream.indirect.scatter.add.f32 [tilespmem:s1], [sflag:$0xC], $0x8, s22, s28, $0xb8;
	[tilespmem:$0x17F00] =	vst v63  }
0x64: {  	s0 =	sshrl.u32 s0, $0x3;
	_ =	swait.ge [sflag:s14], $0x3E80  }
0x65: {  	s0 =	sadd.s32 s4, s0;
	[sflag:s14] =	ssyncset.done $0x0  }
0x66: {  	s25 =	sadd.s32 $0x1F4, s0;
	[sflag:s14] =	ssyncadd.s32 $0xFFFFC180  }
0x67: {  	[tilespmem:s21], [sflag:$0x2] =	stream.linear.gather [hbm4b:s25+s3], $0x7D0, $0x38;
	[tilespmem:$0x17F00] =	vst v63  }
0x68: {  	s0 =	sadd.s32 $0x61C74, s0  }
0x69: {  	[tilespmem:s22], [sflag:$0x6] =	stream.linear.gather [hbm4b:s0+s3], $0x7D0, $0x38;
	[tilespmem:$0x17F00] =	vst v63  }
0x6a: {  	_ =	swait.ge [sflag:s9], $0x7D0  }
0x6b: {  	[sflag:s9] =	ssyncset.done $0x0  }
0x6c: {  	[sflag:s9] =	ssyncadd.s32 $0xFFFFF830  }
0x6d: {  	[tilespmem:s1], [sflag:$0xA] =	stream.indirect.gather [hbm4b:s5+s28], $0x8, s16, s28, $0xb8;
	[tilespmem:$0x17F00] =	vst v63  }
0x6e: {  	_ =	swait.ge [sflag:s6], $0x3E80  }
0x6f: {  	[sflag:s6] =	ssyncset.done $0x0  }
0x70: {  	s17 =	sadd.s32 $0x3E8, s17;
	[sflag:s6] =	ssyncadd.s32 $0xFFFFC180  }
0x71: {  	s18 =	sadd.s32 $0x3E8, s18;
	s15 =	simm.s32 $0xB;
	_ =	swait.ge [sflag:s8], $0x7D0  }
0x72: {  	p0 =	por $0x0, $0x0;
	s16 =	simm.s32 $0x7;
	[sflag:s8] =	ssyncset.done $0x0  }
.LBB2_2:
0x73: {  	s19 =	simm.s32 @!p0 $0xB;
	[sflag:s8] =	ssyncadd.s32 $0xFFFFF830;
	s20 =	simm.s32 $0xF260  }
0x74: {  	[spmem:s2] =	stream.indirect.scatter.add.f32 [tilespmem:s29], [sflag:$0xB], $0x8, s20, s28, $0xb8;
	[tilespmem:$0x17F00] =	vst v63  }
0x75: {  	_ =	swait.ge @!p0 [sflag:s19], $0x3E80  }
0x76: {  	[sflag:s19] =	ssyncset.done @!p0 $0x0  }
0x77: {  	[sflag:s19] =	ssyncadd.s32 @!p0 $0xFFFFC180  }
0x78: {  	[tilespmem:s31], [sflag:$0x3] =	stream.linear.gather [hbm4b:s17+s3], $0x7D0, $0x38;
	[tilespmem:$0x17F00] =	vst v63  }
0x79: {  	_ = 	snop  }
0x7a: {  	[tilespmem:s20], [sflag:$0x7] =	stream.linear.gather [hbm4b:s18+s3], $0x7D0, $0x38;
	[tilespmem:$0x17F00] =	vst v63  }
0x7b: {  	_ =	swait.ge [sflag:s26], $0x7D0  }
0x7c: {  	[sflag:s26] =	ssyncset.done $0x0  }
0x7d: {  	s25 =	simm.s32 $0xC380;
	s19 =	simm.s32 @!p0 $0xA;
	[sflag:s26] =	ssyncadd.s32 $0xFFFFF830  }
0x7e: {  	[tilespmem:s29], [sflag:$0x9] =	stream.indirect.gather [hbm4b:s5+s28], $0x8, s25, s28, $0xb8;
	[tilespmem:$0x17F00] =	vst v63  }
0x7f: {  	_ =	swait.ge @!p0 [sflag:s19], $0x3E80  }
0x80: {  	[sflag:s19] =	ssyncset.done @!p0 $0x0  }
0x81: {  	[sflag:s19] =	ssyncadd.s32 @!p0 $0xFFFFC180;
	s19 =	simm.s32 @!p0 $0x8  }
0x82: {  	s21 =	simm.s32 @!p0 $0xFA30;
	_ =	swait.ge @!p0 [sflag:s19], $0x7D0  }
0x83: {  	s22 =	simm.s32 @!p0 $0x14080;
	s20 =	simm.s32 @!p0 $0xC;
	[sflag:s19] =	ssyncset.done @!p0 $0x0  }
0x84: {  	s24 =	rddreg [dreg:$0x4];
	[sflag:s19] =	ssyncadd.s32 @!p0 $0xFFFFF830;
	s19 =	simm.s32 @!p0 $0x7D0  }
0x85: {  	[spmem:s2] =	stream.indirect.scatter.add.f32 @!p0 [tilespmem:s22], [sflag:$0xC], $0x8, s21, s19, $0xb8;
	[tilespmem:$0x17F00] =	vst v63  }
0x86: {  	s19 =	sadd.s32 @!p0 s16, s24;
	_ =	swait.ge @!p0 [sflag:s20], $0x3E80  }
0x87: {  	s19 =	sadd.s32 @!p0 $0xFFFFFFFD, s19;
	s21 =	rddreg [dreg:$0x3]  }
0x88: {  	s19 =	smov.u32 @p0 s21  }
0x89: {  	s19 =	smul.u32 $0x7D0, s19;
	_ =	sdelay $0x1  }
0x8a: {  	s19 =	sshrl.u32 s19, $0x3  }
0x8b: {  	[sflag:s20] =	ssyncset.done @!p0 $0x0;
	s19 =	sadd.s32 s4, s19  }
0x8c: {  	s24 =	simm.s32 $0xDAF0;
	[sflag:s20] =	ssyncadd.s32 @!p0 $0xFFFFC180;
	s21 =	sadd.s32 $0x1F4, s19  }
0x8d: {  	[tilespmem:s24], [sflag:$0x4] =	stream.linear.gather [hbm4b:s21+s3], $0x7D0, $0x38;
	[tilespmem:$0x17F00] =	vst v63  }
0x8e: {  	s22 =	simm.s32 $0xFA30;
	s19 =	sadd.s32 $0x61C74, s19  }
0x8f: {  	[tilespmem:s22], [sflag:$0x8] =	stream.linear.gather [hbm4b:s19+s3], $0x7D0, $0x38;
	[tilespmem:$0x17F00] =	vst v63  }
0x90: {  	_ =	swait.ge [sflag:s23], $0x7D0  }
0x91: {  	[sflag:s23] =	ssyncset.done $0x0  }
0x92: {  	s22 =	simm.s32 $0xCB50;
	[sflag:s23] =	ssyncadd.s32 $0xFFFFF830  }
0x93: {  	[tilespmem:s1], [sflag:$0xA] =	stream.indirect.gather [hbm4b:s5+s28], $0x8, s22, s28, $0xb8;
	[tilespmem:$0x17F00] =	vst v63  }
0x94: {  	_ =	swait.ge [sflag:s6], $0x3E80  }
0x95: {  	[sflag:s6] =	ssyncset.done $0x0  }
0x96: {  	s19 =	sadd.s32 @!p0 $0xFFFFFFFF, s16;
	[sflag:s6] =	ssyncadd.s32 $0xFFFFC180  }
0x97: {  	s19 =	simm.s32 @p0 $0x2;
	_ =	swait.ge [sflag:s10], $0x7D0  }
0x98: {  	s19 =	sadd.s32 s7, s19;
	[sflag:s10] =	ssyncset.done $0x0  }
0x99: {  	s21 =	simm.s32 $0xE2C0;
	s19 =	smul.u32 $0x7D0, s19;
	[sflag:s10] =	ssyncadd.s32 $0xFFFFF830  }
0x9a: {  	[spmem:s2] =	stream.indirect.scatter.add.f32 [tilespmem:s29], [sflag:$0xB], $0x8, s21, s28, $0xb8;
	[tilespmem:$0x17F00] =	vst v63  }
0x9b: {  	s19 =	sshrl.u32 s19, $0x3;
	_ =	swait.ge [sflag:s11], $0x3E80  }
0x9c: {  	s19 =	sadd.s32 s4, s19;
	[sflag:s11] =	ssyncset.done $0x0  }
0x9d: {  	s20 =	sadd.s32 $0x1F4, s19;
	[sflag:s11] =	ssyncadd.s32 $0xFFFFC180  }
0x9e: {  	[tilespmem:s25], [sflag:$0x1] =	stream.linear.gather [hbm4b:s20+s3], $0x7D0, $0x38;
	[tilespmem:$0x17F00] =	vst v63  }
0x9f: {  	s19 =	sadd.s32 $0x61C74, s19  }
0xa0: {  	[tilespmem:s21], [sflag:$0x5] =	stream.linear.gather [hbm4b:s19+s3], $0x7D0, $0x38;
	[tilespmem:$0x17F00] =	vst v63  }
0xa1: {  	_ =	swait.ge [sflag:s30], $0x7D0  }
0xa2: {  	[sflag:s30] =	ssyncset.done $0x0  }
0xa3: {  	[sflag:s30] =	ssyncadd.s32 $0xFFFFF830  }
0xa4: {  	[tilespmem:s29], [sflag:$0x9] =	stream.indirect.gather [hbm4b:s5+s28], $0x8, s31, s28, $0xb8;
	[tilespmem:$0x17F00] =	vst v63  }
0xa5: {  	_ =	swait.ge [sflag:s12], $0x3E80  }
0xa6: {  	[sflag:s12] =	ssyncset.done $0x0  }
0xa7: {  	s19 =	smov.u32 s16;
	[sflag:s12] =	ssyncadd.s32 $0xFFFFC180  }
0xa8: {  	s0 =	smov.u32 s15;
	s19 =	simm.s32 @p0 $0x3;
	_ =	swait.ge [sflag:s13], $0x7D0  }
0xa9: {  	s16 =	smov.u32 s0;
	s20 =	sadd.s32 s7, s19;
	[sflag:s13] =	ssyncset.done $0x0  }
0xaa: {  	s21 =	simm.s32 $0xEA90;
	s0 =	smul.u32 $0x7D0, s20;
	[sflag:s13] =	ssyncadd.s32 $0xFFFFF830  }
0xab: {  	[spmem:s2] =	stream.indirect.scatter.add.f32 [tilespmem:s1], [sflag:$0xC], $0x8, s21, s28, $0xb8;
	[tilespmem:$0x17F00] =	vst v63  }
0xac: {  	s0 =	sshrl.u32 s0, $0x3;
	_ =	swait.ge [sflag:s14], $0x3E80  }
0xad: {  	s0 =	sadd.s32 s4, s0;
	[sflag:s14] =	ssyncset.done $0x0  }
0xae: {  	s25 =	sadd.s32 $0x1F4, s0;
	[sflag:s14] =	ssyncadd.s32 $0xFFFFC180  }
0xaf: {  	[tilespmem:s22], [sflag:$0x2] =	stream.linear.gather [hbm4b:s25+s3], $0x7D0, $0x38;
	[tilespmem:$0x17F00] =	vst v63  }
0xb0: {  	s0 =	sadd.s32 $0x61C74, s0  }
0xb1: {  	[tilespmem:s21], [sflag:$0x6] =	stream.linear.gather [hbm4b:s0+s3], $0x7D0, $0x38;
	[tilespmem:$0x17F00] =	vst v63  }
0xb2: {  	_ =	swait.ge [sflag:s9], $0x7D0  }
0xb3: {  	s15 =	sadd.s32 $0x4, s15;
	[sflag:s9] =	ssyncset.done $0x0  }
0xb4: {  	p1 =	sne.s32 s15, $0x33;
	[sflag:s9] =	ssyncadd.s32 $0xFFFFF830  }
0xb5: {  	[tilespmem:s1], [sflag:$0xA] =	stream.indirect.gather [hbm4b:s5+s28], $0x8, s24, s28, $0xb8;
	[tilespmem:$0x17F00] =	vst v63  }
.Ltmp0:
0xb6: {  	_ =	swait.ge [sflag:s6], $0x3E80;
	(pc) =	sbr.rel @p1 .LBB2_2-.Ltmp0, $4  }
0xb7: {  	[sflag:s6] =	ssyncset.done $0x0  }
0xb8: {  	[sflag:s6] =	ssyncadd.s32 $0xFFFFC180  }
0xb9: {  	s17 =	sadd.s32 $0x3E8, s17;
	_ =	swait.ge [sflag:s8], $0x7D0  }
0xba: {  	s18 =	sadd.s32 $0x3E8, s18;
	p0 =	seq.s32 s16, $0x3;
	[sflag:s8] =	ssyncset.done $0x0  }
0xbb: {  	s0 =	simm.s32 @!p0 $0xB;
	[sflag:s8] =	ssyncadd.s32 $0xFFFFF830;
	s21 =	simm.s32 $0xF260  }
0xbc: {  	[spmem:s2] =	stream.indirect.scatter.add.f32 [tilespmem:s29], [sflag:$0xB], $0x8, s21, s28, $0xb8;
	[tilespmem:$0x17F00] =	vst v63  }
0xbd: {  	_ =	swait.ge @!p0 [sflag:s0], $0x3E80  }
0xbe: {  	[sflag:s0] =	ssyncset.done @!p0 $0x0  }
0xbf: {  	s20 =	simm.s32 $0xD320;
	[sflag:s0] =	ssyncadd.s32 @!p0 $0xFFFFC180  }
0xc0: {  	[tilespmem:s20], [sflag:$0x3] =	stream.linear.gather [hbm4b:s17+s3], $0x7D0, $0x38;
	[tilespmem:$0x17F00] =	vst v63  }
0xc1: {  	_ = 	snop  }
0xc2: {  	[tilespmem:s21], [sflag:$0x7] =	stream.linear.gather [hbm4b:s18+s3], $0x7D0, $0x38;
	[tilespmem:$0x17F00] =	vst v63  }
0xc3: {  	_ =	swait.ge [sflag:s26], $0x7D0  }
0xc4: {  	[sflag:s26] =	ssyncset.done $0x0  }
0xc5: {  	s0 =	simm.s32 @!p0 $0xA;
	s18 =	simm.s32 $0xC380;
	[sflag:s26] =	ssyncadd.s32 $0xFFFFF830  }
0xc6: {  	[tilespmem:s29], [sflag:$0x9] =	stream.indirect.gather [hbm4b:s5+s28], $0x8, s18, s28, $0xb8;
	[tilespmem:$0x17F00] =	vst v63  }
0xc7: {  	_ =	swait.ge @!p0 [sflag:s0], $0x3E80  }
0xc8: {  	[sflag:s0] =	ssyncset.done @!p0 $0x0  }
0xc9: {  	[sflag:s0] =	ssyncadd.s32 @!p0 $0xFFFFC180;
	s0 =	simm.s32 @!p0 $0x8  }
0xca: {  	_ =	swait.ge @!p0 [sflag:s0], $0x7D0  }
0xcb: {  	s15 =	simm.s32 @!p0 $0xFA30;
	[sflag:s0] =	ssyncset.done @!p0 $0x0  }
0xcc: {  	s17 =	simm.s32 @!p0 $0x14080;
	[sflag:s0] =	ssyncadd.s32 @!p0 $0xFFFFF830;
	s0 =	simm.s32 @!p0 $0x7D0  }
0xcd: {  	[spmem:s2] =	stream.indirect.scatter.add.f32 @!p0 [tilespmem:s17], [sflag:$0xC], $0x8, s15, s0, $0xb8;
	[tilespmem:$0x17F00] =	vst v63  }
0xce: {  	s0 =	simm.s32 @!p0 $0xC;
	s15 =	rddreg [dreg:$0x4]  }
0xcf: {  	_ =	swait.ge @!p0 [sflag:s0], $0x3E80;
	s15 =	sadd.s32 @!p0 s16, s15  }
0xd0: {  	s17 =	rddreg [dreg:$0x3];
	s15 =	sadd.s32 @!p0 $0xFFFFFFFD, s15  }
0xd1: {  	s15 =	smov.u32 @p0 s17  }
0xd2: {  	s15 =	smul.u32 $0x7D0, s15;
	_ =	sdelay $0x1  }
0xd3: {  	s15 =	sshrl.u32 s15, $0x3  }
0xd4: {  	[sflag:s0] =	ssyncset.done @!p0 $0x0;
	s15 =	sadd.s32 s4, s15  }
0xd5: {  	s22 =	simm.s32 $0xDAF0;
	[sflag:s0] =	ssyncadd.s32 @!p0 $0xFFFFC180;
	s17 =	sadd.s32 $0x1F4, s15  }
0xd6: {  	[tilespmem:s22], [sflag:$0x4] =	stream.linear.gather [hbm4b:s17+s3], $0x7D0, $0x38;
	[tilespmem:$0x17F00] =	vst v63  }
0xd7: {  	s24 =	simm.s32 $0xFA30;
	s19 =	sadd.s32 $0x61C74, s15  }
0xd8: {  	[tilespmem:s24], [sflag:$0x8] =	stream.linear.gather [hbm4b:s19+s3], $0x7D0, $0x38;
	[tilespmem:$0x17F00] =	vst v63  }
0xd9: {  	_ =	swait.ge [sflag:s23], $0x7D0  }
0xda: {  	[sflag:s23] =	ssyncset.done $0x0  }
0xdb: {  	s19 =	simm.s32 $0xCB50;
	[sflag:s23] =	ssyncadd.s32 $0xFFFFF830  }
0xdc: {  	[tilespmem:s1], [sflag:$0xA] =	stream.indirect.gather [hbm4b:s5+s28], $0x8, s19, s28, $0xb8;
	[tilespmem:$0x17F00] =	vst v63  }
0xdd: {  	_ =	swait.ge [sflag:s6], $0x3E80  }
0xde: {  	[sflag:s6] =	ssyncset.done $0x0  }
0xdf: {  	s0 =	sadd.s32 @!p0 $0xFFFFFFFF, s16;
	[sflag:s6] =	ssyncadd.s32 $0xFFFFC180  }
0xe0: {  	s0 =	simm.s32 @p0 $0x2;
	_ =	swait.ge [sflag:s10], $0x7D0  }
0xe1: {  	s0 =	sadd.s32 s7, s0;
	[sflag:s10] =	ssyncset.done $0x0  }
0xe2: {  	s0 =	smul.u32 $0x7D0, s0;
	s17 =	simm.s32 $0xE2C0;
	[sflag:s10] =	ssyncadd.s32 $0xFFFFF830  }
0xe3: {  	[spmem:s2] =	stream.indirect.scatter.add.f32 [tilespmem:s29], [sflag:$0xB], $0x8, s17, s28, $0xb8;
	[tilespmem:$0x17F00] =	vst v63  }
0xe4: {  	s0 =	sshrl.u32 s0, $0x3;
	_ =	swait.ge [sflag:s11], $0x3E80  }
0xe5: {  	s0 =	sadd.s32 s4, s0;
	[sflag:s11] =	ssyncset.done $0x0  }
0xe6: {  	s25 =	sadd.s32 $0x1F4, s0;
	[sflag:s11] =	ssyncadd.s32 $0xFFFFC180  }
0xe7: {  	[tilespmem:s18], [sflag:$0x1] =	stream.linear.gather [hbm4b:s25+s3], $0x7D0, $0x38;
	[tilespmem:$0x17F00] =	vst v63  }
0xe8: {  	s0 =	sadd.s32 $0x61C74, s0  }
0xe9: {  	[tilespmem:s17], [sflag:$0x5] =	stream.linear.gather [hbm4b:s0+s3], $0x7D0, $0x38;
	[tilespmem:$0x17F00] =	vst v63  }
0xea: {  	_ =	swait.ge [sflag:s30], $0x7D0  }
0xeb: {  	[sflag:s30] =	ssyncset.done $0x0  }
0xec: {  	[sflag:s30] =	ssyncadd.s32 $0xFFFFF830  }
0xed: {  	[tilespmem:s29], [sflag:$0x9] =	stream.indirect.gather [hbm4b:s5+s28], $0x8, s20, s28, $0xb8;
	[tilespmem:$0x17F00] =	vst v63  }
0xee: {  	_ =	swait.ge [sflag:s12], $0x3E80  }
0xef: {  	[sflag:s12] =	ssyncset.done $0x0  }
0xf0: {  	[sflag:s12] =	ssyncadd.s32 $0xFFFFC180  }
0xf1: {  	s16 =	simm.s32 @p0 $0x3;
	_ =	swait.ge [sflag:s13], $0x7D0  }
0xf2: {  	s20 =	sadd.s32 s7, s16;
	[sflag:s13] =	ssyncset.done $0x0  }
0xf3: {  	s16 =	simm.s32 $0xEA90;
	s0 =	smul.u32 $0x7D0, s20;
	[sflag:s13] =	ssyncadd.s32 $0xFFFFF830  }
0xf4: {  	[spmem:s2] =	stream.indirect.scatter.add.f32 [tilespmem:s1], [sflag:$0xC], $0x8, s16, s28, $0xb8;
	[tilespmem:$0x17F00] =	vst v63  }
0xf5: {  	s0 =	sshrl.u32 s0, $0x3;
	_ =	swait.ge [sflag:s14], $0x3E80  }
0xf6: {  	s0 =	sadd.s32 s4, s0;
	[sflag:s14] =	ssyncset.done $0x0  }
0xf7: {  	s25 =	sadd.s32 $0x1F4, s0;
	[sflag:s14] =	ssyncadd.s32 $0xFFFFC180  }
0xf8: {  	[tilespmem:s19], [sflag:$0x2] =	stream.linear.gather [hbm4b:s25+s3], $0x7D0, $0x38;
	[tilespmem:$0x17F00] =	vst v63  }
0xf9: {  	s0 =	sadd.s32 $0x61C74, s0  }
0xfa: {  	[tilespmem:s16], [sflag:$0x6] =	stream.linear.gather [hbm4b:s0+s3], $0x7D0, $0x38;
	[tilespmem:$0x17F00] =	vst v63  }
0xfb: {  	_ =	swait.ge [sflag:s9], $0x7D0  }
0xfc: {  	[sflag:s9] =	ssyncset.done $0x0  }
0xfd: {  	[sflag:s9] =	ssyncadd.s32 $0xFFFFF830  }
0xfe: {  	[tilespmem:s1], [sflag:$0xA] =	stream.indirect.gather [hbm4b:s5+s28], $0x8, s22, s28, $0xb8;
	[tilespmem:$0x17F00] =	vst v63  }
0xff: {  	_ =	swait.ge [sflag:s6], $0x3E80  }
0x100: {  	[sflag:s6] =	ssyncset.done $0x0  }
0x101: {  	[sflag:s6] =	ssyncadd.s32 $0xFFFFC180  }
0x102: {  	_ =	swait.ge [sflag:s8], $0x7D0  }
0x103: {  	[sflag:s8] =	ssyncset.done $0x0  }
0x104: {  	[sflag:s8] =	ssyncadd.s32 $0xFFFFF830  }
0x105: {  	[spmem:s2] =	stream.indirect.scatter.add.f32 [tilespmem:s29], [sflag:$0xB], $0x8, s21, s28, $0xb8;
	[tilespmem:$0x17F00] =	vst v63  }
0x106: {  	_ =	swait.ge [sflag:s11], $0x3E80  }
0x107: {  	[sflag:s11] =	ssyncset.done $0x0  }
0x108: {  	[sflag:s11] =	ssyncadd.s32 $0xFFFFC180  }
0x109: {  	_ =	swait.ge [sflag:s26], $0x7D0  }
0x10a: {  	[sflag:s26] =	ssyncset.done $0x0  }
0x10b: {  	[sflag:s26] =	ssyncadd.s32 $0xFFFFF830  }
0x10c: {  	[tilespmem:s29], [sflag:$0x9] =	stream.indirect.gather [hbm4b:s5+s28], $0x8, s18, s28, $0xb8;
	[tilespmem:$0x17F00] =	vst v63  }
0x10d: {  	_ =	swait.ge [sflag:s12], $0x3E80  }
0x10e: {  	[sflag:s12] =	ssyncset.done $0x0  }
0x10f: {  	s20 =	simm.s32 $0x8;
	[sflag:s12] =	ssyncadd.s32 $0xFFFFC180  }
0x110: {  	_ =	swait.ge [sflag:s20], $0x7D0  }
0x111: {  	[sflag:s20] =	ssyncset.done $0x0  }
0x112: {  	[sflag:s20] =	ssyncadd.s32 $0xFFFFF830  }
0x113: {  	[spmem:s2] =	stream.indirect.scatter.add.f32 [tilespmem:s1], [sflag:$0xC], $0x8, s24, s28, $0xb8;
	[tilespmem:$0x17F00] =	vst v63  }
0x114: {  	_ =	swait.ge [sflag:s14], $0x3E80  }
0x115: {  	[sflag:s14] =	ssyncset.done $0x0  }
0x116: {  	[sflag:s14] =	ssyncadd.s32 $0xFFFFC180  }
0x117: {  	_ =	swait.ge [sflag:s23], $0x7D0  }
0x118: {  	[sflag:s23] =	ssyncset.done $0x0  }
0x119: {  	[sflag:s23] =	ssyncadd.s32 $0xFFFFF830  }
0x11a: {  	[tilespmem:s1], [sflag:$0xA] =	stream.indirect.gather [hbm4b:s5+s28], $0x8, s19, s28, $0xb8;
	[tilespmem:$0x17F00] =	vst v63  }
0x11b: {  	_ =	swait.ge [sflag:s6], $0x3E80  }
0x11c: {  	[sflag:s6] =	ssyncset.done $0x0  }
0x11d: {  	[sflag:s6] =	ssyncadd.s32 $0xFFFFC180  }
0x11e: {  	_ =	swait.ge [sflag:s10], $0x7D0  }
0x11f: {  	[sflag:s10] =	ssyncset.done $0x0  }
0x120: {  	[sflag:s10] =	ssyncadd.s32 $0xFFFFF830  }
0x121: {  	[spmem:s2] =	stream.indirect.scatter.add.f32 [tilespmem:s29], [sflag:$0xB], $0x8, s17, s28, $0xb8;
	[tilespmem:$0x17F00] =	vst v63  }
0x122: {  	_ =	swait.ge [sflag:s12], $0x3E80  }
0x123: {  	[sflag:s12] =	ssyncset.done $0x0  }
0x124: {  	[sflag:s12] =	ssyncadd.s32 $0xFFFFC180  }
0x125: {  	_ =	swait.ge [sflag:s13], $0x7D0  }
0x126: {  	[sflag:s13] =	ssyncset.done $0x0  }
0x127: {  	[sflag:s13] =	ssyncadd.s32 $0xFFFFF830  }
0x128: {  	[spmem:s2] =	stream.indirect.scatter.add.f32 [tilespmem:s1], [sflag:$0xC], $0x8, s16, s28, $0xb8;
	[tilespmem:$0x17F00] =	vst v63  }
0x129: {  	_ =	swait.ge [sflag:s11], $0x3E80  }
0x12a: {  	[sflag:s11] =	ssyncset.done $0x0  }
0x12b: {  	[sflag:s11] =	ssyncadd.s32 $0xFFFFC180  }
0x12c: {  	_ =	swait.ge [sflag:s14], $0x3E80  }
0x12d: {  	[sflag:s14] =	ssyncset.done $0x0  }
0x12e: {  	[sflag:s14] =	ssyncadd.s32 $0xFFFFC180  }
0x12f: {  	[bflag:$0x0] =	sbarrier.arrive $0xFFFF  }
0x130: {  	s15 =	rddreg [dreg:$0x6]  }
0x131: {  	s21 =	rddreg [dreg:$0xb]  }
0x132: {  	s17 =	simm.s32 $0xD;
	s16 =	rddreg [dreg:$0xf]  }
0x133: {  	[hbm:s21], [sflag:s15] =	dma.local [spmem:s16], $0x1870  }
0x134: {  	_ =	swait.ge [sflag:s17], $0x1870  }
0x135: {  	s22 =	rddreg [dreg:$0x10]  }
0x136: {  	s24 =	rddreg [dreg:$0xc];
	s18 =	sadd.s32 $0x1, s22  }
0x137: {  	p0 =	sne.s32 s18, s24  }
.Ltmp1:
0x138: {  	_ = 	snop;
	(pc) =	sbr.rel @p0 .LBB2_1-.Ltmp1, $3  }
0x139: {  	_ =	sdelay $0x1  }
0x13a: {  	[sflag:s17] =	ssyncset.done $0x0  }
0x13b: {  	s25 =	simm.s32 $0xF260;
	[sflag:s17] =	ssyncadd.s32 $0xFFFFE790  }
0x13c: {  	_ =	sfence.sel $0x180000  }
0x13d: {  	[bflag:$0x0] =	sbarrier.arrive $0xFFFF  }
0x13e: {  	_ =	strace $0x9000004A  }
0x13f: {  	s0 =	stileid.u32;
	[bflag:$0x2] =	sbarrier.arrive $0xFFFF  }
0x140: {  	p0 =	sne.s32 s0, $0x0;
	s0 =	rddreg [dreg:$0x2]  }
0x141: {  	s0 =	sadd.s32 @!p0 $0x100000, s0  }
0x142: {  	[sflag:s0] =	ssyncadd.tile.s32 @!p0 $0x1;
	_ =	shalt  }
.Lfunc_end2:
_tile_overlayer_lowered:
.L_overlay_start_2:
0x143: {  	(tag) =	ssettag $0x2  }
0x144: {  	s0 =	rddreg [dreg:$0x0];
	s2 =	stileid.u32  }
0x145: {  	s1 =	rddreg [dreg:$0x1];
	p0 =	sne.s32 s2, $0x0  }
0x146: {  	s3 =	rddreg [dreg:$0x2];
	[bflag:$0x3] =	sbarrier.arrive $0xFFFF;
	s2 =	simm.s32 @!p0 $0x1C0D  }
0x147: {  	[timem:s3], [sflag:s2] =	dma.local @!p0 [hbm:s0], s1  }
0x148: {  	s0 =	simm.s32 @!p0 $0xD  }
0x149: {  	_ =	swait.ge @!p0 [sflag:s0], s1  }
0x14a: {  	s1 =	ssub.s32 @!p0 $0x0, s1;
	[sflag:s0] =	ssyncset.done @!p0 $0x0  }
0x14b: {  	[sflag:s0] =	ssyncadd.s32 @!p0 s1  }
0x14c: {  	[bflag:$0x3] =	sbarrier.arrive $0xFFFF  }
0x14d: {  	_ =	shalt  }

</sc_bundles>
